<compile_context>
chip_gen: v7x
topology: tpu7x:2x2x1
jax: 0.10.2.dev20260603
libtpu: 0.0.44.dev20260713+nightly
codegen_flags: <defaults>
</compile_context>

<pallas_src>
import functools

import jax
import jax.numpy as jnp
from jax import lax
from jax.experimental import pallas as pl
from jax.experimental.pallas import tpu as pltpu
from jax.experimental.pallas import tpu_sc as plsc

N_ROWS = 128
N_COLS = 32768
L = 16
N_WORKERS = 32
ROWS_PER_W = N_ROWS // N_WORKERS
NVEC = N_COLS // L
CAP = 1000
U = 8


def _row_sparsemax(row_v, zero_v, cbuf, half):
    lanes = lax.iota(jnp.int32, L)
    ones_i = jnp.ones((L,), jnp.int32)
    zeros_i = jnp.zeros((L,), jnp.int32)
    sixteen_i = jnp.full((L,), L, jnp.int32)
    dump = jnp.full((L,), N_COLS, jnp.int32)
    h_off = half * CAP * L
    base_addr = lanes + h_off
    clamp = base_addr + (CAP - 1) * L

    def fuse(i, carry):
        acc, addrv, idx_base = carry
        thr = acc - 1.0
        vs = [row_v[pl.ds((i * U + u) * L, L)] for u in range(U)]
        msks = [v > thr for v in vs]
        incs = [jnp.where(k, sixteen_i, zeros_i) for k in msks]
        p = list(incs)
        for d in (1, 2, 4):
            p = [p[k] if k < d else p[k] + p[k - d] for k in range(U)]
        for u in range(U):
            a = addrv if u == 0 else addrv + p[u - 1]
            plsc.store_scatter(
                cbuf, [jnp.minimum(a, clamp)], idx_base + (u * L),
                mask=msks[u])
        t = list(vs)
        while len(t) > 1:
            t = [jnp.maximum(t[2 * k], t[2 * k + 1]) for k in range(len(t) // 2)]
        return jnp.maximum(acc, t[0]), addrv + p[U - 1], idx_base + (U * L)

    acc, addrv, _ = lax.fori_loop(
        0, NVEC // U, fuse,
        (jnp.full((L,), -jnp.inf, jnp.float32), base_addr, lanes))
    m = jnp.max(acc)
    cnt_vec = lax.shift_right_logical(addrv - base_addr, 4)
    maxc = jnp.max(jnp.minimum(cnt_vec, CAP))

    def f_eval(tau):
        def nb(j, carry):
            s_acc, c_acc, av, jv = carry
            iv = plsc.load_gather(cbuf, [av])
            cidx = jnp.where(jv < cnt_vec, iv, dump)
            a = plsc.load_gather(row_v, [cidx]) - m
            msk = a > tau
            return (s_acc + jnp.where(msk, a, 0.0),
                    c_acc + jnp.where(msk, 1.0, 0.0),
                    av + sixteen_i, jv + ones_i)

        s_vec, c_vec, _, _ = lax.fori_loop(
            0, maxc, nb,
            (jnp.zeros((L,), jnp.float32), jnp.zeros((L,), jnp.float32),
             base_addr, zeros_i))
        return jnp.sum(s_vec), jnp.sum(c_vec)

    def cond(st):
        tau_prev, tau_cur, it = st
        return (tau_cur > tau_prev) & (it < 64)

    def body(st):
        _, tau_cur, it = st
        s, c = f_eval(tau_cur)
        tau_next = (jnp.full((L,), s - 1.0) / jnp.full((L,), c))[0]
        return tau_cur, tau_next, it + 1

    tau_prev, tau_cur, _ = lax.while_loop(
        cond, body, (jnp.float32(-2.0), jnp.float32(-1.0), jnp.int32(0)))
    tau = jnp.maximum(tau_prev, tau_cur)
    return cnt_vec, maxc, m + tau


def _scatter_out(row_v, zero_v, cbuf, half, cnt_vec, maxc, th2):
    lanes = lax.iota(jnp.int32, L)
    ones_i = jnp.ones((L,), jnp.int32)
    zeros_i = jnp.zeros((L,), jnp.int32)
    sixteen_i = jnp.full((L,), L, jnp.int32)
    dump = jnp.full((L,), N_COLS, jnp.int32)
    base_addr = lanes + half * CAP * L

    def sc_body(j, carry):
        av, jv = carry
        iv = plsc.load_gather(cbuf, [av])
        cidx = jnp.where(jv < cnt_vec, iv, dump)
        p = jnp.maximum(plsc.load_gather(row_v, [cidx]) - th2, 0.0)
        plsc.store_scatter(zero_v, [cidx], p)
        return av + sixteen_i, jv + ones_i

    lax.fori_loop(0, maxc, sc_body, (base_addr, zeros_i))


def _rezero(zero_v, cbuf, cnt_vec, maxc, half):
    lanes = lax.iota(jnp.int32, L)
    ones_i = jnp.ones((L,), jnp.int32)
    zeros_i = jnp.zeros((L,), jnp.int32)
    sixteen_i = jnp.full((L,), L, jnp.int32)
    zvec = jnp.zeros((L,), jnp.float32)
    dump = jnp.full((L,), N_COLS, jnp.int32)
    base_addr = lanes + half * CAP * L

    def rz_body(j, carry):
        av, jv = carry
        iv = plsc.load_gather(cbuf, [av])
        cidx = jnp.where(jv < cnt_vec, iv, dump)
        plsc.store_scatter(zero_v, [cidx], zvec)
        return av + sixteen_i, jv + ones_i

    lax.fori_loop(0, maxc, rz_body, (base_addr, zeros_i))


def kernel(z):
    mesh = plsc.VectorSubcoreMesh(core_axis_name="c", subcore_axis_name="s")

    @functools.partial(
        pl.kernel,
        out_type=jax.ShapeDtypeStruct((N_ROWS, N_COLS), jnp.float32),
        mesh=mesh,
        scratch_types=[
            pltpu.VMEM((N_COLS + L,), jnp.float32),
            pltpu.VMEM((N_COLS + L,), jnp.float32),
            pltpu.VMEM((N_COLS + L,), jnp.float32),
            pltpu.VMEM((2 * L * CAP,), jnp.int32),
            pltpu.SemaphoreType.DMA,
            pltpu.SemaphoreType.DMA,
            pltpu.SemaphoreType.DMA,
        ],
        compiler_params=pltpu.CompilerParams(needs_layout_passes=False),
    )
    def sc_kernel(z_hbm, out_hbm, row_a, row_b, zero_v, cbuf,
                  sem_a, sem_b, sem_out):
        wid = lax.axis_index("s") * 2 + lax.axis_index("c")
        base = wid * ROWS_PER_W
        rows = [row_a, row_b]
        sems = [sem_a, sem_b]

        def in_copy(r):
            return pltpu.make_async_copy(
                z_hbm.at[base + r], rows[r % 2].at[pl.ds(0, N_COLS)],
                sems[r % 2])

        def out_copy(r):
            return pltpu.make_async_copy(
                zero_v.at[pl.ds(0, N_COLS)], out_hbm.at[base + r], sem_out)

        in_copy(0).start()
        zvec = jnp.zeros((L,), jnp.float32)

        def zb(i, carry):
            for u in range(U):
                zero_v[pl.ds((i * U + u) * L, L)] = zvec
            return carry

        lax.fori_loop(0, NVEC // U, zb, jnp.int32(0))
        zero_v[pl.ds(N_COLS, L)] = zvec
        ninf = jnp.full((L,), -jnp.inf, jnp.float32)
        row_a[pl.ds(N_COLS, L)] = ninf
        row_b[pl.ds(N_COLS, L)] = ninf

        prev = None
        for r in range(ROWS_PER_W):
            if r + 1 < ROWS_PER_W:
                in_copy(r + 1).start()
            in_copy(r).wait()
            cnt_vec, maxc, th2 = _row_sparsemax(
                rows[r % 2], zero_v, cbuf, r % 2)
            if prev is not None:
                out_copy(r - 1).wait()
                _rezero(zero_v, cbuf, *prev)
            _scatter_out(rows[r % 2], zero_v, cbuf, r % 2,
                         cnt_vec, maxc, th2)
            prev = (cnt_vec, maxc, r % 2)
            out_copy(r).start()
        out_copy(ROWS_PER_W - 1).wait()

    return sc_kernel(z)

# --- scband reference (transcript-rebuilt; emitter-appended) ---
"""Pipeline reference for scband-sparse-proj-62500364091657 (READ-ONLY COPY).

The authoritative reference and input builder live on the scoring server;
editing this copy changes nothing except your own understanding.
"""

import jax, jax.numpy as jnp
import numpy as np


def setup_inputs(seed: int = 0) -> dict:
    key = jax.random.key(seed)
    z = jax.random.normal(key, (128, 32768), dtype=jnp.float32)
    return {"z": z}


def reference(z):
    lmbd = 1.0
    num_fields = z.shape[1]
    id_range = jnp.arange(1, num_fields + 1, dtype=z.dtype)
    # descending sort along dim 1
    z_s = -jnp.sort(-z, axis=1)
    z0 = z_s[:, :1]
    z_shift = z - z0
    z_s = z_s - z0
    z_s_cumsum = jnp.cumsum(z_s, axis=1)
    taus = (z_s_cumsum - lmbd) / id_range
    k = jnp.sum(z_s > taus, axis=1, keepdims=True)
    tau = jnp.take_along_axis(taus, k - 1, axis=1)
    p_z = jax.nn.relu(z_shift - tau)
    return p_z

if __name__ == "__main__":
    import jax
    _d = setup_inputs()
    print(jax.jit(kernel)(*tuple(_d.values())))

</pallas_src>

<mosaic_0001>
#map = affine_map<(d0, d1) -> (0, 0)>
module attributes {stable_mosaic.version = 14 : i64} {
  func.func @sc_kernel(%arg0: i32, %arg1: i32, %arg2: memref<128x32768xf32, #tpu.memory_space<hbm>>, %arg3: memref<128x32768xf32, #tpu.memory_space<hbm>>, %arg4: memref<32784xf32, #tpu.memory_space<vmem>>, %arg5: memref<32784xf32, #tpu.memory_space<vmem>>, %arg6: memref<32784xf32, #tpu.memory_space<vmem>>, %arg7: memref<32000xi32, #tpu.memory_space<vmem>>, %arg8: memref<!tpu.dma_semaphore, #tpu.memory_space<semaphore_mem>>, %arg9: memref<!tpu.dma_semaphore, #tpu.memory_space<semaphore_mem>>, %arg10: memref<!tpu.dma_semaphore, #tpu.memory_space<semaphore_mem>>) attributes {dimension_semantics = [#tpu.dimension_semantics<core_parallel>, #tpu.dimension_semantics<subcore_parallel>], iteration_bounds = array<i64: 2, 16>, scalar_prefetch = 0 : i64, scratch_operands = 7 : i64, tpu.core_type = #tpu.core_type<sc_vector_subcore>, window_params = [{transform_indices = #map}, {transform_indices = #map}]} {
    %mul3A = arith.constant 2 : i32
    %mul3A_0 = arith.muli %arg1, %mul3A : i32
    %add3A = arith.addi %mul3A_0, %arg0 : i32
    %mul3A_1 = arith.constant 4 : i32
    %mul3A_2 = arith.muli %add3A, %mul3A_1 : i32
    %add3A_3 = arith.constant 0 : i32
    %add3A_4 = arith.addi %mul3A_2, %add3A_3 : i32
    %dma_start3A = arith.constant 0 : i32
    %dma_start3A_5 = tpu.memref_slice %arg4[%dma_start3A] : memref<32784xf32, #tpu.memory_space<vmem>> -> memref<32768xf32, #tpu.memory_space<vmem>>
    %dma_start3A_6 = arith.constant 0 : i32
    %dma_start3A_7 = tpu.memref_slice %arg2[%add3A_4, %dma_start3A_6] : memref<128x32768xf32, #tpu.memory_space<hbm>> -> memref<1x32768xf32, #tpu.memory_space<hbm>>
    %dma_start3A_8 = tpu.memref_squeeze %dma_start3A_7 : memref<1x32768xf32, #tpu.memory_space<hbm>> -> memref<32768xf32, #tpu.memory_space<hbm>>
    %dma_start3A_9 = arith.constant 0 : i32
    %dma_start3A_10 = tpu.memref_slice %arg4[%dma_start3A_9] : memref<32784xf32, #tpu.memory_space<vmem>> -> memref<32768xf32, #tpu.memory_space<vmem>>
    %dma_start3A_11 = arith.constant 0 : i32
    %dma_start3A_12 = tpu.memref_slice %arg2[%add3A_4, %dma_start3A_11] : memref<128x32768xf32, #tpu.memory_space<hbm>> -> memref<1x32768xf32, #tpu.memory_space<hbm>>
    %dma_start3A_13 = tpu.memref_squeeze %dma_start3A_12 : memref<1x32768xf32, #tpu.memory_space<hbm>> -> memref<32768xf32, #tpu.memory_space<hbm>>
    tpu.enqueue_dma source(%dma_start3A_13 : memref<32768xf32, #tpu.memory_space<hbm>>) target(%dma_start3A_10 : memref<32768xf32, #tpu.memory_space<vmem>>) target_semaphore(%arg8 : memref<!tpu.dma_semaphore, #tpu.memory_space<semaphore_mem>>)
    %broadcast_in_dim3A = arith.constant 0.000000e+00 : f32
    %broadcast_in_dim3A_14 = vector.broadcast %broadcast_in_dim3A : f32 to vector<16xf32>
    %scan3A = arith.constant 0 : i32
    %scan3A_15 = arith.constant 0 : i32
    %scan3A_16 = arith.constant 256 : i32
    %scan3A_17 = arith.addi %scan3A_15, %scan3A_16 : i32
    %scan3A_18 = arith.constant 1 : i32
    scf.for %scan3A_558 = %scan3A_15 to %scan3A_17 step %scan3A_18  : i32 {
      %mul3A_559 = arith.constant 8 : i32
      %mul3A_560 = arith.muli %scan3A_558, %mul3A_559 : i32
      %add3A_561 = arith.constant 0 : i32
      %add3A_562 = arith.addi %mul3A_560, %add3A_561 : i32
      %mul3A_563 = arith.constant 16 : i32
      %mul3A_564 = arith.muli %add3A_562, %mul3A_563 : i32
      %swap3A_565 = arith.index_cast %mul3A_564 : i32 to index
      %swap3A_566 = tpu.vector_load %arg6[%swap3A_565] {strides = array<i32>} : memref<32784xf32, #tpu.memory_space<vmem>>, vector<16xf32>,
      tpu.vector_store %arg6[%swap3A_565], %broadcast_in_dim3A_14 {strides = array<i32>} : memref<32784xf32, #tpu.memory_space<vmem>>, vector<16xf32>,
      %mul3A_567 = arith.constant 8 : i32
      %mul3A_568 = arith.muli %scan3A_558, %mul3A_567 : i32
      %add3A_569 = arith.constant 1 : i32
      %add3A_570 = arith.addi %mul3A_568, %add3A_569 : i32
      %mul3A_571 = arith.constant 16 : i32
      %mul3A_572 = arith.muli %add3A_570, %mul3A_571 : i32
      %swap3A_573 = arith.index_cast %mul3A_572 : i32 to index
      %swap3A_574 = tpu.vector_load %arg6[%swap3A_573] {strides = array<i32>} : memref<32784xf32, #tpu.memory_space<vmem>>, vector<16xf32>,
      tpu.vector_store %arg6[%swap3A_573], %broadcast_in_dim3A_14 {strides = array<i32>} : memref<32784xf32, #tpu.memory_space<vmem>>, vector<16xf32>,
      %mul3A_575 = arith.constant 8 : i32
      %mul3A_576 = arith.muli %scan3A_558, %mul3A_575 : i32
      %add3A_577 = arith.constant 2 : i32
      %add3A_578 = arith.addi %mul3A_576, %add3A_577 : i32
      %mul3A_579 = arith.constant 16 : i32
      %mul3A_580 = arith.muli %add3A_578, %mul3A_579 : i32
      %swap3A_581 = arith.index_cast %mul3A_580 : i32 to index
      %swap3A_582 = tpu.vector_load %arg6[%swap3A_581] {strides = array<i32>} : memref<32784xf32, #tpu.memory_space<vmem>>, vector<16xf32>,
      tpu.vector_store %arg6[%swap3A_581], %broadcast_in_dim3A_14 {strides = array<i32>} : memref<32784xf32, #tpu.memory_space<vmem>>, vector<16xf32>,
      %mul3A_583 = arith.constant 8 : i32
      %mul3A_584 = arith.muli %scan3A_558, %mul3A_583 : i32
      %add3A_585 = arith.constant 3 : i32
      %add3A_586 = arith.addi %mul3A_584, %add3A_585 : i32
      %mul3A_587 = arith.constant 16 : i32
      %mul3A_588 = arith.muli %add3A_586, %mul3A_587 : i32
      %swap3A_589 = arith.index_cast %mul3A_588 : i32 to index
      %swap3A_590 = tpu.vector_load %arg6[%swap3A_589] {strides = array<i32>} : memref<32784xf32, #tpu.memory_space<vmem>>, vector<16xf32>,
      tpu.vector_store %arg6[%swap3A_589], %broadcast_in_dim3A_14 {strides = array<i32>} : memref<32784xf32, #tpu.memory_space<vmem>>, vector<16xf32>,
      %mul3A_591 = arith.constant 8 : i32
      %mul3A_592 = arith.muli %scan3A_558, %mul3A_591 : i32
      %add3A_593 = arith.constant 4 : i32
      %add3A_594 = arith.addi %mul3A_592, %add3A_593 : i32
      %mul3A_595 = arith.constant 16 : i32
      %mul3A_596 = arith.muli %add3A_594, %mul3A_595 : i32
      %swap3A_597 = arith.index_cast %mul3A_596 : i32 to index
      %swap3A_598 = tpu.vector_load %arg6[%swap3A_597] {strides = array<i32>} : memref<32784xf32, #tpu.memory_space<vmem>>, vector<16xf32>,
      tpu.vector_store %arg6[%swap3A_597], %broadcast_in_dim3A_14 {strides = array<i32>} : memref<32784xf32, #tpu.memory_space<vmem>>, vector<16xf32>,
      %mul3A_599 = arith.constant 8 : i32
      %mul3A_600 = arith.muli %scan3A_558, %mul3A_599 : i32
      %add3A_601 = arith.constant 5 : i32
      %add3A_602 = arith.addi %mul3A_600, %add3A_601 : i32
      %mul3A_603 = arith.constant 16 : i32
      %mul3A_604 = arith.muli %add3A_602, %mul3A_603 : i32
      %swap3A_605 = arith.index_cast %mul3A_604 : i32 to index
      %swap3A_606 = tpu.vector_load %arg6[%swap3A_605] {strides = array<i32>} : memref<32784xf32, #tpu.memory_space<vmem>>, vector<16xf32>,
      tpu.vector_store %arg6[%swap3A_605], %broadcast_in_dim3A_14 {strides = array<i32>} : memref<32784xf32, #tpu.memory_space<vmem>>, vector<16xf32>,
      %mul3A_607 = arith.constant 8 : i32
      %mul3A_608 = arith.muli %scan3A_558, %mul3A_607 : i32
      %add3A_609 = arith.constant 6 : i32
      %add3A_610 = arith.addi %mul3A_608, %add3A_609 : i32
      %mul3A_611 = arith.constant 16 : i32
      %mul3A_612 = arith.muli %add3A_610, %mul3A_611 : i32
      %swap3A_613 = arith.index_cast %mul3A_612 : i32 to index
      %swap3A_614 = tpu.vector_load %arg6[%swap3A_613] {strides = array<i32>} : memref<32784xf32, #tpu.memory_space<vmem>>, vector<16xf32>,
      tpu.vector_store %arg6[%swap3A_613], %broadcast_in_dim3A_14 {strides = array<i32>} : memref<32784xf32, #tpu.memory_space<vmem>>, vector<16xf32>,
      %mul3A_615 = arith.constant 8 : i32
      %mul3A_616 = arith.muli %scan3A_558, %mul3A_615 : i32
      %add3A_617 = arith.constant 7 : i32
      %add3A_618 = arith.addi %mul3A_616, %add3A_617 : i32
      %mul3A_619 = arith.constant 16 : i32
      %mul3A_620 = arith.muli %add3A_618, %mul3A_619 : i32
      %swap3A_621 = arith.index_cast %mul3A_620 : i32 to index
      %swap3A_622 = tpu.vector_load %arg6[%swap3A_621] {strides = array<i32>} : memref<32784xf32, #tpu.memory_space<vmem>>, vector<16xf32>,
      tpu.vector_store %arg6[%swap3A_621], %broadcast_in_dim3A_14 {strides = array<i32>} : memref<32784xf32, #tpu.memory_space<vmem>>, vector<16xf32>,
    }
    %scan3A_19 = arith.constant 256 : i32
    %swap3A = arith.constant 32768 : index
    %swap3A_20 = tpu.vector_load %arg6[%swap3A] {strides = array<i32>} : memref<32784xf32, #tpu.memory_space<vmem>>, vector<16xf32>,
    tpu.vector_store %arg6[%swap3A], %broadcast_in_dim3A_14 {strides = array<i32>} : memref<32784xf32, #tpu.memory_space<vmem>>, vector<16xf32>,
    %broadcast_in_dim3A_21 = arith.constant 0xFF800000 : f32
    %broadcast_in_dim3A_22 = vector.broadcast %broadcast_in_dim3A_21 : f32 to vector<16xf32>
    %swap3A_23 = arith.constant 32768 : index
    %swap3A_24 = tpu.vector_load %arg4[%swap3A_23] {strides = array<i32>} : memref<32784xf32, #tpu.memory_space<vmem>>, vector<16xf32>,
    tpu.vector_store %arg4[%swap3A_23], %broadcast_in_dim3A_22 {strides = array<i32>} : memref<32784xf32, #tpu.memory_space<vmem>>, vector<16xf32>,
    %swap3A_25 = arith.constant 32768 : index
    %swap3A_26 = tpu.vector_load %arg5[%swap3A_25] {strides = array<i32>} : memref<32784xf32, #tpu.memory_space<vmem>>, vector<16xf32>,
    tpu.vector_store %arg5[%swap3A_25], %broadcast_in_dim3A_22 {strides = array<i32>} : memref<32784xf32, #tpu.memory_space<vmem>>, vector<16xf32>,
    %add3A_27 = arith.constant 1 : i32
    %add3A_28 = arith.addi %mul3A_2, %add3A_27 : i32
    %dma_start3A_29 = arith.constant 0 : i32
    %dma_start3A_30 = tpu.memref_slice %arg5[%dma_start3A_29] : memref<32784xf32, #tpu.memory_space<vmem>> -> memref<32768xf32, #tpu.memory_space<vmem>>
    %dma_start3A_31 = arith.constant 0 : i32
    %dma_start3A_32 = tpu.memref_slice %arg2[%add3A_28, %dma_start3A_31] : memref<128x32768xf32, #tpu.memory_space<hbm>> -> memref<1x32768xf32, #tpu.memory_space<hbm>>
    %dma_start3A_33 = tpu.memref_squeeze %dma_start3A_32 : memref<1x32768xf32, #tpu.memory_space<hbm>> -> memref<32768xf32, #tpu.memory_space<hbm>>
    %dma_start3A_34 = arith.constant 0 : i32
    %dma_start3A_35 = tpu.memref_slice %arg5[%dma_start3A_34] : memref<32784xf32, #tpu.memory_space<vmem>> -> memref<32768xf32, #tpu.memory_space<vmem>>
    %dma_start3A_36 = arith.constant 0 : i32
    %dma_start3A_37 = tpu.memref_slice %arg2[%add3A_28, %dma_start3A_36] : memref<128x32768xf32, #tpu.memory_space<hbm>> -> memref<1x32768xf32, #tpu.memory_space<hbm>>
    %dma_start3A_38 = tpu.memref_squeeze %dma_start3A_37 : memref<1x32768xf32, #tpu.memory_space<hbm>> -> memref<32768xf32, #tpu.memory_space<hbm>>
    tpu.enqueue_dma source(%dma_start3A_38 : memref<32768xf32, #tpu.memory_space<hbm>>) target(%dma_start3A_35 : memref<32768xf32, #tpu.memory_space<vmem>>) target_semaphore(%arg9 : memref<!tpu.dma_semaphore, #tpu.memory_space<semaphore_mem>>)
    %add3A_39 = arith.constant 0 : i32
    %add3A_40 = arith.addi %mul3A_2, %add3A_39 : i32
    %dma_wait3A = arith.constant 0 : i32
    %dma_wait3A_41 = tpu.memref_slice %arg4[%dma_wait3A] : memref<32784xf32, #tpu.memory_space<vmem>> -> memref<32768xf32, #tpu.memory_space<vmem>>
    %dma_wait3A_42 = arith.constant 0 : i32
    %dma_wait3A_43 = tpu.memref_slice %arg2[%add3A_40, %dma_wait3A_42] : memref<128x32768xf32, #tpu.memory_space<hbm>> -> memref<1x32768xf32, #tpu.memory_space<hbm>>
    %dma_wait3A_44 = tpu.memref_squeeze %dma_wait3A_43 : memref<1x32768xf32, #tpu.memory_space<hbm>> -> memref<32768xf32, #tpu.memory_space<hbm>>
    %dma_wait3A_45 = arith.constant 0 : i32
    %dma_wait3A_46 = tpu.memref_slice %arg4[%dma_wait3A_45] : memref<32784xf32, #tpu.memory_space<vmem>> -> memref<32768xf32, #tpu.memory_space<vmem>>
    %dma_wait3A_47 = arith.constant 0 : i32
    %dma_wait3A_48 = tpu.memref_slice %arg2[%add3A_40, %dma_wait3A_47] : memref<128x32768xf32, #tpu.memory_space<hbm>> -> memref<1x32768xf32, #tpu.memory_space<hbm>>
    %dma_wait3A_49 = tpu.memref_squeeze %dma_wait3A_48 : memref<1x32768xf32, #tpu.memory_space<hbm>> -> memref<32768xf32, #tpu.memory_space<hbm>>
    tpu.wait_dma2 semaphore(%arg8 : memref<!tpu.dma_semaphore, #tpu.memory_space<semaphore_mem>>) src(%dma_wait3A_49 : memref<32768xf32, #tpu.memory_space<hbm>>) dst(%dma_wait3A_46 : memref<32768xf32, #tpu.memory_space<vmem>>)
    %iota3A = tpu.iota {dimensions = array<i32: 0>} : vector<16xi32>
    %broadcast_in_dim3A_50 = arith.constant 1 : i32
    %broadcast_in_dim3A_51 = vector.broadcast %broadcast_in_dim3A_50 : i32 to vector<16xi32>
    %broadcast_in_dim3A_52 = arith.constant 0 : i32
    %broadcast_in_dim3A_53 = vector.broadcast %broadcast_in_dim3A_52 : i32 to vector<16xi32>
    %broadcast_in_dim3A_54 = arith.constant 16 : i32
    %broadcast_in_dim3A_55 = vector.broadcast %broadcast_in_dim3A_54 : i32 to vector<16xi32>
    %broadcast_in_dim3A_56 = arith.constant 32768 : i32
    %broadcast_in_dim3A_57 = vector.broadcast %broadcast_in_dim3A_56 : i32 to vector<16xi32>
    %add3A_58 = arith.constant 0 : i32
    %add3A_59 = vector.broadcast %add3A_58 : i32 to vector<16xi32>
    %add3A_60 = arith.addi %iota3A, %add3A_59 : vector<16xi32>
    %add3A_61 = arith.constant 15984 : i32
    %add3A_62 = vector.broadcast %add3A_61 : i32 to vector<16xi32>
    %add3A_63 = arith.addi %add3A_60, %add3A_62 : vector<16xi32>
    %broadcast_in_dim3A_64 = arith.constant 0xFF800000 : f32
    %broadcast_in_dim3A_65 = vector.broadcast %broadcast_in_dim3A_64 : f32 to vector<16xf32>
    %scan3A_66 = arith.constant 0 : i32
    %scan3A_67 = arith.constant 256 : i32
    %scan3A_68 = arith.addi %scan3A_66, %scan3A_67 : i32
    %scan3A_69 = arith.constant 1 : i32
    %scan3A_70:3 = scf.for %scan3A_558 = %scan3A_66 to %scan3A_68 step %scan3A_69 iter_args(%scan3A_559 = %broadcast_in_dim3A_65, %scan3A_560 = %add3A_60, %scan3A_561 = %iota3A) -> (vector<16xf32>, vector<16xi32>, vector<16xi32>)  : i32 {
      %sub3A_562 = arith.constant 1.000000e+00 : f32
      %sub3A_563 = vector.broadcast %sub3A_562 : f32 to vector<16xf32>
      %sub3A_564 = arith.subf %scan3A_559, %sub3A_563 : vector<16xf32>
      %mul3A_565 = arith.constant 8 : i32
      %mul3A_566 = arith.muli %scan3A_558, %mul3A_565 : i32
      %add3A_567 = arith.constant 0 : i32
      %add3A_568 = arith.addi %mul3A_566, %add3A_567 : i32
      %mul3A_569 = arith.constant 16 : i32
      %mul3A_570 = arith.muli %add3A_568, %mul3A_569 : i32
      %get3A = arith.index_cast %mul3A_570 : i32 to index
      %get3A_571 = tpu.vector_load %arg4[%get3A] {strides = array<i32>} : memref<32784xf32, #tpu.memory_space<vmem>>, vector<16xf32>,
      %mul3A_572 = arith.constant 8 : i32
      %mul3A_573 = arith.muli %scan3A_558, %mul3A_572 : i32
      %add3A_574 = arith.constant 1 : i32
      %add3A_575 = arith.addi %mul3A_573, %add3A_574 : i32
      %mul3A_576 = arith.constant 16 : i32
      %mul3A_577 = arith.muli %add3A_575, %mul3A_576 : i32
      %get3A_578 = arith.index_cast %mul3A_577 : i32 to index
      %get3A_579 = tpu.vector_load %arg4[%get3A_578] {strides = array<i32>} : memref<32784xf32, #tpu.memory_space<vmem>>, vector<16xf32>,
      %mul3A_580 = arith.constant 8 : i32
      %mul3A_581 = arith.muli %scan3A_558, %mul3A_580 : i32
      %add3A_582 = arith.constant 2 : i32
      %add3A_583 = arith.addi %mul3A_581, %add3A_582 : i32
      %mul3A_584 = arith.constant 16 : i32
      %mul3A_585 = arith.muli %add3A_583, %mul3A_584 : i32
      %get3A_586 = arith.index_cast %mul3A_585 : i32 to index
      %get3A_587 = tpu.vector_load %arg4[%get3A_586] {strides = array<i32>} : memref<32784xf32, #tpu.memory_space<vmem>>, vector<16xf32>,
      %mul3A_588 = arith.constant 8 : i32
      %mul3A_589 = arith.muli %scan3A_558, %mul3A_588 : i32
      %add3A_590 = arith.constant 3 : i32
      %add3A_591 = arith.addi %mul3A_589, %add3A_590 : i32
      %mul3A_592 = arith.constant 16 : i32
      %mul3A_593 = arith.muli %add3A_591, %mul3A_592 : i32
      %get3A_594 = arith.index_cast %mul3A_593 : i32 to index
      %get3A_595 = tpu.vector_load %arg4[%get3A_594] {strides = array<i32>} : memref<32784xf32, #tpu.memory_space<vmem>>, vector<16xf32>,
      %mul3A_596 = arith.constant 8 : i32
      %mul3A_597 = arith.muli %scan3A_558, %mul3A_596 : i32
      %add3A_598 = arith.constant 4 : i32
      %add3A_599 = arith.addi %mul3A_597, %add3A_598 : i32
      %mul3A_600 = arith.constant 16 : i32
      %mul3A_601 = arith.muli %add3A_599, %mul3A_600 : i32
      %get3A_602 = arith.index_cast %mul3A_601 : i32 to index
      %get3A_603 = tpu.vector_load %arg4[%get3A_602] {strides = array<i32>} : memref<32784xf32, #tpu.memory_space<vmem>>, vector<16xf32>,
      %mul3A_604 = arith.constant 8 : i32
      %mul3A_605 = arith.muli %scan3A_558, %mul3A_604 : i32
      %add3A_606 = arith.constant 5 : i32
      %add3A_607 = arith.addi %mul3A_605, %add3A_606 : i32
      %mul3A_608 = arith.constant 16 : i32
      %mul3A_609 = arith.muli %add3A_607, %mul3A_608 : i32
      %get3A_610 = arith.index_cast %mul3A_609 : i32 to index
      %get3A_611 = tpu.vector_load %arg4[%get3A_610] {strides = array<i32>} : memref<32784xf32, #tpu.memory_space<vmem>>, vector<16xf32>,
      %mul3A_612 = arith.constant 8 : i32
      %mul3A_613 = arith.muli %scan3A_558, %mul3A_612 : i32
      %add3A_614 = arith.constant 6 : i32
      %add3A_615 = arith.addi %mul3A_613, %add3A_614 : i32
      %mul3A_616 = arith.constant 16 : i32
      %mul3A_617 = arith.muli %add3A_615, %mul3A_616 : i32
      %get3A_618 = arith.index_cast %mul3A_617 : i32 to index
      %get3A_619 = tpu.vector_load %arg4[%get3A_618] {strides = array<i32>} : memref<32784xf32, #tpu.memory_space<vmem>>, vector<16xf32>,
      %mul3A_620 = arith.constant 8 : i32
      %mul3A_621 = arith.muli %scan3A_558, %mul3A_620 : i32
      %add3A_622 = arith.constant 7 : i32
      %add3A_623 = arith.addi %mul3A_621, %add3A_622 : i32
      %mul3A_624 = arith.constant 16 : i32
      %mul3A_625 = arith.muli %add3A_623, %mul3A_624 : i32
      %get3A_626 = arith.index_cast %mul3A_625 : i32 to index
      %get3A_627 = tpu.vector_load %arg4[%get3A_626] {strides = array<i32>} : memref<32784xf32, #tpu.memory_space<vmem>>, vector<16xf32>,
      %gt3A = arith.cmpf ogt, %get3A_571, %sub3A_564 : vector<16xf32>
      %gt3A_628 = arith.cmpf ogt, %get3A_579, %sub3A_564 : vector<16xf32>
      %gt3A_629 = arith.cmpf ogt, %get3A_587, %sub3A_564 : vector<16xf32>
      %gt3A_630 = arith.cmpf ogt, %get3A_595, %sub3A_564 : vector<16xf32>
      %gt3A_631 = arith.cmpf ogt, %get3A_603, %sub3A_564 : vector<16xf32>
      %gt3A_632 = arith.cmpf ogt, %get3A_611, %sub3A_564 : vector<16xf32>
      %gt3A_633 = arith.cmpf ogt, %get3A_619, %sub3A_564 : vector<16xf32>
      %gt3A_634 = arith.cmpf ogt, %get3A_627, %sub3A_564 : vector<16xf32>
      %select_n3A = arith.select %gt3A, %broadcast_in_dim3A_55, %broadcast_in_dim3A_53 : vector<16xi1>, vector<16xi32>
      %select_n3A_635 = arith.select %gt3A_628, %broadcast_in_dim3A_55, %broadcast_in_dim3A_53 : vector<16xi1>, vector<16xi32>
      %select_n3A_636 = arith.select %gt3A_629, %broadcast_in_dim3A_55, %broadcast_in_dim3A_53 : vector<16xi1>, vector<16xi32>
      %select_n3A_637 = arith.select %gt3A_630, %broadcast_in_dim3A_55, %broadcast_in_dim3A_53 : vector<16xi1>, vector<16xi32>
      %select_n3A_638 = arith.select %gt3A_631, %broadcast_in_dim3A_55, %broadcast_in_dim3A_53 : vector<16xi1>, vector<16xi32>
      %select_n3A_639 = arith.select %gt3A_632, %broadcast_in_dim3A_55, %broadcast_in_dim3A_53 : vector<16xi1>, vector<16xi32>
      %select_n3A_640 = arith.select %gt3A_633, %broadcast_in_dim3A_55, %broadcast_in_dim3A_53 : vector<16xi1>, vector<16xi32>
      %select_n3A_641 = arith.select %gt3A_634, %broadcast_in_dim3A_55, %broadcast_in_dim3A_53 : vector<16xi1>, vector<16xi32>
      %add3A_642 = arith.addi %select_n3A_635, %select_n3A : vector<16xi32>
      %add3A_643 = arith.addi %select_n3A_636, %select_n3A_635 : vector<16xi32>
      %add3A_644 = arith.addi %select_n3A_637, %select_n3A_636 : vector<16xi32>
      %add3A_645 = arith.addi %select_n3A_638, %select_n3A_637 : vector<16xi32>
      %add3A_646 = arith.addi %select_n3A_639, %select_n3A_638 : vector<16xi32>
      %add3A_647 = arith.addi %select_n3A_640, %select_n3A_639 : vector<16xi32>
      %add3A_648 = arith.addi %select_n3A_641, %select_n3A_640 : vector<16xi32>
      %add3A_649 = arith.addi %add3A_643, %select_n3A : vector<16xi32>
      %add3A_650 = arith.addi %add3A_644, %add3A_642 : vector<16xi32>
      %add3A_651 = arith.addi %add3A_645, %add3A_643 : vector<16xi32>
      %add3A_652 = arith.addi %add3A_646, %add3A_644 : vector<16xi32>
      %add3A_653 = arith.addi %add3A_647, %add3A_645 : vector<16xi32>
      %add3A_654 = arith.addi %add3A_648, %add3A_646 : vector<16xi32>
      %add3A_655 = arith.addi %add3A_651, %select_n3A : vector<16xi32>
      %add3A_656 = arith.addi %add3A_652, %add3A_642 : vector<16xi32>
      %add3A_657 = arith.addi %add3A_653, %add3A_649 : vector<16xi32>
      %add3A_658 = arith.addi %add3A_654, %add3A_650 : vector<16xi32>
      %min3A_659 = arith.minsi %scan3A_560, %add3A_63 : vector<16xi32>
      %add3A_660 = arith.constant 0 : i32
      %add3A_661 = vector.broadcast %add3A_660 : i32 to vector<16xi32>
      %add3A_662 = arith.addi %scan3A_561, %add3A_661 : vector<16xi32>
      tpu.vector_store_idx %arg7[%min3A_659], %add3A_662 masked %gt3A : memref<32000xi32, #tpu.memory_space<vmem>>[vector<16xi32>], vector<16xi32>, vector<16xi1>
      %add3A_663 = arith.addi %scan3A_560, %select_n3A : vector<16xi32>
      %min3A_664 = arith.minsi %add3A_663, %add3A_63 : vector<16xi32>
      %add3A_665 = arith.constant 16 : i32
      %add3A_666 = vector.broadcast %add3A_665 : i32 to vector<16xi32>
      %add3A_667 = arith.addi %scan3A_561, %add3A_666 : vector<16xi32>
      tpu.vector_store_idx %arg7[%min3A_664], %add3A_667 masked %gt3A_628 : memref<32000xi32, #tpu.memory_space<vmem>>[vector<16xi32>], vector<16xi32>, vector<16xi1>
      %add3A_668 = arith.addi %scan3A_560, %add3A_642 : vector<16xi32>
      %min3A_669 = arith.minsi %add3A_668, %add3A_63 : vector<16xi32>
      %add3A_670 = arith.constant 32 : i32
      %add3A_671 = vector.broadcast %add3A_670 : i32 to vector<16xi32>
      %add3A_672 = arith.addi %scan3A_561, %add3A_671 : vector<16xi32>
      tpu.vector_store_idx %arg7[%min3A_669], %add3A_672 masked %gt3A_629 : memref<32000xi32, #tpu.memory_space<vmem>>[vector<16xi32>], vector<16xi32>, vector<16xi1>
      %add3A_673 = arith.addi %scan3A_560, %add3A_649 : vector<16xi32>
      %min3A_674 = arith.minsi %add3A_673, %add3A_63 : vector<16xi32>
      %add3A_675 = arith.constant 48 : i32
      %add3A_676 = vector.broadcast %add3A_675 : i32 to vector<16xi32>
      %add3A_677 = arith.addi %scan3A_561, %add3A_676 : vector<16xi32>
      tpu.vector_store_idx %arg7[%min3A_674], %add3A_677 masked %gt3A_630 : memref<32000xi32, #tpu.memory_space<vmem>>[vector<16xi32>], vector<16xi32>, vector<16xi1>
      %add3A_678 = arith.addi %scan3A_560, %add3A_650 : vector<16xi32>
      %min3A_679 = arith.minsi %add3A_678, %add3A_63 : vector<16xi32>
      %add3A_680 = arith.constant 64 : i32
      %add3A_681 = vector.broadcast %add3A_680 : i32 to vector<16xi32>
      %add3A_682 = arith.addi %scan3A_561, %add3A_681 : vector<16xi32>
      tpu.vector_store_idx %arg7[%min3A_679], %add3A_682 masked %gt3A_631 : memref<32000xi32, #tpu.memory_space<vmem>>[vector<16xi32>], vector<16xi32>, vector<16xi1>
      %add3A_683 = arith.addi %scan3A_560, %add3A_655 : vector<16xi32>
      %min3A_684 = arith.minsi %add3A_683, %add3A_63 : vector<16xi32>
      %add3A_685 = arith.constant 80 : i32
      %add3A_686 = vector.broadcast %add3A_685 : i32 to vector<16xi32>
      %add3A_687 = arith.addi %scan3A_561, %add3A_686 : vector<16xi32>
      tpu.vector_store_idx %arg7[%min3A_684], %add3A_687 masked %gt3A_632 : memref<32000xi32, #tpu.memory_space<vmem>>[vector<16xi32>], vector<16xi32>, vector<16xi1>
      %add3A_688 = arith.addi %scan3A_560, %add3A_656 : vector<16xi32>
      %min3A_689 = arith.minsi %add3A_688, %add3A_63 : vector<16xi32>
      %add3A_690 = arith.constant 96 : i32
      %add3A_691 = vector.broadcast %add3A_690 : i32 to vector<16xi32>
      %add3A_692 = arith.addi %scan3A_561, %add3A_691 : vector<16xi32>
      tpu.vector_store_idx %arg7[%min3A_689], %add3A_692 masked %gt3A_633 : memref<32000xi32, #tpu.memory_space<vmem>>[vector<16xi32>], vector<16xi32>, vector<16xi1>
      %add3A_693 = arith.addi %scan3A_560, %add3A_657 : vector<16xi32>
      %min3A_694 = arith.minsi %add3A_693, %add3A_63 : vector<16xi32>
      %add3A_695 = arith.constant 112 : i32
      %add3A_696 = vector.broadcast %add3A_695 : i32 to vector<16xi32>
      %add3A_697 = arith.addi %scan3A_561, %add3A_696 : vector<16xi32>
      tpu.vector_store_idx %arg7[%min3A_694], %add3A_697 masked %gt3A_634 : memref<32000xi32, #tpu.memory_space<vmem>>[vector<16xi32>], vector<16xi32>, vector<16xi1>
      %max3A_698 = arith.maximumf %get3A_571, %get3A_579 : vector<16xf32>
      %max3A_699 = arith.maximumf %get3A_587, %get3A_595 : vector<16xf32>
      %max3A_700 = arith.maximumf %get3A_603, %get3A_611 : vector<16xf32>
      %max3A_701 = arith.maximumf %get3A_619, %get3A_627 : vector<16xf32>
      %max3A_702 = arith.maximumf %max3A_698, %max3A_699 : vector<16xf32>
      %max3A_703 = arith.maximumf %max3A_700, %max3A_701 : vector<16xf32>
      %max3A_704 = arith.maximumf %max3A_702, %max3A_703 : vector<16xf32>
      %max3A_705 = arith.maximumf %scan3A_559, %max3A_704 : vector<16xf32>
      %add3A_706 = arith.addi %scan3A_560, %add3A_658 : vector<16xi32>
      %add3A_707 = arith.constant 128 : i32
      %add3A_708 = vector.broadcast %add3A_707 : i32 to vector<16xi32>
      %add3A_709 = arith.addi %scan3A_561, %add3A_708 : vector<16xi32>
      scf.yield %max3A_705, %add3A_706, %add3A_709 : vector<16xf32>, vector<16xi32>, vector<16xi32>
    }
    %scan3A_71 = arith.constant 256 : i32
    %reduce_max3A = arith.constant true
    %reduce_max3A_72 = vector.broadcast %reduce_max3A : i1 to vector<16xi1>
    %reduce_max3A_73 = tpu.scan <max>, %scan3A_70#0 masked %reduce_max3A_72 : vector<16xf32>, vector<16xi1> -> vector<16xf32>
    %reduce_max3A_74 = vector.extract %reduce_max3A_73[15] : f32 from vector<16xf32>
    %sub3A = arith.subi %scan3A_70#1, %add3A_60 : vector<16xi32>
    %shift_right_logical3A = arith.constant 4 : i32
    %shift_right_logical3A_75 = vector.broadcast %shift_right_logical3A : i32 to vector<16xi32>
    %shift_right_logical3A_76 = arith.shrui %sub3A, %shift_right_logical3A_75 : vector<16xi32>
    %min3A = arith.constant 1000 : i32
    %min3A_77 = vector.broadcast %min3A : i32 to vector<16xi32>
    %min3A_78 = arith.minsi %shift_right_logical3A_76, %min3A_77 : vector<16xi32>
    %reduce_max3A_79 = arith.constant true
    %reduce_max3A_80 = vector.broadcast %reduce_max3A_79 : i1 to vector<16xi1>
    %reduce_max3A_81 = arith.constant -2147483648 : i32
    %reduce_max3A_82 = vector.broadcast %reduce_max3A_81 : i32 to vector<16xi32>
    %reduce_max3A_83 = arith.xori %min3A_78, %reduce_max3A_82 : vector<16xi32>
    %reduce_max3A_84 = tpu.scan <max>, %reduce_max3A_83 masked %reduce_max3A_80 : vector<16xi32>, vector<16xi1> -> vector<16xi32>
    %reduce_max3A_85 = arith.xori %reduce_max3A_84, %reduce_max3A_82 : vector<16xi32>
    %reduce_max3A_86 = vector.extract %reduce_max3A_85[15] : i32 from vector<16xi32>
    %while3A = arith.constant -2.000000e+00 : f32
    %while3A_87 = arith.constant -1.000000e+00 : f32
    %while3A_88 = arith.constant 0 : i32
    %while3A_89:3 = scf.while (%while3A_558 = %while3A, %while3A_559 = %while3A_87, %while3A_560 = %while3A_88) : (f32, f32, i32) -> (f32, f32, i32) {
      %gt3A = arith.cmpf ogt, %while3A_559, %while3A_558 : f32
      %lt3A = arith.constant 64 : i32
      %lt3A_561 = arith.cmpi slt, %while3A_560, %lt3A : i32
      %and3A = arith.andi %gt3A, %lt3A_561 : i1
      scf.condition(%and3A) %while3A_558, %while3A_559, %while3A_560 : f32, f32, i32
    } do {
    ^bb0(%while3A_558: f32, %while3A_559: f32, %while3A_560: i32):
      %broadcast_in_dim3A_561 = arith.constant 0.000000e+00 : f32
      %broadcast_in_dim3A_562 = vector.broadcast %broadcast_in_dim3A_561 : f32 to vector<16xf32>
      %broadcast_in_dim3A_563 = arith.constant 0.000000e+00 : f32
      %broadcast_in_dim3A_564 = vector.broadcast %broadcast_in_dim3A_563 : f32 to vector<16xf32>
      %while3A_565 = arith.constant 0 : i32
      %while3A_566 = arith.subi %reduce_max3A_86, %while3A_565 : i32
      %while3A_567 = arith.addi %while3A_565, %while3A_566 : i32
      %while3A_568 = arith.constant 1 : i32
      %while3A_569 = arith.divsi %while3A_566, %while3A_568 : i32
      %while3A_570 = arith.muli %while3A_569, %while3A_568 : i32
      %while3A_571 = arith.addi %while3A_565, %while3A_570 : i32
      %while3A_572 = arith.constant 1 : i32
      %while3A_573:4 = scf.for %while3A_589 = %while3A_565 to %while3A_571 step %while3A_572 iter_args(%while3A_590 = %broadcast_in_dim3A_562, %while3A_591 = %broadcast_in_dim3A_564, %while3A_592 = %add3A_60, %while3A_593 = %broadcast_in_dim3A_53) -> (vector<16xf32>, vector<16xf32>, vector<16xi32>, vector<16xi32>)  : i32 {
        %gather3A = tpu.vector_load_idx %arg7[%while3A_592] : memref<32000xi32, #tpu.memory_space<vmem>>[vector<16xi32>], vector<16xi32>,
        %lt3A = arith.cmpi slt, %while3A_593, %shift_right_logical3A_76 : vector<16xi32>
        %select_n3A = arith.select %lt3A, %gather3A, %broadcast_in_dim3A_57 : vector<16xi1>, vector<16xi32>
        %gather3A_594 = tpu.vector_load_idx %arg4[%select_n3A] : memref<32784xf32, #tpu.memory_space<vmem>>[vector<16xi32>], vector<16xf32>,
        %sub3A_595 = vector.broadcast %reduce_max3A_74 : f32 to vector<16xf32>
        %sub3A_596 = arith.subf %gather3A_594, %sub3A_595 : vector<16xf32>
        %gt3A = vector.broadcast %while3A_559 : f32 to vector<16xf32>
        %gt3A_597 = arith.cmpf ogt, %sub3A_596, %gt3A : vector<16xf32>
        %jit3A = arith.constant 0.000000e+00 : f32
        %broadcast_in_dim3A_598 = vector.broadcast %jit3A : f32 to vector<16xf32>
        %select_n3A_599 = arith.select %gt3A_597, %sub3A_596, %broadcast_in_dim3A_598 : vector<16xi1>, vector<16xf32>
        %add3A_600 = arith.addf %while3A_590, %select_n3A_599 : vector<16xf32>
        %jit3A_601 = arith.constant 1.000000e+00 : f32
        %jit3A_602 = arith.constant 0.000000e+00 : f32
        %broadcast_in_dim3A_603 = vector.broadcast %jit3A_601 : f32 to vector<16xf32>
        %broadcast_in_dim3A_604 = vector.broadcast %jit3A_602 : f32 to vector<16xf32>
        %select_n3A_605 = arith.select %gt3A_597, %broadcast_in_dim3A_603, %broadcast_in_dim3A_604 : vector<16xi1>, vector<16xf32>
        %add3A_606 = arith.addf %while3A_591, %select_n3A_605 : vector<16xf32>
        %add3A_607 = arith.addi %while3A_592, %broadcast_in_dim3A_55 : vector<16xi32>
        %add3A_608 = arith.addi %while3A_593, %broadcast_in_dim3A_51 : vector<16xi32>
        scf.yield %add3A_600, %add3A_606, %add3A_607, %add3A_608 : vector<16xf32>, vector<16xf32>, vector<16xi32>, vector<16xi32>
      }
      %while3A_574 = arith.constant 1 : i32
      %while3A_575:4 = scf.for %while3A_589 = %while3A_571 to %while3A_567 step %while3A_574 iter_args(%while3A_590 = %while3A_573#0, %while3A_591 = %while3A_573#1, %while3A_592 = %while3A_573#2, %while3A_593 = %while3A_573#3) -> (vector<16xf32>, vector<16xf32>, vector<16xi32>, vector<16xi32>)  : i32 {
        %gather3A = tpu.vector_load_idx %arg7[%while3A_592] : memref<32000xi32, #tpu.memory_space<vmem>>[vector<16xi32>], vector<16xi32>,
        %lt3A = arith.cmpi slt, %while3A_593, %shift_right_logical3A_76 : vector<16xi32>
        %select_n3A = arith.select %lt3A, %gather3A, %broadcast_in_dim3A_57 : vector<16xi1>, vector<16xi32>
        %gather3A_594 = tpu.vector_load_idx %arg4[%select_n3A] : memref<32784xf32, #tpu.memory_space<vmem>>[vector<16xi32>], vector<16xf32>,
        %sub3A_595 = vector.broadcast %reduce_max3A_74 : f32 to vector<16xf32>
        %sub3A_596 = arith.subf %gather3A_594, %sub3A_595 : vector<16xf32>
        %gt3A = vector.broadcast %while3A_559 : f32 to vector<16xf32>
        %gt3A_597 = arith.cmpf ogt, %sub3A_596, %gt3A : vector<16xf32>
        %jit3A = arith.constant 0.000000e+00 : f32
        %broadcast_in_dim3A_598 = vector.broadcast %jit3A : f32 to vector<16xf32>
        %select_n3A_599 = arith.select %gt3A_597, %sub3A_596, %broadcast_in_dim3A_598 : vector<16xi1>, vector<16xf32>
        %add3A_600 = arith.addf %while3A_590, %select_n3A_599 : vector<16xf32>
        %jit3A_601 = arith.constant 1.000000e+00 : f32
        %jit3A_602 = arith.constant 0.000000e+00 : f32
        %broadcast_in_dim3A_603 = vector.broadcast %jit3A_601 : f32 to vector<16xf32>
        %broadcast_in_dim3A_604 = vector.broadcast %jit3A_602 : f32 to vector<16xf32>
        %select_n3A_605 = arith.select %gt3A_597, %broadcast_in_dim3A_603, %broadcast_in_dim3A_604 : vector<16xi1>, vector<16xf32>
        %add3A_606 = arith.addf %while3A_591, %select_n3A_605 : vector<16xf32>
        %add3A_607 = arith.addi %while3A_592, %broadcast_in_dim3A_55 : vector<16xi32>
        %add3A_608 = arith.addi %while3A_593, %broadcast_in_dim3A_51 : vector<16xi32>
        scf.yield %add3A_600, %add3A_606, %add3A_607, %add3A_608 : vector<16xf32>, vector<16xf32>, vector<16xi32>, vector<16xi32>
      }
      %reduce_sum3A = arith.constant true
      %reduce_sum3A_576 = vector.broadcast %reduce_sum3A : i1 to vector<16xi1>
      %reduce_sum3A_577 = tpu.scan <sum>, %while3A_575#0 masked %reduce_sum3A_576 : vector<16xf32>, vector<16xi1> -> vector<16xf32>
      %reduce_sum3A_578 = vector.extract %reduce_sum3A_577[15] : f32 from vector<16xf32>
      %reduce_sum3A_579 = arith.constant true
      %reduce_sum3A_580 = vector.broadcast %reduce_sum3A_579 : i1 to vector<16xi1>
      %reduce_sum3A_581 = tpu.scan <sum>, %while3A_575#1 masked %reduce_sum3A_580 : vector<16xf32>, vector<16xi1> -> vector<16xf32>
      %reduce_sum3A_582 = vector.extract %reduce_sum3A_581[15] : f32 from vector<16xf32>
      %sub3A_583 = arith.constant 1.000000e+00 : f32
      %sub3A_584 = arith.subf %reduce_sum3A_578, %sub3A_583 : f32
      %broadcast_in_dim3A_585 = vector.broadcast %sub3A_584 : f32 to vector<16xf32>
      %broadcast_in_dim3A_586 = vector.broadcast %reduce_sum3A_582 : f32 to vector<16xf32>
      %div3A = arith.divf %broadcast_in_dim3A_585, %broadcast_in_dim3A_586 : vector<16xf32>
      %slice3A = vector.extract_strided_slice %div3A {offsets = [0], sizes = [1], strides = [1]} : vector<16xf32> to vector<1xf32>
      %squeeze3A = vector.extract %slice3A[0] : f32 from vector<1xf32>
      %add3A_587 = arith.constant 1 : i32
      %add3A_588 = arith.addi %while3A_560, %add3A_587 : i32
      scf.yield %while3A_559, %squeeze3A, %add3A_588 : f32, f32, i32
    }
    %max3A = arith.maximumf %while3A_89#0, %while3A_89#1 : f32
    %add3A_90 = arith.addf %reduce_max3A_74, %max3A : f32
    %iota3A_91 = tpu.iota {dimensions = array<i32: 0>} : vector<16xi32>
    %broadcast_in_dim3A_92 = arith.constant 1 : i32
    %broadcast_in_dim3A_93 = vector.broadcast %broadcast_in_dim3A_92 : i32 to vector<16xi32>
    %broadcast_in_dim3A_94 = arith.constant 0 : i32
    %broadcast_in_dim3A_95 = vector.broadcast %broadcast_in_dim3A_94 : i32 to vector<16xi32>
    %broadcast_in_dim3A_96 = arith.constant 16 : i32
    %broadcast_in_dim3A_97 = vector.broadcast %broadcast_in_dim3A_96 : i32 to vector<16xi32>
    %broadcast_in_dim3A_98 = arith.constant 32768 : i32
    %broadcast_in_dim3A_99 = vector.broadcast %broadcast_in_dim3A_98 : i32 to vector<16xi32>
    %add3A_100 = arith.constant 0 : i32
    %add3A_101 = vector.broadcast %add3A_100 : i32 to vector<16xi32>
    %add3A_102 = arith.addi %iota3A_91, %add3A_101 : vector<16xi32>
    %while3A_103 = arith.constant 0 : i32
    %while3A_104 = arith.subi %reduce_max3A_86, %while3A_103 : i32
    %while3A_105 = arith.addi %while3A_103, %while3A_104 : i32
    %while3A_106 = arith.constant 1 : i32
    %while3A_107 = arith.divsi %while3A_104, %while3A_106 : i32
    %while3A_108 = arith.muli %while3A_107, %while3A_106 : i32
    %while3A_109 = arith.addi %while3A_103, %while3A_108 : i32
    %while3A_110 = arith.constant 1 : i32
    %while3A_111:2 = scf.for %while3A_558 = %while3A_103 to %while3A_109 step %while3A_110 iter_args(%while3A_559 = %add3A_102, %while3A_560 = %broadcast_in_dim3A_95) -> (vector<16xi32>, vector<16xi32>)  : i32 {
      %gather3A = tpu.vector_load_idx %arg7[%while3A_559] : memref<32000xi32, #tpu.memory_space<vmem>>[vector<16xi32>], vector<16xi32>,
      %lt3A = arith.cmpi slt, %while3A_560, %shift_right_logical3A_76 : vector<16xi32>
      %select_n3A = arith.select %lt3A, %gather3A, %broadcast_in_dim3A_99 : vector<16xi1>, vector<16xi32>
      %gather3A_561 = tpu.vector_load_idx %arg4[%select_n3A] : memref<32784xf32, #tpu.memory_space<vmem>>[vector<16xi32>], vector<16xf32>,
      %sub3A_562 = vector.broadcast %add3A_90 : f32 to vector<16xf32>
      %sub3A_563 = arith.subf %gather3A_561, %sub3A_562 : vector<16xf32>
      %max3A_564 = arith.constant 0.000000e+00 : f32
      %max3A_565 = vector.broadcast %max3A_564 : f32 to vector<16xf32>
      %max3A_566 = arith.maximumf %sub3A_563, %max3A_565 : vector<16xf32>
      tpu.vector_store_idx %arg6[%select_n3A], %max3A_566 : memref<32784xf32, #tpu.memory_space<vmem>>[vector<16xi32>], vector<16xf32>,
      %add3A_567 = arith.addi %while3A_559, %broadcast_in_dim3A_97 : vector<16xi32>
      %add3A_568 = arith.addi %while3A_560, %broadcast_in_dim3A_93 : vector<16xi32>
      scf.yield %add3A_567, %add3A_568 : vector<16xi32>, vector<16xi32>
    }
    %while3A_112 = arith.constant 1 : i32
    %while3A_113:2 = scf.for %while3A_558 = %while3A_109 to %while3A_105 step %while3A_112 iter_args(%while3A_559 = %while3A_111#0, %while3A_560 = %while3A_111#1) -> (vector<16xi32>, vector<16xi32>)  : i32 {
      %gather3A = tpu.vector_load_idx %arg7[%while3A_559] : memref<32000xi32, #tpu.memory_space<vmem>>[vector<16xi32>], vector<16xi32>,
      %lt3A = arith.cmpi slt, %while3A_560, %shift_right_logical3A_76 : vector<16xi32>
      %select_n3A = arith.select %lt3A, %gather3A, %broadcast_in_dim3A_99 : vector<16xi1>, vector<16xi32>
      %gather3A_561 = tpu.vector_load_idx %arg4[%select_n3A] : memref<32784xf32, #tpu.memory_space<vmem>>[vector<16xi32>], vector<16xf32>,
      %sub3A_562 = vector.broadcast %add3A_90 : f32 to vector<16xf32>
      %sub3A_563 = arith.subf %gather3A_561, %sub3A_562 : vector<16xf32>
      %max3A_564 = arith.constant 0.000000e+00 : f32
      %max3A_565 = vector.broadcast %max3A_564 : f32 to vector<16xf32>
      %max3A_566 = arith.maximumf %sub3A_563, %max3A_565 : vector<16xf32>
      tpu.vector_store_idx %arg6[%select_n3A], %max3A_566 : memref<32784xf32, #tpu.memory_space<vmem>>[vector<16xi32>], vector<16xf32>,
      %add3A_567 = arith.addi %while3A_559, %broadcast_in_dim3A_97 : vector<16xi32>
      %add3A_568 = arith.addi %while3A_560, %broadcast_in_dim3A_93 : vector<16xi32>
      scf.yield %add3A_567, %add3A_568 : vector<16xi32>, vector<16xi32>
    }
    %add3A_114 = arith.constant 0 : i32
    %add3A_115 = arith.addi %mul3A_2, %add3A_114 : i32
    %dma_start3A_116 = arith.constant 0 : i32
    %dma_start3A_117 = tpu.memref_slice %arg6[%dma_start3A_116] : memref<32784xf32, #tpu.memory_space<vmem>> -> memref<32768xf32, #tpu.memory_space<vmem>>
    %dma_start3A_118 = arith.constant 0 : i32
    %dma_start3A_119 = tpu.memref_slice %arg3[%add3A_115, %dma_start3A_118] : memref<128x32768xf32, #tpu.memory_space<hbm>> -> memref<1x32768xf32, #tpu.memory_space<hbm>>
    %dma_start3A_120 = tpu.memref_squeeze %dma_start3A_119 : memref<1x32768xf32, #tpu.memory_space<hbm>> -> memref<32768xf32, #tpu.memory_space<hbm>>
    %dma_start3A_121 = arith.constant 0 : i32
    %dma_start3A_122 = tpu.memref_slice %arg3[%add3A_115, %dma_start3A_121] : memref<128x32768xf32, #tpu.memory_space<hbm>> -> memref<1x32768xf32, #tpu.memory_space<hbm>>
    %dma_start3A_123 = tpu.memref_squeeze %dma_start3A_122 : memref<1x32768xf32, #tpu.memory_space<hbm>> -> memref<32768xf32, #tpu.memory_space<hbm>>
    %dma_start3A_124 = arith.constant 0 : i32
    %dma_start3A_125 = tpu.memref_slice %arg6[%dma_start3A_124] : memref<32784xf32, #tpu.memory_space<vmem>> -> memref<32768xf32, #tpu.memory_space<vmem>>
    tpu.enqueue_dma source(%dma_start3A_125 : memref<32768xf32, #tpu.memory_space<vmem>>) target(%dma_start3A_123 : memref<32768xf32, #tpu.memory_space<hbm>>) target_semaphore(%arg10 : memref<!tpu.dma_semaphore, #tpu.memory_space<semaphore_mem>>)
    %add3A_126 = arith.constant 2 : i32
    %add3A_127 = arith.addi %mul3A_2, %add3A_126 : i32
    %dma_start3A_128 = arith.constant 0 : i32
    %dma_start3A_129 = tpu.memref_slice %arg4[%dma_start3A_128] : memref<32784xf32, #tpu.memory_space<vmem>> -> memref<32768xf32, #tpu.memory_space<vmem>>
    %dma_start3A_130 = arith.constant 0 : i32
    %dma_start3A_131 = tpu.memref_slice %arg2[%add3A_127, %dma_start3A_130] : memref<128x32768xf32, #tpu.memory_space<hbm>> -> memref<1x32768xf32, #tpu.memory_space<hbm>>
    %dma_start3A_132 = tpu.memref_squeeze %dma_start3A_131 : memref<1x32768xf32, #tpu.memory_space<hbm>> -> memref<32768xf32, #tpu.memory_space<hbm>>
    %dma_start3A_133 = arith.constant 0 : i32
    %dma_start3A_134 = tpu.memref_slice %arg4[%dma_start3A_133] : memref<32784xf32, #tpu.memory_space<vmem>> -> memref<32768xf32, #tpu.memory_space<vmem>>
    %dma_start3A_135 = arith.constant 0 : i32
    %dma_start3A_136 = tpu.memref_slice %arg2[%add3A_127, %dma_start3A_135] : memref<128x32768xf32, #tpu.memory_space<hbm>> -> memref<1x32768xf32, #tpu.memory_space<hbm>>
    %dma_start3A_137 = tpu.memref_squeeze %dma_start3A_136 : memref<1x32768xf32, #tpu.memory_space<hbm>> -> memref<32768xf32, #tpu.memory_space<hbm>>
    tpu.enqueue_dma source(%dma_start3A_137 : memref<32768xf32, #tpu.memory_space<hbm>>) target(%dma_start3A_134 : memref<32768xf32, #tpu.memory_space<vmem>>) target_semaphore(%arg8 : memref<!tpu.dma_semaphore, #tpu.memory_space<semaphore_mem>>)
    %add3A_138 = arith.constant 1 : i32
    %add3A_139 = arith.addi %mul3A_2, %add3A_138 : i32
    %dma_wait3A_140 = arith.constant 0 : i32
    %dma_wait3A_141 = tpu.memref_slice %arg5[%dma_wait3A_140] : memref<32784xf32, #tpu.memory_space<vmem>> -> memref<32768xf32, #tpu.memory_space<vmem>>
    %dma_wait3A_142 = arith.constant 0 : i32
    %dma_wait3A_143 = tpu.memref_slice %arg2[%add3A_139, %dma_wait3A_142] : memref<128x32768xf32, #tpu.memory_space<hbm>> -> memref<1x32768xf32, #tpu.memory_space<hbm>>
    %dma_wait3A_144 = tpu.memref_squeeze %dma_wait3A_143 : memref<1x32768xf32, #tpu.memory_space<hbm>> -> memref<32768xf32, #tpu.memory_space<hbm>>
    %dma_wait3A_145 = arith.constant 0 : i32
    %dma_wait3A_146 = tpu.memref_slice %arg5[%dma_wait3A_145] : memref<32784xf32, #tpu.memory_space<vmem>> -> memref<32768xf32, #tpu.memory_space<vmem>>
    %dma_wait3A_147 = arith.constant 0 : i32
    %dma_wait3A_148 = tpu.memref_slice %arg2[%add3A_139, %dma_wait3A_147] : memref<128x32768xf32, #tpu.memory_space<hbm>> -> memref<1x32768xf32, #tpu.memory_space<hbm>>
    %dma_wait3A_149 = tpu.memref_squeeze %dma_wait3A_148 : memref<1x32768xf32, #tpu.memory_space<hbm>> -> memref<32768xf32, #tpu.memory_space<hbm>>
    tpu.wait_dma2 semaphore(%arg9 : memref<!tpu.dma_semaphore, #tpu.memory_space<semaphore_mem>>) src(%dma_wait3A_149 : memref<32768xf32, #tpu.memory_space<hbm>>) dst(%dma_wait3A_146 : memref<32768xf32, #tpu.memory_space<vmem>>)
    %iota3A_150 = tpu.iota {dimensions = array<i32: 0>} : vector<16xi32>
    %broadcast_in_dim3A_151 = arith.constant 1 : i32
    %broadcast_in_dim3A_152 = vector.broadcast %broadcast_in_dim3A_151 : i32 to vector<16xi32>
    %broadcast_in_dim3A_153 = arith.constant 0 : i32
    %broadcast_in_dim3A_154 = vector.broadcast %broadcast_in_dim3A_153 : i32 to vector<16xi32>
    %broadcast_in_dim3A_155 = arith.constant 16 : i32
    %broadcast_in_dim3A_156 = vector.broadcast %broadcast_in_dim3A_155 : i32 to vector<16xi32>
    %broadcast_in_dim3A_157 = arith.constant 32768 : i32
    %broadcast_in_dim3A_158 = vector.broadcast %broadcast_in_dim3A_157 : i32 to vector<16xi32>
    %add3A_159 = arith.constant 16000 : i32
    %add3A_160 = vector.broadcast %add3A_159 : i32 to vector<16xi32>
    %add3A_161 = arith.addi %iota3A_150, %add3A_160 : vector<16xi32>
    %add3A_162 = arith.constant 15984 : i32
    %add3A_163 = vector.broadcast %add3A_162 : i32 to vector<16xi32>
    %add3A_164 = arith.addi %add3A_161, %add3A_163 : vector<16xi32>
    %broadcast_in_dim3A_165 = arith.constant 0xFF800000 : f32
    %broadcast_in_dim3A_166 = vector.broadcast %broadcast_in_dim3A_165 : f32 to vector<16xf32>
    %scan3A_167 = arith.constant 0 : i32
    %scan3A_168 = arith.constant 256 : i32
    %scan3A_169 = arith.addi %scan3A_167, %scan3A_168 : i32
    %scan3A_170 = arith.constant 1 : i32
    %scan3A_171:3 = scf.for %scan3A_558 = %scan3A_167 to %scan3A_169 step %scan3A_170 iter_args(%scan3A_559 = %broadcast_in_dim3A_166, %scan3A_560 = %add3A_161, %scan3A_561 = %iota3A_150) -> (vector<16xf32>, vector<16xi32>, vector<16xi32>)  : i32 {
      %sub3A_562 = arith.constant 1.000000e+00 : f32
      %sub3A_563 = vector.broadcast %sub3A_562 : f32 to vector<16xf32>
      %sub3A_564 = arith.subf %scan3A_559, %sub3A_563 : vector<16xf32>
      %mul3A_565 = arith.constant 8 : i32
      %mul3A_566 = arith.muli %scan3A_558, %mul3A_565 : i32
      %add3A_567 = arith.constant 0 : i32
      %add3A_568 = arith.addi %mul3A_566, %add3A_567 : i32
      %mul3A_569 = arith.constant 16 : i32
      %mul3A_570 = arith.muli %add3A_568, %mul3A_569 : i32
      %get3A = arith.index_cast %mul3A_570 : i32 to index
      %get3A_571 = tpu.vector_load %arg5[%get3A] {strides = array<i32>} : memref<32784xf32, #tpu.memory_space<vmem>>, vector<16xf32>,
      %mul3A_572 = arith.constant 8 : i32
      %mul3A_573 = arith.muli %scan3A_558, %mul3A_572 : i32
      %add3A_574 = arith.constant 1 : i32
      %add3A_575 = arith.addi %mul3A_573, %add3A_574 : i32
      %mul3A_576 = arith.constant 16 : i32
      %mul3A_577 = arith.muli %add3A_575, %mul3A_576 : i32
      %get3A_578 = arith.index_cast %mul3A_577 : i32 to index
      %get3A_579 = tpu.vector_load %arg5[%get3A_578] {strides = array<i32>} : memref<32784xf32, #tpu.memory_space<vmem>>, vector<16xf32>,
      %mul3A_580 = arith.constant 8 : i32
      %mul3A_581 = arith.muli %scan3A_558, %mul3A_580 : i32
      %add3A_582 = arith.constant 2 : i32
      %add3A_583 = arith.addi %mul3A_581, %add3A_582 : i32
      %mul3A_584 = arith.constant 16 : i32
      %mul3A_585 = arith.muli %add3A_583, %mul3A_584 : i32
      %get3A_586 = arith.index_cast %mul3A_585 : i32 to index
      %get3A_587 = tpu.vector_load %arg5[%get3A_586] {strides = array<i32>} : memref<32784xf32, #tpu.memory_space<vmem>>, vector<16xf32>,
      %mul3A_588 = arith.constant 8 : i32
      %mul3A_589 = arith.muli %scan3A_558, %mul3A_588 : i32
      %add3A_590 = arith.constant 3 : i32
      %add3A_591 = arith.addi %mul3A_589, %add3A_590 : i32
      %mul3A_592 = arith.constant 16 : i32
      %mul3A_593 = arith.muli %add3A_591, %mul3A_592 : i32
      %get3A_594 = arith.index_cast %mul3A_593 : i32 to index
      %get3A_595 = tpu.vector_load %arg5[%get3A_594] {strides = array<i32>} : memref<32784xf32, #tpu.memory_space<vmem>>, vector<16xf32>,
      %mul3A_596 = arith.constant 8 : i32
      %mul3A_597 = arith.muli %scan3A_558, %mul3A_596 : i32
      %add3A_598 = arith.constant 4 : i32
      %add3A_599 = arith.addi %mul3A_597, %add3A_598 : i32
      %mul3A_600 = arith.constant 16 : i32
      %mul3A_601 = arith.muli %add3A_599, %mul3A_600 : i32
      %get3A_602 = arith.index_cast %mul3A_601 : i32 to index
      %get3A_603 = tpu.vector_load %arg5[%get3A_602] {strides = array<i32>} : memref<32784xf32, #tpu.memory_space<vmem>>, vector<16xf32>,
      %mul3A_604 = arith.constant 8 : i32
      %mul3A_605 = arith.muli %scan3A_558, %mul3A_604 : i32
      %add3A_606 = arith.constant 5 : i32
      %add3A_607 = arith.addi %mul3A_605, %add3A_606 : i32
      %mul3A_608 = arith.constant 16 : i32
      %mul3A_609 = arith.muli %add3A_607, %mul3A_608 : i32
      %get3A_610 = arith.index_cast %mul3A_609 : i32 to index
      %get3A_611 = tpu.vector_load %arg5[%get3A_610] {strides = array<i32>} : memref<32784xf32, #tpu.memory_space<vmem>>, vector<16xf32>,
      %mul3A_612 = arith.constant 8 : i32
      %mul3A_613 = arith.muli %scan3A_558, %mul3A_612 : i32
      %add3A_614 = arith.constant 6 : i32
      %add3A_615 = arith.addi %mul3A_613, %add3A_614 : i32
      %mul3A_616 = arith.constant 16 : i32
      %mul3A_617 = arith.muli %add3A_615, %mul3A_616 : i32
      %get3A_618 = arith.index_cast %mul3A_617 : i32 to index
      %get3A_619 = tpu.vector_load %arg5[%get3A_618] {strides = array<i32>} : memref<32784xf32, #tpu.memory_space<vmem>>, vector<16xf32>,
      %mul3A_620 = arith.constant 8 : i32
      %mul3A_621 = arith.muli %scan3A_558, %mul3A_620 : i32
      %add3A_622 = arith.constant 7 : i32
      %add3A_623 = arith.addi %mul3A_621, %add3A_622 : i32
      %mul3A_624 = arith.constant 16 : i32
      %mul3A_625 = arith.muli %add3A_623, %mul3A_624 : i32
      %get3A_626 = arith.index_cast %mul3A_625 : i32 to index
      %get3A_627 = tpu.vector_load %arg5[%get3A_626] {strides = array<i32>} : memref<32784xf32, #tpu.memory_space<vmem>>, vector<16xf32>,
      %gt3A = arith.cmpf ogt, %get3A_571, %sub3A_564 : vector<16xf32>
      %gt3A_628 = arith.cmpf ogt, %get3A_579, %sub3A_564 : vector<16xf32>
      %gt3A_629 = arith.cmpf ogt, %get3A_587, %sub3A_564 : vector<16xf32>
      %gt3A_630 = arith.cmpf ogt, %get3A_595, %sub3A_564 : vector<16xf32>
      %gt3A_631 = arith.cmpf ogt, %get3A_603, %sub3A_564 : vector<16xf32>
      %gt3A_632 = arith.cmpf ogt, %get3A_611, %sub3A_564 : vector<16xf32>
      %gt3A_633 = arith.cmpf ogt, %get3A_619, %sub3A_564 : vector<16xf32>
      %gt3A_634 = arith.cmpf ogt, %get3A_627, %sub3A_564 : vector<16xf32>
      %select_n3A = arith.select %gt3A, %broadcast_in_dim3A_156, %broadcast_in_dim3A_154 : vector<16xi1>, vector<16xi32>
      %select_n3A_635 = arith.select %gt3A_628, %broadcast_in_dim3A_156, %broadcast_in_dim3A_154 : vector<16xi1>, vector<16xi32>
      %select_n3A_636 = arith.select %gt3A_629, %broadcast_in_dim3A_156, %broadcast_in_dim3A_154 : vector<16xi1>, vector<16xi32>
      %select_n3A_637 = arith.select %gt3A_630, %broadcast_in_dim3A_156, %broadcast_in_dim3A_154 : vector<16xi1>, vector<16xi32>
      %select_n3A_638 = arith.select %gt3A_631, %broadcast_in_dim3A_156, %broadcast_in_dim3A_154 : vector<16xi1>, vector<16xi32>
      %select_n3A_639 = arith.select %gt3A_632, %broadcast_in_dim3A_156, %broadcast_in_dim3A_154 : vector<16xi1>, vector<16xi32>
      %select_n3A_640 = arith.select %gt3A_633, %broadcast_in_dim3A_156, %broadcast_in_dim3A_154 : vector<16xi1>, vector<16xi32>
      %select_n3A_641 = arith.select %gt3A_634, %broadcast_in_dim3A_156, %broadcast_in_dim3A_154 : vector<16xi1>, vector<16xi32>
      %add3A_642 = arith.addi %select_n3A_635, %select_n3A : vector<16xi32>
      %add3A_643 = arith.addi %select_n3A_636, %select_n3A_635 : vector<16xi32>
      %add3A_644 = arith.addi %select_n3A_637, %select_n3A_636 : vector<16xi32>
      %add3A_645 = arith.addi %select_n3A_638, %select_n3A_637 : vector<16xi32>
      %add3A_646 = arith.addi %select_n3A_639, %select_n3A_638 : vector<16xi32>
      %add3A_647 = arith.addi %select_n3A_640, %select_n3A_639 : vector<16xi32>
      %add3A_648 = arith.addi %select_n3A_641, %select_n3A_640 : vector<16xi32>
      %add3A_649 = arith.addi %add3A_643, %select_n3A : vector<16xi32>
      %add3A_650 = arith.addi %add3A_644, %add3A_642 : vector<16xi32>
      %add3A_651 = arith.addi %add3A_645, %add3A_643 : vector<16xi32>
      %add3A_652 = arith.addi %add3A_646, %add3A_644 : vector<16xi32>
      %add3A_653 = arith.addi %add3A_647, %add3A_645 : vector<16xi32>
      %add3A_654 = arith.addi %add3A_648, %add3A_646 : vector<16xi32>
      %add3A_655 = arith.addi %add3A_651, %select_n3A : vector<16xi32>
      %add3A_656 = arith.addi %add3A_652, %add3A_642 : vector<16xi32>
      %add3A_657 = arith.addi %add3A_653, %add3A_649 : vector<16xi32>
      %add3A_658 = arith.addi %add3A_654, %add3A_650 : vector<16xi32>
      %min3A_659 = arith.minsi %scan3A_560, %add3A_164 : vector<16xi32>
      %add3A_660 = arith.constant 0 : i32
      %add3A_661 = vector.broadcast %add3A_660 : i32 to vector<16xi32>
      %add3A_662 = arith.addi %scan3A_561, %add3A_661 : vector<16xi32>
      tpu.vector_store_idx %arg7[%min3A_659], %add3A_662 masked %gt3A : memref<32000xi32, #tpu.memory_space<vmem>>[vector<16xi32>], vector<16xi32>, vector<16xi1>
      %add3A_663 = arith.addi %scan3A_560, %select_n3A : vector<16xi32>
      %min3A_664 = arith.minsi %add3A_663, %add3A_164 : vector<16xi32>
      %add3A_665 = arith.constant 16 : i32
      %add3A_666 = vector.broadcast %add3A_665 : i32 to vector<16xi32>
      %add3A_667 = arith.addi %scan3A_561, %add3A_666 : vector<16xi32>
      tpu.vector_store_idx %arg7[%min3A_664], %add3A_667 masked %gt3A_628 : memref<32000xi32, #tpu.memory_space<vmem>>[vector<16xi32>], vector<16xi32>, vector<16xi1>
      %add3A_668 = arith.addi %scan3A_560, %add3A_642 : vector<16xi32>
      %min3A_669 = arith.minsi %add3A_668, %add3A_164 : vector<16xi32>
      %add3A_670 = arith.constant 32 : i32
      %add3A_671 = vector.broadcast %add3A_670 : i32 to vector<16xi32>
      %add3A_672 = arith.addi %scan3A_561, %add3A_671 : vector<16xi32>
      tpu.vector_store_idx %arg7[%min3A_669], %add3A_672 masked %gt3A_629 : memref<32000xi32, #tpu.memory_space<vmem>>[vector<16xi32>], vector<16xi32>, vector<16xi1>
      %add3A_673 = arith.addi %scan3A_560, %add3A_649 : vector<16xi32>
      %min3A_674 = arith.minsi %add3A_673, %add3A_164 : vector<16xi32>
      %add3A_675 = arith.constant 48 : i32
      %add3A_676 = vector.broadcast %add3A_675 : i32 to vector<16xi32>
      %add3A_677 = arith.addi %scan3A_561, %add3A_676 : vector<16xi32>
      tpu.vector_store_idx %arg7[%min3A_674], %add3A_677 masked %gt3A_630 : memref<32000xi32, #tpu.memory_space<vmem>>[vector<16xi32>], vector<16xi32>, vector<16xi1>
      %add3A_678 = arith.addi %scan3A_560, %add3A_650 : vector<16xi32>
      %min3A_679 = arith.minsi %add3A_678, %add3A_164 : vector<16xi32>
      %add3A_680 = arith.constant 64 : i32
      %add3A_681 = vector.broadcast %add3A_680 : i32 to vector<16xi32>
      %add3A_682 = arith.addi %scan3A_561, %add3A_681 : vector<16xi32>
      tpu.vector_store_idx %arg7[%min3A_679], %add3A_682 masked %gt3A_631 : memref<32000xi32, #tpu.memory_space<vmem>>[vector<16xi32>], vector<16xi32>, vector<16xi1>
      %add3A_683 = arith.addi %scan3A_560, %add3A_655 : vector<16xi32>
      %min3A_684 = arith.minsi %add3A_683, %add3A_164 : vector<16xi32>
      %add3A_685 = arith.constant 80 : i32
      %add3A_686 = vector.broadcast %add3A_685 : i32 to vector<16xi32>
      %add3A_687 = arith.addi %scan3A_561, %add3A_686 : vector<16xi32>
      tpu.vector_store_idx %arg7[%min3A_684], %add3A_687 masked %gt3A_632 : memref<32000xi32, #tpu.memory_space<vmem>>[vector<16xi32>], vector<16xi32>, vector<16xi1>
      %add3A_688 = arith.addi %scan3A_560, %add3A_656 : vector<16xi32>
      %min3A_689 = arith.minsi %add3A_688, %add3A_164 : vector<16xi32>
      %add3A_690 = arith.constant 96 : i32
      %add3A_691 = vector.broadcast %add3A_690 : i32 to vector<16xi32>
      %add3A_692 = arith.addi %scan3A_561, %add3A_691 : vector<16xi32>
      tpu.vector_store_idx %arg7[%min3A_689], %add3A_692 masked %gt3A_633 : memref<32000xi32, #tpu.memory_space<vmem>>[vector<16xi32>], vector<16xi32>, vector<16xi1>
      %add3A_693 = arith.addi %scan3A_560, %add3A_657 : vector<16xi32>
      %min3A_694 = arith.minsi %add3A_693, %add3A_164 : vector<16xi32>
      %add3A_695 = arith.constant 112 : i32
      %add3A_696 = vector.broadcast %add3A_695 : i32 to vector<16xi32>
      %add3A_697 = arith.addi %scan3A_561, %add3A_696 : vector<16xi32>
      tpu.vector_store_idx %arg7[%min3A_694], %add3A_697 masked %gt3A_634 : memref<32000xi32, #tpu.memory_space<vmem>>[vector<16xi32>], vector<16xi32>, vector<16xi1>
      %max3A_698 = arith.maximumf %get3A_571, %get3A_579 : vector<16xf32>
      %max3A_699 = arith.maximumf %get3A_587, %get3A_595 : vector<16xf32>
      %max3A_700 = arith.maximumf %get3A_603, %get3A_611 : vector<16xf32>
      %max3A_701 = arith.maximumf %get3A_619, %get3A_627 : vector<16xf32>
      %max3A_702 = arith.maximumf %max3A_698, %max3A_699 : vector<16xf32>
      %max3A_703 = arith.maximumf %max3A_700, %max3A_701 : vector<16xf32>
      %max3A_704 = arith.maximumf %max3A_702, %max3A_703 : vector<16xf32>
      %max3A_705 = arith.maximumf %scan3A_559, %max3A_704 : vector<16xf32>
      %add3A_706 = arith.addi %scan3A_560, %add3A_658 : vector<16xi32>
      %add3A_707 = arith.constant 128 : i32
      %add3A_708 = vector.broadcast %add3A_707 : i32 to vector<16xi32>
      %add3A_709 = arith.addi %scan3A_561, %add3A_708 : vector<16xi32>
      scf.yield %max3A_705, %add3A_706, %add3A_709 : vector<16xf32>, vector<16xi32>, vector<16xi32>
    }
    %scan3A_172 = arith.constant 256 : i32
    %reduce_max3A_173 = arith.constant true
    %reduce_max3A_174 = vector.broadcast %reduce_max3A_173 : i1 to vector<16xi1>
    %reduce_max3A_175 = tpu.scan <max>, %scan3A_171#0 masked %reduce_max3A_174 : vector<16xf32>, vector<16xi1> -> vector<16xf32>
    %reduce_max3A_176 = vector.extract %reduce_max3A_175[15] : f32 from vector<16xf32>
    %sub3A_177 = arith.subi %scan3A_171#1, %add3A_161 : vector<16xi32>
    %shift_right_logical3A_178 = arith.constant 4 : i32
    %shift_right_logical3A_179 = vector.broadcast %shift_right_logical3A_178 : i32 to vector<16xi32>
    %shift_right_logical3A_180 = arith.shrui %sub3A_177, %shift_right_logical3A_179 : vector<16xi32>
    %min3A_181 = arith.constant 1000 : i32
    %min3A_182 = vector.broadcast %min3A_181 : i32 to vector<16xi32>
    %min3A_183 = arith.minsi %shift_right_logical3A_180, %min3A_182 : vector<16xi32>
    %reduce_max3A_184 = arith.constant true
    %reduce_max3A_185 = vector.broadcast %reduce_max3A_184 : i1 to vector<16xi1>
    %reduce_max3A_186 = arith.constant -2147483648 : i32
    %reduce_max3A_187 = vector.broadcast %reduce_max3A_186 : i32 to vector<16xi32>
    %reduce_max3A_188 = arith.xori %min3A_183, %reduce_max3A_187 : vector<16xi32>
    %reduce_max3A_189 = tpu.scan <max>, %reduce_max3A_188 masked %reduce_max3A_185 : vector<16xi32>, vector<16xi1> -> vector<16xi32>
    %reduce_max3A_190 = arith.xori %reduce_max3A_189, %reduce_max3A_187 : vector<16xi32>
    %reduce_max3A_191 = vector.extract %reduce_max3A_190[15] : i32 from vector<16xi32>
    %while3A_192 = arith.constant -2.000000e+00 : f32
    %while3A_193 = arith.constant -1.000000e+00 : f32
    %while3A_194 = arith.constant 0 : i32
    %while3A_195:3 = scf.while (%while3A_558 = %while3A_192, %while3A_559 = %while3A_193, %while3A_560 = %while3A_194) : (f32, f32, i32) -> (f32, f32, i32) {
      %gt3A = arith.cmpf ogt, %while3A_559, %while3A_558 : f32
      %lt3A = arith.constant 64 : i32
      %lt3A_561 = arith.cmpi slt, %while3A_560, %lt3A : i32
      %and3A = arith.andi %gt3A, %lt3A_561 : i1
      scf.condition(%and3A) %while3A_558, %while3A_559, %while3A_560 : f32, f32, i32
    } do {
    ^bb0(%while3A_558: f32, %while3A_559: f32, %while3A_560: i32):
      %broadcast_in_dim3A_561 = arith.constant 0.000000e+00 : f32
      %broadcast_in_dim3A_562 = vector.broadcast %broadcast_in_dim3A_561 : f32 to vector<16xf32>
      %broadcast_in_dim3A_563 = arith.constant 0.000000e+00 : f32
      %broadcast_in_dim3A_564 = vector.broadcast %broadcast_in_dim3A_563 : f32 to vector<16xf32>
      %while3A_565 = arith.constant 0 : i32
      %while3A_566 = arith.subi %reduce_max3A_191, %while3A_565 : i32
      %while3A_567 = arith.addi %while3A_565, %while3A_566 : i32
      %while3A_568 = arith.constant 1 : i32
      %while3A_569 = arith.divsi %while3A_566, %while3A_568 : i32
      %while3A_570 = arith.muli %while3A_569, %while3A_568 : i32
      %while3A_571 = arith.addi %while3A_565, %while3A_570 : i32
      %while3A_572 = arith.constant 1 : i32
      %while3A_573:4 = scf.for %while3A_589 = %while3A_565 to %while3A_571 step %while3A_572 iter_args(%while3A_590 = %broadcast_in_dim3A_562, %while3A_591 = %broadcast_in_dim3A_564, %while3A_592 = %add3A_161, %while3A_593 = %broadcast_in_dim3A_154) -> (vector<16xf32>, vector<16xf32>, vector<16xi32>, vector<16xi32>)  : i32 {
        %gather3A = tpu.vector_load_idx %arg7[%while3A_592] : memref<32000xi32, #tpu.memory_space<vmem>>[vector<16xi32>], vector<16xi32>,
        %lt3A = arith.cmpi slt, %while3A_593, %shift_right_logical3A_180 : vector<16xi32>
        %select_n3A = arith.select %lt3A, %gather3A, %broadcast_in_dim3A_158 : vector<16xi1>, vector<16xi32>
        %gather3A_594 = tpu.vector_load_idx %arg5[%select_n3A] : memref<32784xf32, #tpu.memory_space<vmem>>[vector<16xi32>], vector<16xf32>,
        %sub3A_595 = vector.broadcast %reduce_max3A_176 : f32 to vector<16xf32>
        %sub3A_596 = arith.subf %gather3A_594, %sub3A_595 : vector<16xf32>
        %gt3A = vector.broadcast %while3A_559 : f32 to vector<16xf32>
        %gt3A_597 = arith.cmpf ogt, %sub3A_596, %gt3A : vector<16xf32>
        %jit3A = arith.constant 0.000000e+00 : f32
        %broadcast_in_dim3A_598 = vector.broadcast %jit3A : f32 to vector<16xf32>
        %select_n3A_599 = arith.select %gt3A_597, %sub3A_596, %broadcast_in_dim3A_598 : vector<16xi1>, vector<16xf32>
        %add3A_600 = arith.addf %while3A_590, %select_n3A_599 : vector<16xf32>
        %jit3A_601 = arith.constant 1.000000e+00 : f32
        %jit3A_602 = arith.constant 0.000000e+00 : f32
        %broadcast_in_dim3A_603 = vector.broadcast %jit3A_601 : f32 to vector<16xf32>
        %broadcast_in_dim3A_604 = vector.broadcast %jit3A_602 : f32 to vector<16xf32>
        %select_n3A_605 = arith.select %gt3A_597, %broadcast_in_dim3A_603, %broadcast_in_dim3A_604 : vector<16xi1>, vector<16xf32>
        %add3A_606 = arith.addf %while3A_591, %select_n3A_605 : vector<16xf32>
        %add3A_607 = arith.addi %while3A_592, %broadcast_in_dim3A_156 : vector<16xi32>
        %add3A_608 = arith.addi %while3A_593, %broadcast_in_dim3A_152 : vector<16xi32>
        scf.yield %add3A_600, %add3A_606, %add3A_607, %add3A_608 : vector<16xf32>, vector<16xf32>, vector<16xi32>, vector<16xi32>
      }
      %while3A_574 = arith.constant 1 : i32
      %while3A_575:4 = scf.for %while3A_589 = %while3A_571 to %while3A_567 step %while3A_574 iter_args(%while3A_590 = %while3A_573#0, %while3A_591 = %while3A_573#1, %while3A_592 = %while3A_573#2, %while3A_593 = %while3A_573#3) -> (vector<16xf32>, vector<16xf32>, vector<16xi32>, vector<16xi32>)  : i32 {
        %gather3A = tpu.vector_load_idx %arg7[%while3A_592] : memref<32000xi32, #tpu.memory_space<vmem>>[vector<16xi32>], vector<16xi32>,
        %lt3A = arith.cmpi slt, %while3A_593, %shift_right_logical3A_180 : vector<16xi32>
        %select_n3A = arith.select %lt3A, %gather3A, %broadcast_in_dim3A_158 : vector<16xi1>, vector<16xi32>
        %gather3A_594 = tpu.vector_load_idx %arg5[%select_n3A] : memref<32784xf32, #tpu.memory_space<vmem>>[vector<16xi32>], vector<16xf32>,
        %sub3A_595 = vector.broadcast %reduce_max3A_176 : f32 to vector<16xf32>
        %sub3A_596 = arith.subf %gather3A_594, %sub3A_595 : vector<16xf32>
        %gt3A = vector.broadcast %while3A_559 : f32 to vector<16xf32>
        %gt3A_597 = arith.cmpf ogt, %sub3A_596, %gt3A : vector<16xf32>
        %jit3A = arith.constant 0.000000e+00 : f32
        %broadcast_in_dim3A_598 = vector.broadcast %jit3A : f32 to vector<16xf32>
        %select_n3A_599 = arith.select %gt3A_597, %sub3A_596, %broadcast_in_dim3A_598 : vector<16xi1>, vector<16xf32>
        %add3A_600 = arith.addf %while3A_590, %select_n3A_599 : vector<16xf32>
        %jit3A_601 = arith.constant 1.000000e+00 : f32
        %jit3A_602 = arith.constant 0.000000e+00 : f32
        %broadcast_in_dim3A_603 = vector.broadcast %jit3A_601 : f32 to vector<16xf32>
        %broadcast_in_dim3A_604 = vector.broadcast %jit3A_602 : f32 to vector<16xf32>
        %select_n3A_605 = arith.select %gt3A_597, %broadcast_in_dim3A_603, %broadcast_in_dim3A_604 : vector<16xi1>, vector<16xf32>
        %add3A_606 = arith.addf %while3A_591, %select_n3A_605 : vector<16xf32>
        %add3A_607 = arith.addi %while3A_592, %broadcast_in_dim3A_156 : vector<16xi32>
        %add3A_608 = arith.addi %while3A_593, %broadcast_in_dim3A_152 : vector<16xi32>
        scf.yield %add3A_600, %add3A_606, %add3A_607, %add3A_608 : vector<16xf32>, vector<16xf32>, vector<16xi32>, vector<16xi32>
      }
      %reduce_sum3A = arith.constant true
      %reduce_sum3A_576 = vector.broadcast %reduce_sum3A : i1 to vector<16xi1>
      %reduce_sum3A_577 = tpu.scan <sum>, %while3A_575#0 masked %reduce_sum3A_576 : vector<16xf32>, vector<16xi1> -> vector<16xf32>
      %reduce_sum3A_578 = vector.extract %reduce_sum3A_577[15] : f32 from vector<16xf32>
      %reduce_sum3A_579 = arith.constant true
      %reduce_sum3A_580 = vector.broadcast %reduce_sum3A_579 : i1 to vector<16xi1>
      %reduce_sum3A_581 = tpu.scan <sum>, %while3A_575#1 masked %reduce_sum3A_580 : vector<16xf32>, vector<16xi1> -> vector<16xf32>
      %reduce_sum3A_582 = vector.extract %reduce_sum3A_581[15] : f32 from vector<16xf32>
      %sub3A_583 = arith.constant 1.000000e+00 : f32
      %sub3A_584 = arith.subf %reduce_sum3A_578, %sub3A_583 : f32
      %broadcast_in_dim3A_585 = vector.broadcast %sub3A_584 : f32 to vector<16xf32>
      %broadcast_in_dim3A_586 = vector.broadcast %reduce_sum3A_582 : f32 to vector<16xf32>
      %div3A = arith.divf %broadcast_in_dim3A_585, %broadcast_in_dim3A_586 : vector<16xf32>
      %slice3A = vector.extract_strided_slice %div3A {offsets = [0], sizes = [1], strides = [1]} : vector<16xf32> to vector<1xf32>
      %squeeze3A = vector.extract %slice3A[0] : f32 from vector<1xf32>
      %add3A_587 = arith.constant 1 : i32
      %add3A_588 = arith.addi %while3A_560, %add3A_587 : i32
      scf.yield %while3A_559, %squeeze3A, %add3A_588 : f32, f32, i32
    }
    %max3A_196 = arith.maximumf %while3A_195#0, %while3A_195#1 : f32
    %add3A_197 = arith.addf %reduce_max3A_176, %max3A_196 : f32
    %add3A_198 = arith.constant 0 : i32
    %add3A_199 = arith.addi %mul3A_2, %add3A_198 : i32
    %dma_wait3A_200 = arith.constant 0 : i32
    %dma_wait3A_201 = tpu.memref_slice %arg6[%dma_wait3A_200] : memref<32784xf32, #tpu.memory_space<vmem>> -> memref<32768xf32, #tpu.memory_space<vmem>>
    %dma_wait3A_202 = arith.constant 0 : i32
    %dma_wait3A_203 = tpu.memref_slice %arg3[%add3A_199, %dma_wait3A_202] : memref<128x32768xf32, #tpu.memory_space<hbm>> -> memref<1x32768xf32, #tpu.memory_space<hbm>>
    %dma_wait3A_204 = tpu.memref_squeeze %dma_wait3A_203 : memref<1x32768xf32, #tpu.memory_space<hbm>> -> memref<32768xf32, #tpu.memory_space<hbm>>
    %dma_wait3A_205 = arith.constant 0 : i32
    %dma_wait3A_206 = tpu.memref_slice %arg3[%add3A_199, %dma_wait3A_205] : memref<128x32768xf32, #tpu.memory_space<hbm>> -> memref<1x32768xf32, #tpu.memory_space<hbm>>
    %dma_wait3A_207 = tpu.memref_squeeze %dma_wait3A_206 : memref<1x32768xf32, #tpu.memory_space<hbm>> -> memref<32768xf32, #tpu.memory_space<hbm>>
    %dma_wait3A_208 = arith.constant 0 : i32
    %dma_wait3A_209 = tpu.memref_slice %arg6[%dma_wait3A_208] : memref<32784xf32, #tpu.memory_space<vmem>> -> memref<32768xf32, #tpu.memory_space<vmem>>
    tpu.wait_dma2 semaphore(%arg10 : memref<!tpu.dma_semaphore, #tpu.memory_space<semaphore_mem>>) src(%dma_wait3A_209 : memref<32768xf32, #tpu.memory_space<vmem>>) dst(%dma_wait3A_207 : memref<32768xf32, #tpu.memory_space<hbm>>)
    %iota3A_210 = tpu.iota {dimensions = array<i32: 0>} : vector<16xi32>
    %broadcast_in_dim3A_211 = arith.constant 1 : i32
    %broadcast_in_dim3A_212 = vector.broadcast %broadcast_in_dim3A_211 : i32 to vector<16xi32>
    %broadcast_in_dim3A_213 = arith.constant 0 : i32
    %broadcast_in_dim3A_214 = vector.broadcast %broadcast_in_dim3A_213 : i32 to vector<16xi32>
    %broadcast_in_dim3A_215 = arith.constant 16 : i32
    %broadcast_in_dim3A_216 = vector.broadcast %broadcast_in_dim3A_215 : i32 to vector<16xi32>
    %broadcast_in_dim3A_217 = arith.constant 0.000000e+00 : f32
    %broadcast_in_dim3A_218 = vector.broadcast %broadcast_in_dim3A_217 : f32 to vector<16xf32>
    %broadcast_in_dim3A_219 = arith.constant 32768 : i32
    %broadcast_in_dim3A_220 = vector.broadcast %broadcast_in_dim3A_219 : i32 to vector<16xi32>
    %add3A_221 = arith.constant 0 : i32
    %add3A_222 = vector.broadcast %add3A_221 : i32 to vector<16xi32>
    %add3A_223 = arith.addi %iota3A_210, %add3A_222 : vector<16xi32>
    %while3A_224 = arith.constant 0 : i32
    %while3A_225 = arith.subi %reduce_max3A_86, %while3A_224 : i32
    %while3A_226 = arith.addi %while3A_224, %while3A_225 : i32
    %while3A_227 = arith.constant 1 : i32
    %while3A_228 = arith.divsi %while3A_225, %while3A_227 : i32
    %while3A_229 = arith.muli %while3A_228, %while3A_227 : i32
    %while3A_230 = arith.addi %while3A_224, %while3A_229 : i32
    %while3A_231 = arith.constant 1 : i32
    %while3A_232:2 = scf.for %while3A_558 = %while3A_224 to %while3A_230 step %while3A_231 iter_args(%while3A_559 = %add3A_223, %while3A_560 = %broadcast_in_dim3A_214) -> (vector<16xi32>, vector<16xi32>)  : i32 {
      %gather3A = tpu.vector_load_idx %arg7[%while3A_559] : memref<32000xi32, #tpu.memory_space<vmem>>[vector<16xi32>], vector<16xi32>,
      %lt3A = arith.cmpi slt, %while3A_560, %shift_right_logical3A_76 : vector<16xi32>
      %select_n3A = arith.select %lt3A, %gather3A, %broadcast_in_dim3A_220 : vector<16xi1>, vector<16xi32>
      tpu.vector_store_idx %arg6[%select_n3A], %broadcast_in_dim3A_218 : memref<32784xf32, #tpu.memory_space<vmem>>[vector<16xi32>], vector<16xf32>,
      %add3A_561 = arith.addi %while3A_559, %broadcast_in_dim3A_216 : vector<16xi32>
      %add3A_562 = arith.addi %while3A_560, %broadcast_in_dim3A_212 : vector<16xi32>
      scf.yield %add3A_561, %add3A_562 : vector<16xi32>, vector<16xi32>
    }
    %while3A_233 = arith.constant 1 : i32
    %while3A_234:2 = scf.for %while3A_558 = %while3A_230 to %while3A_226 step %while3A_233 iter_args(%while3A_559 = %while3A_232#0, %while3A_560 = %while3A_232#1) -> (vector<16xi32>, vector<16xi32>)  : i32 {
      %gather3A = tpu.vector_load_idx %arg7[%while3A_559] : memref<32000xi32, #tpu.memory_space<vmem>>[vector<16xi32>], vector<16xi32>,
      %lt3A = arith.cmpi slt, %while3A_560, %shift_right_logical3A_76 : vector<16xi32>
      %select_n3A = arith.select %lt3A, %gather3A, %broadcast_in_dim3A_220 : vector<16xi1>, vector<16xi32>
      tpu.vector_store_idx %arg6[%select_n3A], %broadcast_in_dim3A_218 : memref<32784xf32, #tpu.memory_space<vmem>>[vector<16xi32>], vector<16xf32>,
      %add3A_561 = arith.addi %while3A_559, %broadcast_in_dim3A_216 : vector<16xi32>
      %add3A_562 = arith.addi %while3A_560, %broadcast_in_dim3A_212 : vector<16xi32>
      scf.yield %add3A_561, %add3A_562 : vector<16xi32>, vector<16xi32>
    }
    %iota3A_235 = tpu.iota {dimensions = array<i32: 0>} : vector<16xi32>
    %broadcast_in_dim3A_236 = arith.constant 1 : i32
    %broadcast_in_dim3A_237 = vector.broadcast %broadcast_in_dim3A_236 : i32 to vector<16xi32>
    %broadcast_in_dim3A_238 = arith.constant 0 : i32
    %broadcast_in_dim3A_239 = vector.broadcast %broadcast_in_dim3A_238 : i32 to vector<16xi32>
    %broadcast_in_dim3A_240 = arith.constant 16 : i32
    %broadcast_in_dim3A_241 = vector.broadcast %broadcast_in_dim3A_240 : i32 to vector<16xi32>
    %broadcast_in_dim3A_242 = arith.constant 32768 : i32
    %broadcast_in_dim3A_243 = vector.broadcast %broadcast_in_dim3A_242 : i32 to vector<16xi32>
    %add3A_244 = arith.constant 16000 : i32
    %add3A_245 = vector.broadcast %add3A_244 : i32 to vector<16xi32>
    %add3A_246 = arith.addi %iota3A_235, %add3A_245 : vector<16xi32>
    %while3A_247 = arith.constant 0 : i32
    %while3A_248 = arith.subi %reduce_max3A_191, %while3A_247 : i32
    %while3A_249 = arith.addi %while3A_247, %while3A_248 : i32
    %while3A_250 = arith.constant 1 : i32
    %while3A_251 = arith.divsi %while3A_248, %while3A_250 : i32
    %while3A_252 = arith.muli %while3A_251, %while3A_250 : i32
    %while3A_253 = arith.addi %while3A_247, %while3A_252 : i32
    %while3A_254 = arith.constant 1 : i32
    %while3A_255:2 = scf.for %while3A_558 = %while3A_247 to %while3A_253 step %while3A_254 iter_args(%while3A_559 = %add3A_246, %while3A_560 = %broadcast_in_dim3A_239) -> (vector<16xi32>, vector<16xi32>)  : i32 {
      %gather3A = tpu.vector_load_idx %arg7[%while3A_559] : memref<32000xi32, #tpu.memory_space<vmem>>[vector<16xi32>], vector<16xi32>,
      %lt3A = arith.cmpi slt, %while3A_560, %shift_right_logical3A_180 : vector<16xi32>
      %select_n3A = arith.select %lt3A, %gather3A, %broadcast_in_dim3A_243 : vector<16xi1>, vector<16xi32>
      %gather3A_561 = tpu.vector_load_idx %arg5[%select_n3A] : memref<32784xf32, #tpu.memory_space<vmem>>[vector<16xi32>], vector<16xf32>,
      %sub3A_562 = vector.broadcast %add3A_197 : f32 to vector<16xf32>
      %sub3A_563 = arith.subf %gather3A_561, %sub3A_562 : vector<16xf32>
      %max3A_564 = arith.constant 0.000000e+00 : f32
      %max3A_565 = vector.broadcast %max3A_564 : f32 to vector<16xf32>
      %max3A_566 = arith.maximumf %sub3A_563, %max3A_565 : vector<16xf32>
      tpu.vector_store_idx %arg6[%select_n3A], %max3A_566 : memref<32784xf32, #tpu.memory_space<vmem>>[vector<16xi32>], vector<16xf32>,
      %add3A_567 = arith.addi %while3A_559, %broadcast_in_dim3A_241 : vector<16xi32>
      %add3A_568 = arith.addi %while3A_560, %broadcast_in_dim3A_237 : vector<16xi32>
      scf.yield %add3A_567, %add3A_568 : vector<16xi32>, vector<16xi32>
    }
    %while3A_256 = arith.constant 1 : i32
    %while3A_257:2 = scf.for %while3A_558 = %while3A_253 to %while3A_249 step %while3A_256 iter_args(%while3A_559 = %while3A_255#0, %while3A_560 = %while3A_255#1) -> (vector<16xi32>, vector<16xi32>)  : i32 {
      %gather3A = tpu.vector_load_idx %arg7[%while3A_559] : memref<32000xi32, #tpu.memory_space<vmem>>[vector<16xi32>], vector<16xi32>,
      %lt3A = arith.cmpi slt, %while3A_560, %shift_right_logical3A_180 : vector<16xi32>
      %select_n3A = arith.select %lt3A, %gather3A, %broadcast_in_dim3A_243 : vector<16xi1>, vector<16xi32>
      %gather3A_561 = tpu.vector_load_idx %arg5[%select_n3A] : memref<32784xf32, #tpu.memory_space<vmem>>[vector<16xi32>], vector<16xf32>,
      %sub3A_562 = vector.broadcast %add3A_197 : f32 to vector<16xf32>
      %sub3A_563 = arith.subf %gather3A_561, %sub3A_562 : vector<16xf32>
      %max3A_564 = arith.constant 0.000000e+00 : f32
      %max3A_565 = vector.broadcast %max3A_564 : f32 to vector<16xf32>
      %max3A_566 = arith.maximumf %sub3A_563, %max3A_565 : vector<16xf32>
      tpu.vector_store_idx %arg6[%select_n3A], %max3A_566 : memref<32784xf32, #tpu.memory_space<vmem>>[vector<16xi32>], vector<16xf32>,
      %add3A_567 = arith.addi %while3A_559, %broadcast_in_dim3A_241 : vector<16xi32>
      %add3A_568 = arith.addi %while3A_560, %broadcast_in_dim3A_237 : vector<16xi32>
      scf.yield %add3A_567, %add3A_568 : vector<16xi32>, vector<16xi32>
    }
    %add3A_258 = arith.constant 1 : i32
    %add3A_259 = arith.addi %mul3A_2, %add3A_258 : i32
    %dma_start3A_260 = arith.constant 0 : i32
    %dma_start3A_261 = tpu.memref_slice %arg6[%dma_start3A_260] : memref<32784xf32, #tpu.memory_space<vmem>> -> memref<32768xf32, #tpu.memory_space<vmem>>
    %dma_start3A_262 = arith.constant 0 : i32
    %dma_start3A_263 = tpu.memref_slice %arg3[%add3A_259, %dma_start3A_262] : memref<128x32768xf32, #tpu.memory_space<hbm>> -> memref<1x32768xf32, #tpu.memory_space<hbm>>
    %dma_start3A_264 = tpu.memref_squeeze %dma_start3A_263 : memref<1x32768xf32, #tpu.memory_space<hbm>> -> memref<32768xf32, #tpu.memory_space<hbm>>
    %dma_start3A_265 = arith.constant 0 : i32
    %dma_start3A_266 = tpu.memref_slice %arg3[%add3A_259, %dma_start3A_265] : memref<128x32768xf32, #tpu.memory_space<hbm>> -> memref<1x32768xf32, #tpu.memory_space<hbm>>
    %dma_start3A_267 = tpu.memref_squeeze %dma_start3A_266 : memref<1x32768xf32, #tpu.memory_space<hbm>> -> memref<32768xf32, #tpu.memory_space<hbm>>
    %dma_start3A_268 = arith.constant 0 : i32
    %dma_start3A_269 = tpu.memref_slice %arg6[%dma_start3A_268] : memref<32784xf32, #tpu.memory_space<vmem>> -> memref<32768xf32, #tpu.memory_space<vmem>>
    tpu.enqueue_dma source(%dma_start3A_269 : memref<32768xf32, #tpu.memory_space<vmem>>) target(%dma_start3A_267 : memref<32768xf32, #tpu.memory_space<hbm>>) target_semaphore(%arg10 : memref<!tpu.dma_semaphore, #tpu.memory_space<semaphore_mem>>)
    %add3A_270 = arith.constant 3 : i32
    %add3A_271 = arith.addi %mul3A_2, %add3A_270 : i32
    %dma_start3A_272 = arith.constant 0 : i32
    %dma_start3A_273 = tpu.memref_slice %arg5[%dma_start3A_272] : memref<32784xf32, #tpu.memory_space<vmem>> -> memref<32768xf32, #tpu.memory_space<vmem>>
    %dma_start3A_274 = arith.constant 0 : i32
    %dma_start3A_275 = tpu.memref_slice %arg2[%add3A_271, %dma_start3A_274] : memref<128x32768xf32, #tpu.memory_space<hbm>> -> memref<1x32768xf32, #tpu.memory_space<hbm>>
    %dma_start3A_276 = tpu.memref_squeeze %dma_start3A_275 : memref<1x32768xf32, #tpu.memory_space<hbm>> -> memref<32768xf32, #tpu.memory_space<hbm>>
    %dma_start3A_277 = arith.constant 0 : i32
    %dma_start3A_278 = tpu.memref_slice %arg5[%dma_start3A_277] : memref<32784xf32, #tpu.memory_space<vmem>> -> memref<32768xf32, #tpu.memory_space<vmem>>
    %dma_start3A_279 = arith.constant 0 : i32
    %dma_start3A_280 = tpu.memref_slice %arg2[%add3A_271, %dma_start3A_279] : memref<128x32768xf32, #tpu.memory_space<hbm>> -> memref<1x32768xf32, #tpu.memory_space<hbm>>
    %dma_start3A_281 = tpu.memref_squeeze %dma_start3A_280 : memref<1x32768xf32, #tpu.memory_space<hbm>> -> memref<32768xf32, #tpu.memory_space<hbm>>
    tpu.enqueue_dma source(%dma_start3A_281 : memref<32768xf32, #tpu.memory_space<hbm>>) target(%dma_start3A_278 : memref<32768xf32, #tpu.memory_space<vmem>>) target_semaphore(%arg9 : memref<!tpu.dma_semaphore, #tpu.memory_space<semaphore_mem>>)
    %add3A_282 = arith.constant 2 : i32
    %add3A_283 = arith.addi %mul3A_2, %add3A_282 : i32
    %dma_wait3A_284 = arith.constant 0 : i32
    %dma_wait3A_285 = tpu.memref_slice %arg4[%dma_wait3A_284] : memref<32784xf32, #tpu.memory_space<vmem>> -> memref<32768xf32, #tpu.memory_space<vmem>>
    %dma_wait3A_286 = arith.constant 0 : i32
    %dma_wait3A_287 = tpu.memref_slice %arg2[%add3A_283, %dma_wait3A_286] : memref<128x32768xf32, #tpu.memory_space<hbm>> -> memref<1x32768xf32, #tpu.memory_space<hbm>>
    %dma_wait3A_288 = tpu.memref_squeeze %dma_wait3A_287 : memref<1x32768xf32, #tpu.memory_space<hbm>> -> memref<32768xf32, #tpu.memory_space<hbm>>
    %dma_wait3A_289 = arith.constant 0 : i32
    %dma_wait3A_290 = tpu.memref_slice %arg4[%dma_wait3A_289] : memref<32784xf32, #tpu.memory_space<vmem>> -> memref<32768xf32, #tpu.memory_space<vmem>>
    %dma_wait3A_291 = arith.constant 0 : i32
    %dma_wait3A_292 = tpu.memref_slice %arg2[%add3A_283, %dma_wait3A_291] : memref<128x32768xf32, #tpu.memory_space<hbm>> -> memref<1x32768xf32, #tpu.memory_space<hbm>>
    %dma_wait3A_293 = tpu.memref_squeeze %dma_wait3A_292 : memref<1x32768xf32, #tpu.memory_space<hbm>> -> memref<32768xf32, #tpu.memory_space<hbm>>
    tpu.wait_dma2 semaphore(%arg8 : memref<!tpu.dma_semaphore, #tpu.memory_space<semaphore_mem>>) src(%dma_wait3A_293 : memref<32768xf32, #tpu.memory_space<hbm>>) dst(%dma_wait3A_290 : memref<32768xf32, #tpu.memory_space<vmem>>)
    %iota3A_294 = tpu.iota {dimensions = array<i32: 0>} : vector<16xi32>
    %broadcast_in_dim3A_295 = arith.constant 1 : i32
    %broadcast_in_dim3A_296 = vector.broadcast %broadcast_in_dim3A_295 : i32 to vector<16xi32>
    %broadcast_in_dim3A_297 = arith.constant 0 : i32
    %broadcast_in_dim3A_298 = vector.broadcast %broadcast_in_dim3A_297 : i32 to vector<16xi32>
    %broadcast_in_dim3A_299 = arith.constant 16 : i32
    %broadcast_in_dim3A_300 = vector.broadcast %broadcast_in_dim3A_299 : i32 to vector<16xi32>
    %broadcast_in_dim3A_301 = arith.constant 32768 : i32
    %broadcast_in_dim3A_302 = vector.broadcast %broadcast_in_dim3A_301 : i32 to vector<16xi32>
    %add3A_303 = arith.constant 0 : i32
    %add3A_304 = vector.broadcast %add3A_303 : i32 to vector<16xi32>
    %add3A_305 = arith.addi %iota3A_294, %add3A_304 : vector<16xi32>
    %add3A_306 = arith.constant 15984 : i32
    %add3A_307 = vector.broadcast %add3A_306 : i32 to vector<16xi32>
    %add3A_308 = arith.addi %add3A_305, %add3A_307 : vector<16xi32>
    %broadcast_in_dim3A_309 = arith.constant 0xFF800000 : f32
    %broadcast_in_dim3A_310 = vector.broadcast %broadcast_in_dim3A_309 : f32 to vector<16xf32>
    %scan3A_311 = arith.constant 0 : i32
    %scan3A_312 = arith.constant 256 : i32
    %scan3A_313 = arith.addi %scan3A_311, %scan3A_312 : i32
    %scan3A_314 = arith.constant 1 : i32
    %scan3A_315:3 = scf.for %scan3A_558 = %scan3A_311 to %scan3A_313 step %scan3A_314 iter_args(%scan3A_559 = %broadcast_in_dim3A_310, %scan3A_560 = %add3A_305, %scan3A_561 = %iota3A_294) -> (vector<16xf32>, vector<16xi32>, vector<16xi32>)  : i32 {
      %sub3A_562 = arith.constant 1.000000e+00 : f32
      %sub3A_563 = vector.broadcast %sub3A_562 : f32 to vector<16xf32>
      %sub3A_564 = arith.subf %scan3A_559, %sub3A_563 : vector<16xf32>
      %mul3A_565 = arith.constant 8 : i32
      %mul3A_566 = arith.muli %scan3A_558, %mul3A_565 : i32
      %add3A_567 = arith.constant 0 : i32
      %add3A_568 = arith.addi %mul3A_566, %add3A_567 : i32
      %mul3A_569 = arith.constant 16 : i32
      %mul3A_570 = arith.muli %add3A_568, %mul3A_569 : i32
      %get3A = arith.index_cast %mul3A_570 : i32 to index
      %get3A_571 = tpu.vector_load %arg4[%get3A] {strides = array<i32>} : memref<32784xf32, #tpu.memory_space<vmem>>, vector<16xf32>,
      %mul3A_572 = arith.constant 8 : i32
      %mul3A_573 = arith.muli %scan3A_558, %mul3A_572 : i32
      %add3A_574 = arith.constant 1 : i32
      %add3A_575 = arith.addi %mul3A_573, %add3A_574 : i32
      %mul3A_576 = arith.constant 16 : i32
      %mul3A_577 = arith.muli %add3A_575, %mul3A_576 : i32
      %get3A_578 = arith.index_cast %mul3A_577 : i32 to index
      %get3A_579 = tpu.vector_load %arg4[%get3A_578] {strides = array<i32>} : memref<32784xf32, #tpu.memory_space<vmem>>, vector<16xf32>,
      %mul3A_580 = arith.constant 8 : i32
      %mul3A_581 = arith.muli %scan3A_558, %mul3A_580 : i32
      %add3A_582 = arith.constant 2 : i32
      %add3A_583 = arith.addi %mul3A_581, %add3A_582 : i32
      %mul3A_584 = arith.constant 16 : i32
      %mul3A_585 = arith.muli %add3A_583, %mul3A_584 : i32
      %get3A_586 = arith.index_cast %mul3A_585 : i32 to index
      %get3A_587 = tpu.vector_load %arg4[%get3A_586] {strides = array<i32>} : memref<32784xf32, #tpu.memory_space<vmem>>, vector<16xf32>,
      %mul3A_588 = arith.constant 8 : i32
      %mul3A_589 = arith.muli %scan3A_558, %mul3A_588 : i32
      %add3A_590 = arith.constant 3 : i32
      %add3A_591 = arith.addi %mul3A_589, %add3A_590 : i32
      %mul3A_592 = arith.constant 16 : i32
      %mul3A_593 = arith.muli %add3A_591, %mul3A_592 : i32
      %get3A_594 = arith.index_cast %mul3A_593 : i32 to index
      %get3A_595 = tpu.vector_load %arg4[%get3A_594] {strides = array<i32>} : memref<32784xf32, #tpu.memory_space<vmem>>, vector<16xf32>,
      %mul3A_596 = arith.constant 8 : i32
      %mul3A_597 = arith.muli %scan3A_558, %mul3A_596 : i32
      %add3A_598 = arith.constant 4 : i32
      %add3A_599 = arith.addi %mul3A_597, %add3A_598 : i32
      %mul3A_600 = arith.constant 16 : i32
      %mul3A_601 = arith.muli %add3A_599, %mul3A_600 : i32
      %get3A_602 = arith.index_cast %mul3A_601 : i32 to index
      %get3A_603 = tpu.vector_load %arg4[%get3A_602] {strides = array<i32>} : memref<32784xf32, #tpu.memory_space<vmem>>, vector<16xf32>,
      %mul3A_604 = arith.constant 8 : i32
      %mul3A_605 = arith.muli %scan3A_558, %mul3A_604 : i32
      %add3A_606 = arith.constant 5 : i32
      %add3A_607 = arith.addi %mul3A_605, %add3A_606 : i32
      %mul3A_608 = arith.constant 16 : i32
      %mul3A_609 = arith.muli %add3A_607, %mul3A_608 : i32
      %get3A_610 = arith.index_cast %mul3A_609 : i32 to index
      %get3A_611 = tpu.vector_load %arg4[%get3A_610] {strides = array<i32>} : memref<32784xf32, #tpu.memory_space<vmem>>, vector<16xf32>,
      %mul3A_612 = arith.constant 8 : i32
      %mul3A_613 = arith.muli %scan3A_558, %mul3A_612 : i32
      %add3A_614 = arith.constant 6 : i32
      %add3A_615 = arith.addi %mul3A_613, %add3A_614 : i32
      %mul3A_616 = arith.constant 16 : i32
      %mul3A_617 = arith.muli %add3A_615, %mul3A_616 : i32
      %get3A_618 = arith.index_cast %mul3A_617 : i32 to index
      %get3A_619 = tpu.vector_load %arg4[%get3A_618] {strides = array<i32>} : memref<32784xf32, #tpu.memory_space<vmem>>, vector<16xf32>,
      %mul3A_620 = arith.constant 8 : i32
      %mul3A_621 = arith.muli %scan3A_558, %mul3A_620 : i32
      %add3A_622 = arith.constant 7 : i32
      %add3A_623 = arith.addi %mul3A_621, %add3A_622 : i32
      %mul3A_624 = arith.constant 16 : i32
      %mul3A_625 = arith.muli %add3A_623, %mul3A_624 : i32
      %get3A_626 = arith.index_cast %mul3A_625 : i32 to index
      %get3A_627 = tpu.vector_load %arg4[%get3A_626] {strides = array<i32>} : memref<32784xf32, #tpu.memory_space<vmem>>, vector<16xf32>,
      %gt3A = arith.cmpf ogt, %get3A_571, %sub3A_564 : vector<16xf32>
      %gt3A_628 = arith.cmpf ogt, %get3A_579, %sub3A_564 : vector<16xf32>
      %gt3A_629 = arith.cmpf ogt, %get3A_587, %sub3A_564 : vector<16xf32>
      %gt3A_630 = arith.cmpf ogt, %get3A_595, %sub3A_564 : vector<16xf32>
      %gt3A_631 = arith.cmpf ogt, %get3A_603, %sub3A_564 : vector<16xf32>
      %gt3A_632 = arith.cmpf ogt, %get3A_611, %sub3A_564 : vector<16xf32>
      %gt3A_633 = arith.cmpf ogt, %get3A_619, %sub3A_564 : vector<16xf32>
      %gt3A_634 = arith.cmpf ogt, %get3A_627, %sub3A_564 : vector<16xf32>
      %select_n3A = arith.select %gt3A, %broadcast_in_dim3A_300, %broadcast_in_dim3A_298 : vector<16xi1>, vector<16xi32>
      %select_n3A_635 = arith.select %gt3A_628, %broadcast_in_dim3A_300, %broadcast_in_dim3A_298 : vector<16xi1>, vector<16xi32>
      %select_n3A_636 = arith.select %gt3A_629, %broadcast_in_dim3A_300, %broadcast_in_dim3A_298 : vector<16xi1>, vector<16xi32>
      %select_n3A_637 = arith.select %gt3A_630, %broadcast_in_dim3A_300, %broadcast_in_dim3A_298 : vector<16xi1>, vector<16xi32>
      %select_n3A_638 = arith.select %gt3A_631, %broadcast_in_dim3A_300, %broadcast_in_dim3A_298 : vector<16xi1>, vector<16xi32>
      %select_n3A_639 = arith.select %gt3A_632, %broadcast_in_dim3A_300, %broadcast_in_dim3A_298 : vector<16xi1>, vector<16xi32>
      %select_n3A_640 = arith.select %gt3A_633, %broadcast_in_dim3A_300, %broadcast_in_dim3A_298 : vector<16xi1>, vector<16xi32>
      %select_n3A_641 = arith.select %gt3A_634, %broadcast_in_dim3A_300, %broadcast_in_dim3A_298 : vector<16xi1>, vector<16xi32>
      %add3A_642 = arith.addi %select_n3A_635, %select_n3A : vector<16xi32>
      %add3A_643 = arith.addi %select_n3A_636, %select_n3A_635 : vector<16xi32>
      %add3A_644 = arith.addi %select_n3A_637, %select_n3A_636 : vector<16xi32>
      %add3A_645 = arith.addi %select_n3A_638, %select_n3A_637 : vector<16xi32>
      %add3A_646 = arith.addi %select_n3A_639, %select_n3A_638 : vector<16xi32>
      %add3A_647 = arith.addi %select_n3A_640, %select_n3A_639 : vector<16xi32>
      %add3A_648 = arith.addi %select_n3A_641, %select_n3A_640 : vector<16xi32>
      %add3A_649 = arith.addi %add3A_643, %select_n3A : vector<16xi32>
      %add3A_650 = arith.addi %add3A_644, %add3A_642 : vector<16xi32>
      %add3A_651 = arith.addi %add3A_645, %add3A_643 : vector<16xi32>
      %add3A_652 = arith.addi %add3A_646, %add3A_644 : vector<16xi32>
      %add3A_653 = arith.addi %add3A_647, %add3A_645 : vector<16xi32>
      %add3A_654 = arith.addi %add3A_648, %add3A_646 : vector<16xi32>
      %add3A_655 = arith.addi %add3A_651, %select_n3A : vector<16xi32>
      %add3A_656 = arith.addi %add3A_652, %add3A_642 : vector<16xi32>
      %add3A_657 = arith.addi %add3A_653, %add3A_649 : vector<16xi32>
      %add3A_658 = arith.addi %add3A_654, %add3A_650 : vector<16xi32>
      %min3A_659 = arith.minsi %scan3A_560, %add3A_308 : vector<16xi32>
      %add3A_660 = arith.constant 0 : i32
      %add3A_661 = vector.broadcast %add3A_660 : i32 to vector<16xi32>
      %add3A_662 = arith.addi %scan3A_561, %add3A_661 : vector<16xi32>
      tpu.vector_store_idx %arg7[%min3A_659], %add3A_662 masked %gt3A : memref<32000xi32, #tpu.memory_space<vmem>>[vector<16xi32>], vector<16xi32>, vector<16xi1>
      %add3A_663 = arith.addi %scan3A_560, %select_n3A : vector<16xi32>
      %min3A_664 = arith.minsi %add3A_663, %add3A_308 : vector<16xi32>
      %add3A_665 = arith.constant 16 : i32
      %add3A_666 = vector.broadcast %add3A_665 : i32 to vector<16xi32>
      %add3A_667 = arith.addi %scan3A_561, %add3A_666 : vector<16xi32>
      tpu.vector_store_idx %arg7[%min3A_664], %add3A_667 masked %gt3A_628 : memref<32000xi32, #tpu.memory_space<vmem>>[vector<16xi32>], vector<16xi32>, vector<16xi1>
      %add3A_668 = arith.addi %scan3A_560, %add3A_642 : vector<16xi32>
      %min3A_669 = arith.minsi %add3A_668, %add3A_308 : vector<16xi32>
      %add3A_670 = arith.constant 32 : i32
      %add3A_671 = vector.broadcast %add3A_670 : i32 to vector<16xi32>
      %add3A_672 = arith.addi %scan3A_561, %add3A_671 : vector<16xi32>
      tpu.vector_store_idx %arg7[%min3A_669], %add3A_672 masked %gt3A_629 : memref<32000xi32, #tpu.memory_space<vmem>>[vector<16xi32>], vector<16xi32>, vector<16xi1>
      %add3A_673 = arith.addi %scan3A_560, %add3A_649 : vector<16xi32>
      %min3A_674 = arith.minsi %add3A_673, %add3A_308 : vector<16xi32>
      %add3A_675 = arith.constant 48 : i32
      %add3A_676 = vector.broadcast %add3A_675 : i32 to vector<16xi32>
      %add3A_677 = arith.addi %scan3A_561, %add3A_676 : vector<16xi32>
      tpu.vector_store_idx %arg7[%min3A_674], %add3A_677 masked %gt3A_630 : memref<32000xi32, #tpu.memory_space<vmem>>[vector<16xi32>], vector<16xi32>, vector<16xi1>
      %add3A_678 = arith.addi %scan3A_560, %add3A_650 : vector<16xi32>
      %min3A_679 = arith.minsi %add3A_678, %add3A_308 : vector<16xi32>
      %add3A_680 = arith.constant 64 : i32
      %add3A_681 = vector.broadcast %add3A_680 : i32 to vector<16xi32>
      %add3A_682 = arith.addi %scan3A_561, %add3A_681 : vector<16xi32>
      tpu.vector_store_idx %arg7[%min3A_679], %add3A_682 masked %gt3A_631 : memref<32000xi32, #tpu.memory_space<vmem>>[vector<16xi32>], vector<16xi32>, vector<16xi1>
      %add3A_683 = arith.addi %scan3A_560, %add3A_655 : vector<16xi32>
      %min3A_684 = arith.minsi %add3A_683, %add3A_308 : vector<16xi32>
      %add3A_685 = arith.constant 80 : i32
      %add3A_686 = vector.broadcast %add3A_685 : i32 to vector<16xi32>
      %add3A_687 = arith.addi %scan3A_561, %add3A_686 : vector<16xi32>
      tpu.vector_store_idx %arg7[%min3A_684], %add3A_687 masked %gt3A_632 : memref<32000xi32, #tpu.memory_space<vmem>>[vector<16xi32>], vector<16xi32>, vector<16xi1>
      %add3A_688 = arith.addi %scan3A_560, %add3A_656 : vector<16xi32>
      %min3A_689 = arith.minsi %add3A_688, %add3A_308 : vector<16xi32>
      %add3A_690 = arith.constant 96 : i32
      %add3A_691 = vector.broadcast %add3A_690 : i32 to vector<16xi32>
      %add3A_692 = arith.addi %scan3A_561, %add3A_691 : vector<16xi32>
      tpu.vector_store_idx %arg7[%min3A_689], %add3A_692 masked %gt3A_633 : memref<32000xi32, #tpu.memory_space<vmem>>[vector<16xi32>], vector<16xi32>, vector<16xi1>
      %add3A_693 = arith.addi %scan3A_560, %add3A_657 : vector<16xi32>
      %min3A_694 = arith.minsi %add3A_693, %add3A_308 : vector<16xi32>
      %add3A_695 = arith.constant 112 : i32
      %add3A_696 = vector.broadcast %add3A_695 : i32 to vector<16xi32>
      %add3A_697 = arith.addi %scan3A_561, %add3A_696 : vector<16xi32>
      tpu.vector_store_idx %arg7[%min3A_694], %add3A_697 masked %gt3A_634 : memref<32000xi32, #tpu.memory_space<vmem>>[vector<16xi32>], vector<16xi32>, vector<16xi1>
      %max3A_698 = arith.maximumf %get3A_571, %get3A_579 : vector<16xf32>
      %max3A_699 = arith.maximumf %get3A_587, %get3A_595 : vector<16xf32>
      %max3A_700 = arith.maximumf %get3A_603, %get3A_611 : vector<16xf32>
      %max3A_701 = arith.maximumf %get3A_619, %get3A_627 : vector<16xf32>
      %max3A_702 = arith.maximumf %max3A_698, %max3A_699 : vector<16xf32>
      %max3A_703 = arith.maximumf %max3A_700, %max3A_701 : vector<16xf32>
      %max3A_704 = arith.maximumf %max3A_702, %max3A_703 : vector<16xf32>
      %max3A_705 = arith.maximumf %scan3A_559, %max3A_704 : vector<16xf32>
      %add3A_706 = arith.addi %scan3A_560, %add3A_658 : vector<16xi32>
      %add3A_707 = arith.constant 128 : i32
      %add3A_708 = vector.broadcast %add3A_707 : i32 to vector<16xi32>
      %add3A_709 = arith.addi %scan3A_561, %add3A_708 : vector<16xi32>
      scf.yield %max3A_705, %add3A_706, %add3A_709 : vector<16xf32>, vector<16xi32>, vector<16xi32>
    }
    %scan3A_316 = arith.constant 256 : i32
    %reduce_max3A_317 = arith.constant true
    %reduce_max3A_318 = vector.broadcast %reduce_max3A_317 : i1 to vector<16xi1>
    %reduce_max3A_319 = tpu.scan <max>, %scan3A_315#0 masked %reduce_max3A_318 : vector<16xf32>, vector<16xi1> -> vector<16xf32>
    %reduce_max3A_320 = vector.extract %reduce_max3A_319[15] : f32 from vector<16xf32>
    %sub3A_321 = arith.subi %scan3A_315#1, %add3A_305 : vector<16xi32>
    %shift_right_logical3A_322 = arith.constant 4 : i32
    %shift_right_logical3A_323 = vector.broadcast %shift_right_logical3A_322 : i32 to vector<16xi32>
    %shift_right_logical3A_324 = arith.shrui %sub3A_321, %shift_right_logical3A_323 : vector<16xi32>
    %min3A_325 = arith.constant 1000 : i32
    %min3A_326 = vector.broadcast %min3A_325 : i32 to vector<16xi32>
    %min3A_327 = arith.minsi %shift_right_logical3A_324, %min3A_326 : vector<16xi32>
    %reduce_max3A_328 = arith.constant true
    %reduce_max3A_329 = vector.broadcast %reduce_max3A_328 : i1 to vector<16xi1>
    %reduce_max3A_330 = arith.constant -2147483648 : i32
    %reduce_max3A_331 = vector.broadcast %reduce_max3A_330 : i32 to vector<16xi32>
    %reduce_max3A_332 = arith.xori %min3A_327, %reduce_max3A_331 : vector<16xi32>
    %reduce_max3A_333 = tpu.scan <max>, %reduce_max3A_332 masked %reduce_max3A_329 : vector<16xi32>, vector<16xi1> -> vector<16xi32>
    %reduce_max3A_334 = arith.xori %reduce_max3A_333, %reduce_max3A_331 : vector<16xi32>
    %reduce_max3A_335 = vector.extract %reduce_max3A_334[15] : i32 from vector<16xi32>
    %while3A_336 = arith.constant -2.000000e+00 : f32
    %while3A_337 = arith.constant -1.000000e+00 : f32
    %while3A_338 = arith.constant 0 : i32
    %while3A_339:3 = scf.while (%while3A_558 = %while3A_336, %while3A_559 = %while3A_337, %while3A_560 = %while3A_338) : (f32, f32, i32) -> (f32, f32, i32) {
      %gt3A = arith.cmpf ogt, %while3A_559, %while3A_558 : f32
      %lt3A = arith.constant 64 : i32
      %lt3A_561 = arith.cmpi slt, %while3A_560, %lt3A : i32
      %and3A = arith.andi %gt3A, %lt3A_561 : i1
      scf.condition(%and3A) %while3A_558, %while3A_559, %while3A_560 : f32, f32, i32
    } do {
    ^bb0(%while3A_558: f32, %while3A_559: f32, %while3A_560: i32):
      %broadcast_in_dim3A_561 = arith.constant 0.000000e+00 : f32
      %broadcast_in_dim3A_562 = vector.broadcast %broadcast_in_dim3A_561 : f32 to vector<16xf32>
      %broadcast_in_dim3A_563 = arith.constant 0.000000e+00 : f32
      %broadcast_in_dim3A_564 = vector.broadcast %broadcast_in_dim3A_563 : f32 to vector<16xf32>
      %while3A_565 = arith.constant 0 : i32
      %while3A_566 = arith.subi %reduce_max3A_335, %while3A_565 : i32
      %while3A_567 = arith.addi %while3A_565, %while3A_566 : i32
      %while3A_568 = arith.constant 1 : i32
      %while3A_569 = arith.divsi %while3A_566, %while3A_568 : i32
      %while3A_570 = arith.muli %while3A_569, %while3A_568 : i32
      %while3A_571 = arith.addi %while3A_565, %while3A_570 : i32
      %while3A_572 = arith.constant 1 : i32
      %while3A_573:4 = scf.for %while3A_589 = %while3A_565 to %while3A_571 step %while3A_572 iter_args(%while3A_590 = %broadcast_in_dim3A_562, %while3A_591 = %broadcast_in_dim3A_564, %while3A_592 = %add3A_305, %while3A_593 = %broadcast_in_dim3A_298) -> (vector<16xf32>, vector<16xf32>, vector<16xi32>, vector<16xi32>)  : i32 {
        %gather3A = tpu.vector_load_idx %arg7[%while3A_592] : memref<32000xi32, #tpu.memory_space<vmem>>[vector<16xi32>], vector<16xi32>,
        %lt3A = arith.cmpi slt, %while3A_593, %shift_right_logical3A_324 : vector<16xi32>
        %select_n3A = arith.select %lt3A, %gather3A, %broadcast_in_dim3A_302 : vector<16xi1>, vector<16xi32>
        %gather3A_594 = tpu.vector_load_idx %arg4[%select_n3A] : memref<32784xf32, #tpu.memory_space<vmem>>[vector<16xi32>], vector<16xf32>,
        %sub3A_595 = vector.broadcast %reduce_max3A_320 : f32 to vector<16xf32>
        %sub3A_596 = arith.subf %gather3A_594, %sub3A_595 : vector<16xf32>
        %gt3A = vector.broadcast %while3A_559 : f32 to vector<16xf32>
        %gt3A_597 = arith.cmpf ogt, %sub3A_596, %gt3A : vector<16xf32>
        %jit3A = arith.constant 0.000000e+00 : f32
        %broadcast_in_dim3A_598 = vector.broadcast %jit3A : f32 to vector<16xf32>
        %select_n3A_599 = arith.select %gt3A_597, %sub3A_596, %broadcast_in_dim3A_598 : vector<16xi1>, vector<16xf32>
        %add3A_600 = arith.addf %while3A_590, %select_n3A_599 : vector<16xf32>
        %jit3A_601 = arith.constant 1.000000e+00 : f32
        %jit3A_602 = arith.constant 0.000000e+00 : f32
        %broadcast_in_dim3A_603 = vector.broadcast %jit3A_601 : f32 to vector<16xf32>
        %broadcast_in_dim3A_604 = vector.broadcast %jit3A_602 : f32 to vector<16xf32>
        %select_n3A_605 = arith.select %gt3A_597, %broadcast_in_dim3A_603, %broadcast_in_dim3A_604 : vector<16xi1>, vector<16xf32>
        %add3A_606 = arith.addf %while3A_591, %select_n3A_605 : vector<16xf32>
        %add3A_607 = arith.addi %while3A_592, %broadcast_in_dim3A_300 : vector<16xi32>
        %add3A_608 = arith.addi %while3A_593, %broadcast_in_dim3A_296 : vector<16xi32>
        scf.yield %add3A_600, %add3A_606, %add3A_607, %add3A_608 : vector<16xf32>, vector<16xf32>, vector<16xi32>, vector<16xi32>
      }
      %while3A_574 = arith.constant 1 : i32
      %while3A_575:4 = scf.for %while3A_589 = %while3A_571 to %while3A_567 step %while3A_574 iter_args(%while3A_590 = %while3A_573#0, %while3A_591 = %while3A_573#1, %while3A_592 = %while3A_573#2, %while3A_593 = %while3A_573#3) -> (vector<16xf32>, vector<16xf32>, vector<16xi32>, vector<16xi32>)  : i32 {
        %gather3A = tpu.vector_load_idx %arg7[%while3A_592] : memref<32000xi32, #tpu.memory_space<vmem>>[vector<16xi32>], vector<16xi32>,
        %lt3A = arith.cmpi slt, %while3A_593, %shift_right_logical3A_324 : vector<16xi32>
        %select_n3A = arith.select %lt3A, %gather3A, %broadcast_in_dim3A_302 : vector<16xi1>, vector<16xi32>
        %gather3A_594 = tpu.vector_load_idx %arg4[%select_n3A] : memref<32784xf32, #tpu.memory_space<vmem>>[vector<16xi32>], vector<16xf32>,
        %sub3A_595 = vector.broadcast %reduce_max3A_320 : f32 to vector<16xf32>
        %sub3A_596 = arith.subf %gather3A_594, %sub3A_595 : vector<16xf32>
        %gt3A = vector.broadcast %while3A_559 : f32 to vector<16xf32>
        %gt3A_597 = arith.cmpf ogt, %sub3A_596, %gt3A : vector<16xf32>
        %jit3A = arith.constant 0.000000e+00 : f32
        %broadcast_in_dim3A_598 = vector.broadcast %jit3A : f32 to vector<16xf32>
        %select_n3A_599 = arith.select %gt3A_597, %sub3A_596, %broadcast_in_dim3A_598 : vector<16xi1>, vector<16xf32>
        %add3A_600 = arith.addf %while3A_590, %select_n3A_599 : vector<16xf32>
        %jit3A_601 = arith.constant 1.000000e+00 : f32
        %jit3A_602 = arith.constant 0.000000e+00 : f32
        %broadcast_in_dim3A_603 = vector.broadcast %jit3A_601 : f32 to vector<16xf32>
        %broadcast_in_dim3A_604 = vector.broadcast %jit3A_602 : f32 to vector<16xf32>
        %select_n3A_605 = arith.select %gt3A_597, %broadcast_in_dim3A_603, %broadcast_in_dim3A_604 : vector<16xi1>, vector<16xf32>
        %add3A_606 = arith.addf %while3A_591, %select_n3A_605 : vector<16xf32>
        %add3A_607 = arith.addi %while3A_592, %broadcast_in_dim3A_300 : vector<16xi32>
        %add3A_608 = arith.addi %while3A_593, %broadcast_in_dim3A_296 : vector<16xi32>
        scf.yield %add3A_600, %add3A_606, %add3A_607, %add3A_608 : vector<16xf32>, vector<16xf32>, vector<16xi32>, vector<16xi32>
      }
      %reduce_sum3A = arith.constant true
      %reduce_sum3A_576 = vector.broadcast %reduce_sum3A : i1 to vector<16xi1>
      %reduce_sum3A_577 = tpu.scan <sum>, %while3A_575#0 masked %reduce_sum3A_576 : vector<16xf32>, vector<16xi1> -> vector<16xf32>
      %reduce_sum3A_578 = vector.extract %reduce_sum3A_577[15] : f32 from vector<16xf32>
      %reduce_sum3A_579 = arith.constant true
      %reduce_sum3A_580 = vector.broadcast %reduce_sum3A_579 : i1 to vector<16xi1>
      %reduce_sum3A_581 = tpu.scan <sum>, %while3A_575#1 masked %reduce_sum3A_580 : vector<16xf32>, vector<16xi1> -> vector<16xf32>
      %reduce_sum3A_582 = vector.extract %reduce_sum3A_581[15] : f32 from vector<16xf32>
      %sub3A_583 = arith.constant 1.000000e+00 : f32
      %sub3A_584 = arith.subf %reduce_sum3A_578, %sub3A_583 : f32
      %broadcast_in_dim3A_585 = vector.broadcast %sub3A_584 : f32 to vector<16xf32>
      %broadcast_in_dim3A_586 = vector.broadcast %reduce_sum3A_582 : f32 to vector<16xf32>
      %div3A = arith.divf %broadcast_in_dim3A_585, %broadcast_in_dim3A_586 : vector<16xf32>
      %slice3A = vector.extract_strided_slice %div3A {offsets = [0], sizes = [1], strides = [1]} : vector<16xf32> to vector<1xf32>
      %squeeze3A = vector.extract %slice3A[0] : f32 from vector<1xf32>
      %add3A_587 = arith.constant 1 : i32
      %add3A_588 = arith.addi %while3A_560, %add3A_587 : i32
      scf.yield %while3A_559, %squeeze3A, %add3A_588 : f32, f32, i32
    }
    %max3A_340 = arith.maximumf %while3A_339#0, %while3A_339#1 : f32
    %add3A_341 = arith.addf %reduce_max3A_320, %max3A_340 : f32
    %add3A_342 = arith.constant 1 : i32
    %add3A_343 = arith.addi %mul3A_2, %add3A_342 : i32
    %dma_wait3A_344 = arith.constant 0 : i32
    %dma_wait3A_345 = tpu.memref_slice %arg6[%dma_wait3A_344] : memref<32784xf32, #tpu.memory_space<vmem>> -> memref<32768xf32, #tpu.memory_space<vmem>>
    %dma_wait3A_346 = arith.constant 0 : i32
    %dma_wait3A_347 = tpu.memref_slice %arg3[%add3A_343, %dma_wait3A_346] : memref<128x32768xf32, #tpu.memory_space<hbm>> -> memref<1x32768xf32, #tpu.memory_space<hbm>>
    %dma_wait3A_348 = tpu.memref_squeeze %dma_wait3A_347 : memref<1x32768xf32, #tpu.memory_space<hbm>> -> memref<32768xf32, #tpu.memory_space<hbm>>
    %dma_wait3A_349 = arith.constant 0 : i32
    %dma_wait3A_350 = tpu.memref_slice %arg3[%add3A_343, %dma_wait3A_349] : memref<128x32768xf32, #tpu.memory_space<hbm>> -> memref<1x32768xf32, #tpu.memory_space<hbm>>
    %dma_wait3A_351 = tpu.memref_squeeze %dma_wait3A_350 : memref<1x32768xf32, #tpu.memory_space<hbm>> -> memref<32768xf32, #tpu.memory_space<hbm>>
    %dma_wait3A_352 = arith.constant 0 : i32
    %dma_wait3A_353 = tpu.memref_slice %arg6[%dma_wait3A_352] : memref<32784xf32, #tpu.memory_space<vmem>> -> memref<32768xf32, #tpu.memory_space<vmem>>
    tpu.wait_dma2 semaphore(%arg10 : memref<!tpu.dma_semaphore, #tpu.memory_space<semaphore_mem>>) src(%dma_wait3A_353 : memref<32768xf32, #tpu.memory_space<vmem>>) dst(%dma_wait3A_351 : memref<32768xf32, #tpu.memory_space<hbm>>)
    %iota3A_354 = tpu.iota {dimensions = array<i32: 0>} : vector<16xi32>
    %broadcast_in_dim3A_355 = arith.constant 1 : i32
    %broadcast_in_dim3A_356 = vector.broadcast %broadcast_in_dim3A_355 : i32 to vector<16xi32>
    %broadcast_in_dim3A_357 = arith.constant 0 : i32
    %broadcast_in_dim3A_358 = vector.broadcast %broadcast_in_dim3A_357 : i32 to vector<16xi32>
    %broadcast_in_dim3A_359 = arith.constant 16 : i32
    %broadcast_in_dim3A_360 = vector.broadcast %broadcast_in_dim3A_359 : i32 to vector<16xi32>
    %broadcast_in_dim3A_361 = arith.constant 0.000000e+00 : f32
    %broadcast_in_dim3A_362 = vector.broadcast %broadcast_in_dim3A_361 : f32 to vector<16xf32>
    %broadcast_in_dim3A_363 = arith.constant 32768 : i32
    %broadcast_in_dim3A_364 = vector.broadcast %broadcast_in_dim3A_363 : i32 to vector<16xi32>
    %add3A_365 = arith.constant 16000 : i32
    %add3A_366 = vector.broadcast %add3A_365 : i32 to vector<16xi32>
    %add3A_367 = arith.addi %iota3A_354, %add3A_366 : vector<16xi32>
    %while3A_368 = arith.constant 0 : i32
    %while3A_369 = arith.subi %reduce_max3A_191, %while3A_368 : i32
    %while3A_370 = arith.addi %while3A_368, %while3A_369 : i32
    %while3A_371 = arith.constant 1 : i32
    %while3A_372 = arith.divsi %while3A_369, %while3A_371 : i32
    %while3A_373 = arith.muli %while3A_372, %while3A_371 : i32
    %while3A_374 = arith.addi %while3A_368, %while3A_373 : i32
    %while3A_375 = arith.constant 1 : i32
    %while3A_376:2 = scf.for %while3A_558 = %while3A_368 to %while3A_374 step %while3A_375 iter_args(%while3A_559 = %add3A_367, %while3A_560 = %broadcast_in_dim3A_358) -> (vector<16xi32>, vector<16xi32>)  : i32 {
      %gather3A = tpu.vector_load_idx %arg7[%while3A_559] : memref<32000xi32, #tpu.memory_space<vmem>>[vector<16xi32>], vector<16xi32>,
      %lt3A = arith.cmpi slt, %while3A_560, %shift_right_logical3A_180 : vector<16xi32>
      %select_n3A = arith.select %lt3A, %gather3A, %broadcast_in_dim3A_364 : vector<16xi1>, vector<16xi32>
      tpu.vector_store_idx %arg6[%select_n3A], %broadcast_in_dim3A_362 : memref<32784xf32, #tpu.memory_space<vmem>>[vector<16xi32>], vector<16xf32>,
      %add3A_561 = arith.addi %while3A_559, %broadcast_in_dim3A_360 : vector<16xi32>
      %add3A_562 = arith.addi %while3A_560, %broadcast_in_dim3A_356 : vector<16xi32>
      scf.yield %add3A_561, %add3A_562 : vector<16xi32>, vector<16xi32>
    }
    %while3A_377 = arith.constant 1 : i32
    %while3A_378:2 = scf.for %while3A_558 = %while3A_374 to %while3A_370 step %while3A_377 iter_args(%while3A_559 = %while3A_376#0, %while3A_560 = %while3A_376#1) -> (vector<16xi32>, vector<16xi32>)  : i32 {
      %gather3A = tpu.vector_load_idx %arg7[%while3A_559] : memref<32000xi32, #tpu.memory_space<vmem>>[vector<16xi32>], vector<16xi32>,
      %lt3A = arith.cmpi slt, %while3A_560, %shift_right_logical3A_180 : vector<16xi32>
      %select_n3A = arith.select %lt3A, %gather3A, %broadcast_in_dim3A_364 : vector<16xi1>, vector<16xi32>
      tpu.vector_store_idx %arg6[%select_n3A], %broadcast_in_dim3A_362 : memref<32784xf32, #tpu.memory_space<vmem>>[vector<16xi32>], vector<16xf32>,
      %add3A_561 = arith.addi %while3A_559, %broadcast_in_dim3A_360 : vector<16xi32>
      %add3A_562 = arith.addi %while3A_560, %broadcast_in_dim3A_356 : vector<16xi32>
      scf.yield %add3A_561, %add3A_562 : vector<16xi32>, vector<16xi32>
    }
    %iota3A_379 = tpu.iota {dimensions = array<i32: 0>} : vector<16xi32>
    %broadcast_in_dim3A_380 = arith.constant 1 : i32
    %broadcast_in_dim3A_381 = vector.broadcast %broadcast_in_dim3A_380 : i32 to vector<16xi32>
    %broadcast_in_dim3A_382 = arith.constant 0 : i32
    %broadcast_in_dim3A_383 = vector.broadcast %broadcast_in_dim3A_382 : i32 to vector<16xi32>
    %broadcast_in_dim3A_384 = arith.constant 16 : i32
    %broadcast_in_dim3A_385 = vector.broadcast %broadcast_in_dim3A_384 : i32 to vector<16xi32>
    %broadcast_in_dim3A_386 = arith.constant 32768 : i32
    %broadcast_in_dim3A_387 = vector.broadcast %broadcast_in_dim3A_386 : i32 to vector<16xi32>
    %add3A_388 = arith.constant 0 : i32
    %add3A_389 = vector.broadcast %add3A_388 : i32 to vector<16xi32>
    %add3A_390 = arith.addi %iota3A_379, %add3A_389 : vector<16xi32>
    %while3A_391 = arith.constant 0 : i32
    %while3A_392 = arith.subi %reduce_max3A_335, %while3A_391 : i32
    %while3A_393 = arith.addi %while3A_391, %while3A_392 : i32
    %while3A_394 = arith.constant 1 : i32
    %while3A_395 = arith.divsi %while3A_392, %while3A_394 : i32
    %while3A_396 = arith.muli %while3A_395, %while3A_394 : i32
    %while3A_397 = arith.addi %while3A_391, %while3A_396 : i32
    %while3A_398 = arith.constant 1 : i32
    %while3A_399:2 = scf.for %while3A_558 = %while3A_391 to %while3A_397 step %while3A_398 iter_args(%while3A_559 = %add3A_390, %while3A_560 = %broadcast_in_dim3A_383) -> (vector<16xi32>, vector<16xi32>)  : i32 {
      %gather3A = tpu.vector_load_idx %arg7[%while3A_559] : memref<32000xi32, #tpu.memory_space<vmem>>[vector<16xi32>], vector<16xi32>,
      %lt3A = arith.cmpi slt, %while3A_560, %shift_right_logical3A_324 : vector<16xi32>
      %select_n3A = arith.select %lt3A, %gather3A, %broadcast_in_dim3A_387 : vector<16xi1>, vector<16xi32>
      %gather3A_561 = tpu.vector_load_idx %arg4[%select_n3A] : memref<32784xf32, #tpu.memory_space<vmem>>[vector<16xi32>], vector<16xf32>,
      %sub3A_562 = vector.broadcast %add3A_341 : f32 to vector<16xf32>
      %sub3A_563 = arith.subf %gather3A_561, %sub3A_562 : vector<16xf32>
      %max3A_564 = arith.constant 0.000000e+00 : f32
      %max3A_565 = vector.broadcast %max3A_564 : f32 to vector<16xf32>
      %max3A_566 = arith.maximumf %sub3A_563, %max3A_565 : vector<16xf32>
      tpu.vector_store_idx %arg6[%select_n3A], %max3A_566 : memref<32784xf32, #tpu.memory_space<vmem>>[vector<16xi32>], vector<16xf32>,
      %add3A_567 = arith.addi %while3A_559, %broadcast_in_dim3A_385 : vector<16xi32>
      %add3A_568 = arith.addi %while3A_560, %broadcast_in_dim3A_381 : vector<16xi32>
      scf.yield %add3A_567, %add3A_568 : vector<16xi32>, vector<16xi32>
    }
    %while3A_400 = arith.constant 1 : i32
    %while3A_401:2 = scf.for %while3A_558 = %while3A_397 to %while3A_393 step %while3A_400 iter_args(%while3A_559 = %while3A_399#0, %while3A_560 = %while3A_399#1) -> (vector<16xi32>, vector<16xi32>)  : i32 {
      %gather3A = tpu.vector_load_idx %arg7[%while3A_559] : memref<32000xi32, #tpu.memory_space<vmem>>[vector<16xi32>], vector<16xi32>,
      %lt3A = arith.cmpi slt, %while3A_560, %shift_right_logical3A_324 : vector<16xi32>
      %select_n3A = arith.select %lt3A, %gather3A, %broadcast_in_dim3A_387 : vector<16xi1>, vector<16xi32>
      %gather3A_561 = tpu.vector_load_idx %arg4[%select_n3A] : memref<32784xf32, #tpu.memory_space<vmem>>[vector<16xi32>], vector<16xf32>,
      %sub3A_562 = vector.broadcast %add3A_341 : f32 to vector<16xf32>
      %sub3A_563 = arith.subf %gather3A_561, %sub3A_562 : vector<16xf32>
      %max3A_564 = arith.constant 0.000000e+00 : f32
      %max3A_565 = vector.broadcast %max3A_564 : f32 to vector<16xf32>
      %max3A_566 = arith.maximumf %sub3A_563, %max3A_565 : vector<16xf32>
      tpu.vector_store_idx %arg6[%select_n3A], %max3A_566 : memref<32784xf32, #tpu.memory_space<vmem>>[vector<16xi32>], vector<16xf32>,
      %add3A_567 = arith.addi %while3A_559, %broadcast_in_dim3A_385 : vector<16xi32>
      %add3A_568 = arith.addi %while3A_560, %broadcast_in_dim3A_381 : vector<16xi32>
      scf.yield %add3A_567, %add3A_568 : vector<16xi32>, vector<16xi32>
    }
    %add3A_402 = arith.constant 2 : i32
    %add3A_403 = arith.addi %mul3A_2, %add3A_402 : i32
    %dma_start3A_404 = arith.constant 0 : i32
    %dma_start3A_405 = tpu.memref_slice %arg6[%dma_start3A_404] : memref<32784xf32, #tpu.memory_space<vmem>> -> memref<32768xf32, #tpu.memory_space<vmem>>
    %dma_start3A_406 = arith.constant 0 : i32
    %dma_start3A_407 = tpu.memref_slice %arg3[%add3A_403, %dma_start3A_406] : memref<128x32768xf32, #tpu.memory_space<hbm>> -> memref<1x32768xf32, #tpu.memory_space<hbm>>
    %dma_start3A_408 = tpu.memref_squeeze %dma_start3A_407 : memref<1x32768xf32, #tpu.memory_space<hbm>> -> memref<32768xf32, #tpu.memory_space<hbm>>
    %dma_start3A_409 = arith.constant 0 : i32
    %dma_start3A_410 = tpu.memref_slice %arg3[%add3A_403, %dma_start3A_409] : memref<128x32768xf32, #tpu.memory_space<hbm>> -> memref<1x32768xf32, #tpu.memory_space<hbm>>
    %dma_start3A_411 = tpu.memref_squeeze %dma_start3A_410 : memref<1x32768xf32, #tpu.memory_space<hbm>> -> memref<32768xf32, #tpu.memory_space<hbm>>
    %dma_start3A_412 = arith.constant 0 : i32
    %dma_start3A_413 = tpu.memref_slice %arg6[%dma_start3A_412] : memref<32784xf32, #tpu.memory_space<vmem>> -> memref<32768xf32, #tpu.memory_space<vmem>>
    tpu.enqueue_dma source(%dma_start3A_413 : memref<32768xf32, #tpu.memory_space<vmem>>) target(%dma_start3A_411 : memref<32768xf32, #tpu.memory_space<hbm>>) target_semaphore(%arg10 : memref<!tpu.dma_semaphore, #tpu.memory_space<semaphore_mem>>)
    %add3A_414 = arith.constant 3 : i32
    %add3A_415 = arith.addi %mul3A_2, %add3A_414 : i32
    %dma_wait3A_416 = arith.constant 0 : i32
    %dma_wait3A_417 = tpu.memref_slice %arg5[%dma_wait3A_416] : memref<32784xf32, #tpu.memory_space<vmem>> -> memref<32768xf32, #tpu.memory_space<vmem>>
    %dma_wait3A_418 = arith.constant 0 : i32
    %dma_wait3A_419 = tpu.memref_slice %arg2[%add3A_415, %dma_wait3A_418] : memref<128x32768xf32, #tpu.memory_space<hbm>> -> memref<1x32768xf32, #tpu.memory_space<hbm>>
    %dma_wait3A_420 = tpu.memref_squeeze %dma_wait3A_419 : memref<1x32768xf32, #tpu.memory_space<hbm>> -> memref<32768xf32, #tpu.memory_space<hbm>>
    %dma_wait3A_421 = arith.constant 0 : i32
    %dma_wait3A_422 = tpu.memref_slice %arg5[%dma_wait3A_421] : memref<32784xf32, #tpu.memory_space<vmem>> -> memref<32768xf32, #tpu.memory_space<vmem>>
    %dma_wait3A_423 = arith.constant 0 : i32
    %dma_wait3A_424 = tpu.memref_slice %arg2[%add3A_415, %dma_wait3A_423] : memref<128x32768xf32, #tpu.memory_space<hbm>> -> memref<1x32768xf32, #tpu.memory_space<hbm>>
    %dma_wait3A_425 = tpu.memref_squeeze %dma_wait3A_424 : memref<1x32768xf32, #tpu.memory_space<hbm>> -> memref<32768xf32, #tpu.memory_space<hbm>>
    tpu.wait_dma2 semaphore(%arg9 : memref<!tpu.dma_semaphore, #tpu.memory_space<semaphore_mem>>) src(%dma_wait3A_425 : memref<32768xf32, #tpu.memory_space<hbm>>) dst(%dma_wait3A_422 : memref<32768xf32, #tpu.memory_space<vmem>>)
    %iota3A_426 = tpu.iota {dimensions = array<i32: 0>} : vector<16xi32>
    %broadcast_in_dim3A_427 = arith.constant 1 : i32
    %broadcast_in_dim3A_428 = vector.broadcast %broadcast_in_dim3A_427 : i32 to vector<16xi32>
    %broadcast_in_dim3A_429 = arith.constant 0 : i32
    %broadcast_in_dim3A_430 = vector.broadcast %broadcast_in_dim3A_429 : i32 to vector<16xi32>
    %broadcast_in_dim3A_431 = arith.constant 16 : i32
    %broadcast_in_dim3A_432 = vector.broadcast %broadcast_in_dim3A_431 : i32 to vector<16xi32>
    %broadcast_in_dim3A_433 = arith.constant 32768 : i32
    %broadcast_in_dim3A_434 = vector.broadcast %broadcast_in_dim3A_433 : i32 to vector<16xi32>
    %add3A_435 = arith.constant 16000 : i32
    %add3A_436 = vector.broadcast %add3A_435 : i32 to vector<16xi32>
    %add3A_437 = arith.addi %iota3A_426, %add3A_436 : vector<16xi32>
    %add3A_438 = arith.constant 15984 : i32
    %add3A_439 = vector.broadcast %add3A_438 : i32 to vector<16xi32>
    %add3A_440 = arith.addi %add3A_437, %add3A_439 : vector<16xi32>
    %broadcast_in_dim3A_441 = arith.constant 0xFF800000 : f32
    %broadcast_in_dim3A_442 = vector.broadcast %broadcast_in_dim3A_441 : f32 to vector<16xf32>
    %scan3A_443 = arith.constant 0 : i32
    %scan3A_444 = arith.constant 256 : i32
    %scan3A_445 = arith.addi %scan3A_443, %scan3A_444 : i32
    %scan3A_446 = arith.constant 1 : i32
    %scan3A_447:3 = scf.for %scan3A_558 = %scan3A_443 to %scan3A_445 step %scan3A_446 iter_args(%scan3A_559 = %broadcast_in_dim3A_442, %scan3A_560 = %add3A_437, %scan3A_561 = %iota3A_426) -> (vector<16xf32>, vector<16xi32>, vector<16xi32>)  : i32 {
      %sub3A_562 = arith.constant 1.000000e+00 : f32
      %sub3A_563 = vector.broadcast %sub3A_562 : f32 to vector<16xf32>
      %sub3A_564 = arith.subf %scan3A_559, %sub3A_563 : vector<16xf32>
      %mul3A_565 = arith.constant 8 : i32
      %mul3A_566 = arith.muli %scan3A_558, %mul3A_565 : i32
      %add3A_567 = arith.constant 0 : i32
      %add3A_568 = arith.addi %mul3A_566, %add3A_567 : i32
      %mul3A_569 = arith.constant 16 : i32
      %mul3A_570 = arith.muli %add3A_568, %mul3A_569 : i32
      %get3A = arith.index_cast %mul3A_570 : i32 to index
      %get3A_571 = tpu.vector_load %arg5[%get3A] {strides = array<i32>} : memref<32784xf32, #tpu.memory_space<vmem>>, vector<16xf32>,
      %mul3A_572 = arith.constant 8 : i32
      %mul3A_573 = arith.muli %scan3A_558, %mul3A_572 : i32
      %add3A_574 = arith.constant 1 : i32
      %add3A_575 = arith.addi %mul3A_573, %add3A_574 : i32
      %mul3A_576 = arith.constant 16 : i32
      %mul3A_577 = arith.muli %add3A_575, %mul3A_576 : i32
      %get3A_578 = arith.index_cast %mul3A_577 : i32 to index
      %get3A_579 = tpu.vector_load %arg5[%get3A_578] {strides = array<i32>} : memref<32784xf32, #tpu.memory_space<vmem>>, vector<16xf32>,
      %mul3A_580 = arith.constant 8 : i32
      %mul3A_581 = arith.muli %scan3A_558, %mul3A_580 : i32
      %add3A_582 = arith.constant 2 : i32
      %add3A_583 = arith.addi %mul3A_581, %add3A_582 : i32
      %mul3A_584 = arith.constant 16 : i32
      %mul3A_585 = arith.muli %add3A_583, %mul3A_584 : i32
      %get3A_586 = arith.index_cast %mul3A_585 : i32 to index
      %get3A_587 = tpu.vector_load %arg5[%get3A_586] {strides = array<i32>} : memref<32784xf32, #tpu.memory_space<vmem>>, vector<16xf32>,
      %mul3A_588 = arith.constant 8 : i32
      %mul3A_589 = arith.muli %scan3A_558, %mul3A_588 : i32
      %add3A_590 = arith.constant 3 : i32
      %add3A_591 = arith.addi %mul3A_589, %add3A_590 : i32
      %mul3A_592 = arith.constant 16 : i32
      %mul3A_593 = arith.muli %add3A_591, %mul3A_592 : i32
      %get3A_594 = arith.index_cast %mul3A_593 : i32 to index
      %get3A_595 = tpu.vector_load %arg5[%get3A_594] {strides = array<i32>} : memref<32784xf32, #tpu.memory_space<vmem>>, vector<16xf32>,
      %mul3A_596 = arith.constant 8 : i32
      %mul3A_597 = arith.muli %scan3A_558, %mul3A_596 : i32
      %add3A_598 = arith.constant 4 : i32
      %add3A_599 = arith.addi %mul3A_597, %add3A_598 : i32
      %mul3A_600 = arith.constant 16 : i32
      %mul3A_601 = arith.muli %add3A_599, %mul3A_600 : i32
      %get3A_602 = arith.index_cast %mul3A_601 : i32 to index
      %get3A_603 = tpu.vector_load %arg5[%get3A_602] {strides = array<i32>} : memref<32784xf32, #tpu.memory_space<vmem>>, vector<16xf32>,
      %mul3A_604 = arith.constant 8 : i32
      %mul3A_605 = arith.muli %scan3A_558, %mul3A_604 : i32
      %add3A_606 = arith.constant 5 : i32
      %add3A_607 = arith.addi %mul3A_605, %add3A_606 : i32
      %mul3A_608 = arith.constant 16 : i32
      %mul3A_609 = arith.muli %add3A_607, %mul3A_608 : i32
      %get3A_610 = arith.index_cast %mul3A_609 : i32 to index
      %get3A_611 = tpu.vector_load %arg5[%get3A_610] {strides = array<i32>} : memref<32784xf32, #tpu.memory_space<vmem>>, vector<16xf32>,
      %mul3A_612 = arith.constant 8 : i32
      %mul3A_613 = arith.muli %scan3A_558, %mul3A_612 : i32
      %add3A_614 = arith.constant 6 : i32
      %add3A_615 = arith.addi %mul3A_613, %add3A_614 : i32
      %mul3A_616 = arith.constant 16 : i32
      %mul3A_617 = arith.muli %add3A_615, %mul3A_616 : i32
      %get3A_618 = arith.index_cast %mul3A_617 : i32 to index
      %get3A_619 = tpu.vector_load %arg5[%get3A_618] {strides = array<i32>} : memref<32784xf32, #tpu.memory_space<vmem>>, vector<16xf32>,
      %mul3A_620 = arith.constant 8 : i32
      %mul3A_621 = arith.muli %scan3A_558, %mul3A_620 : i32
      %add3A_622 = arith.constant 7 : i32
      %add3A_623 = arith.addi %mul3A_621, %add3A_622 : i32
      %mul3A_624 = arith.constant 16 : i32
      %mul3A_625 = arith.muli %add3A_623, %mul3A_624 : i32
      %get3A_626 = arith.index_cast %mul3A_625 : i32 to index
      %get3A_627 = tpu.vector_load %arg5[%get3A_626] {strides = array<i32>} : memref<32784xf32, #tpu.memory_space<vmem>>, vector<16xf32>,
      %gt3A = arith.cmpf ogt, %get3A_571, %sub3A_564 : vector<16xf32>
      %gt3A_628 = arith.cmpf ogt, %get3A_579, %sub3A_564 : vector<16xf32>
      %gt3A_629 = arith.cmpf ogt, %get3A_587, %sub3A_564 : vector<16xf32>
      %gt3A_630 = arith.cmpf ogt, %get3A_595, %sub3A_564 : vector<16xf32>
      %gt3A_631 = arith.cmpf ogt, %get3A_603, %sub3A_564 : vector<16xf32>
      %gt3A_632 = arith.cmpf ogt, %get3A_611, %sub3A_564 : vector<16xf32>
      %gt3A_633 = arith.cmpf ogt, %get3A_619, %sub3A_564 : vector<16xf32>
      %gt3A_634 = arith.cmpf ogt, %get3A_627, %sub3A_564 : vector<16xf32>
      %select_n3A = arith.select %gt3A, %broadcast_in_dim3A_432, %broadcast_in_dim3A_430 : vector<16xi1>, vector<16xi32>
      %select_n3A_635 = arith.select %gt3A_628, %broadcast_in_dim3A_432, %broadcast_in_dim3A_430 : vector<16xi1>, vector<16xi32>
      %select_n3A_636 = arith.select %gt3A_629, %broadcast_in_dim3A_432, %broadcast_in_dim3A_430 : vector<16xi1>, vector<16xi32>
      %select_n3A_637 = arith.select %gt3A_630, %broadcast_in_dim3A_432, %broadcast_in_dim3A_430 : vector<16xi1>, vector<16xi32>
      %select_n3A_638 = arith.select %gt3A_631, %broadcast_in_dim3A_432, %broadcast_in_dim3A_430 : vector<16xi1>, vector<16xi32>
      %select_n3A_639 = arith.select %gt3A_632, %broadcast_in_dim3A_432, %broadcast_in_dim3A_430 : vector<16xi1>, vector<16xi32>
      %select_n3A_640 = arith.select %gt3A_633, %broadcast_in_dim3A_432, %broadcast_in_dim3A_430 : vector<16xi1>, vector<16xi32>
      %select_n3A_641 = arith.select %gt3A_634, %broadcast_in_dim3A_432, %broadcast_in_dim3A_430 : vector<16xi1>, vector<16xi32>
      %add3A_642 = arith.addi %select_n3A_635, %select_n3A : vector<16xi32>
      %add3A_643 = arith.addi %select_n3A_636, %select_n3A_635 : vector<16xi32>
      %add3A_644 = arith.addi %select_n3A_637, %select_n3A_636 : vector<16xi32>
      %add3A_645 = arith.addi %select_n3A_638, %select_n3A_637 : vector<16xi32>
      %add3A_646 = arith.addi %select_n3A_639, %select_n3A_638 : vector<16xi32>
      %add3A_647 = arith.addi %select_n3A_640, %select_n3A_639 : vector<16xi32>
      %add3A_648 = arith.addi %select_n3A_641, %select_n3A_640 : vector<16xi32>
      %add3A_649 = arith.addi %add3A_643, %select_n3A : vector<16xi32>
      %add3A_650 = arith.addi %add3A_644, %add3A_642 : vector<16xi32>
      %add3A_651 = arith.addi %add3A_645, %add3A_643 : vector<16xi32>
      %add3A_652 = arith.addi %add3A_646, %add3A_644 : vector<16xi32>
      %add3A_653 = arith.addi %add3A_647, %add3A_645 : vector<16xi32>
      %add3A_654 = arith.addi %add3A_648, %add3A_646 : vector<16xi32>
      %add3A_655 = arith.addi %add3A_651, %select_n3A : vector<16xi32>
      %add3A_656 = arith.addi %add3A_652, %add3A_642 : vector<16xi32>
      %add3A_657 = arith.addi %add3A_653, %add3A_649 : vector<16xi32>
      %add3A_658 = arith.addi %add3A_654, %add3A_650 : vector<16xi32>
      %min3A_659 = arith.minsi %scan3A_560, %add3A_440 : vector<16xi32>
      %add3A_660 = arith.constant 0 : i32
      %add3A_661 = vector.broadcast %add3A_660 : i32 to vector<16xi32>
      %add3A_662 = arith.addi %scan3A_561, %add3A_661 : vector<16xi32>
      tpu.vector_store_idx %arg7[%min3A_659], %add3A_662 masked %gt3A : memref<32000xi32, #tpu.memory_space<vmem>>[vector<16xi32>], vector<16xi32>, vector<16xi1>
      %add3A_663 = arith.addi %scan3A_560, %select_n3A : vector<16xi32>
      %min3A_664 = arith.minsi %add3A_663, %add3A_440 : vector<16xi32>
      %add3A_665 = arith.constant 16 : i32
      %add3A_666 = vector.broadcast %add3A_665 : i32 to vector<16xi32>
      %add3A_667 = arith.addi %scan3A_561, %add3A_666 : vector<16xi32>
      tpu.vector_store_idx %arg7[%min3A_664], %add3A_667 masked %gt3A_628 : memref<32000xi32, #tpu.memory_space<vmem>>[vector<16xi32>], vector<16xi32>, vector<16xi1>
      %add3A_668 = arith.addi %scan3A_560, %add3A_642 : vector<16xi32>
      %min3A_669 = arith.minsi %add3A_668, %add3A_440 : vector<16xi32>
      %add3A_670 = arith.constant 32 : i32
      %add3A_671 = vector.broadcast %add3A_670 : i32 to vector<16xi32>
      %add3A_672 = arith.addi %scan3A_561, %add3A_671 : vector<16xi32>
      tpu.vector_store_idx %arg7[%min3A_669], %add3A_672 masked %gt3A_629 : memref<32000xi32, #tpu.memory_space<vmem>>[vector<16xi32>], vector<16xi32>, vector<16xi1>
      %add3A_673 = arith.addi %scan3A_560, %add3A_649 : vector<16xi32>
      %min3A_674 = arith.minsi %add3A_673, %add3A_440 : vector<16xi32>
      %add3A_675 = arith.constant 48 : i32
      %add3A_676 = vector.broadcast %add3A_675 : i32 to vector<16xi32>
      %add3A_677 = arith.addi %scan3A_561, %add3A_676 : vector<16xi32>
      tpu.vector_store_idx %arg7[%min3A_674], %add3A_677 masked %gt3A_630 : memref<32000xi32, #tpu.memory_space<vmem>>[vector<16xi32>], vector<16xi32>, vector<16xi1>
      %add3A_678 = arith.addi %scan3A_560, %add3A_650 : vector<16xi32>
      %min3A_679 = arith.minsi %add3A_678, %add3A_440 : vector<16xi32>
      %add3A_680 = arith.constant 64 : i32
      %add3A_681 = vector.broadcast %add3A_680 : i32 to vector<16xi32>
      %add3A_682 = arith.addi %scan3A_561, %add3A_681 : vector<16xi32>
      tpu.vector_store_idx %arg7[%min3A_679], %add3A_682 masked %gt3A_631 : memref<32000xi32, #tpu.memory_space<vmem>>[vector<16xi32>], vector<16xi32>, vector<16xi1>
      %add3A_683 = arith.addi %scan3A_560, %add3A_655 : vector<16xi32>
      %min3A_684 = arith.minsi %add3A_683, %add3A_440 : vector<16xi32>
      %add3A_685 = arith.constant 80 : i32
      %add3A_686 = vector.broadcast %add3A_685 : i32 to vector<16xi32>
      %add3A_687 = arith.addi %scan3A_561, %add3A_686 : vector<16xi32>
      tpu.vector_store_idx %arg7[%min3A_684], %add3A_687 masked %gt3A_632 : memref<32000xi32, #tpu.memory_space<vmem>>[vector<16xi32>], vector<16xi32>, vector<16xi1>
      %add3A_688 = arith.addi %scan3A_560, %add3A_656 : vector<16xi32>
      %min3A_689 = arith.minsi %add3A_688, %add3A_440 : vector<16xi32>
      %add3A_690 = arith.constant 96 : i32
      %add3A_691 = vector.broadcast %add3A_690 : i32 to vector<16xi32>
      %add3A_692 = arith.addi %scan3A_561, %add3A_691 : vector<16xi32>
      tpu.vector_store_idx %arg7[%min3A_689], %add3A_692 masked %gt3A_633 : memref<32000xi32, #tpu.memory_space<vmem>>[vector<16xi32>], vector<16xi32>, vector<16xi1>
      %add3A_693 = arith.addi %scan3A_560, %add3A_657 : vector<16xi32>
      %min3A_694 = arith.minsi %add3A_693, %add3A_440 : vector<16xi32>
      %add3A_695 = arith.constant 112 : i32
      %add3A_696 = vector.broadcast %add3A_695 : i32 to vector<16xi32>
      %add3A_697 = arith.addi %scan3A_561, %add3A_696 : vector<16xi32>
      tpu.vector_store_idx %arg7[%min3A_694], %add3A_697 masked %gt3A_634 : memref<32000xi32, #tpu.memory_space<vmem>>[vector<16xi32>], vector<16xi32>, vector<16xi1>
      %max3A_698 = arith.maximumf %get3A_571, %get3A_579 : vector<16xf32>
      %max3A_699 = arith.maximumf %get3A_587, %get3A_595 : vector<16xf32>
      %max3A_700 = arith.maximumf %get3A_603, %get3A_611 : vector<16xf32>
      %max3A_701 = arith.maximumf %get3A_619, %get3A_627 : vector<16xf32>
      %max3A_702 = arith.maximumf %max3A_698, %max3A_699 : vector<16xf32>
      %max3A_703 = arith.maximumf %max3A_700, %max3A_701 : vector<16xf32>
      %max3A_704 = arith.maximumf %max3A_702, %max3A_703 : vector<16xf32>
      %max3A_705 = arith.maximumf %scan3A_559, %max3A_704 : vector<16xf32>
      %add3A_706 = arith.addi %scan3A_560, %add3A_658 : vector<16xi32>
      %add3A_707 = arith.constant 128 : i32
      %add3A_708 = vector.broadcast %add3A_707 : i32 to vector<16xi32>
      %add3A_709 = arith.addi %scan3A_561, %add3A_708 : vector<16xi32>
      scf.yield %max3A_705, %add3A_706, %add3A_709 : vector<16xf32>, vector<16xi32>, vector<16xi32>
    }
    %scan3A_448 = arith.constant 256 : i32
    %reduce_max3A_449 = arith.constant true
    %reduce_max3A_450 = vector.broadcast %reduce_max3A_449 : i1 to vector<16xi1>
    %reduce_max3A_451 = tpu.scan <max>, %scan3A_447#0 masked %reduce_max3A_450 : vector<16xf32>, vector<16xi1> -> vector<16xf32>
    %reduce_max3A_452 = vector.extract %reduce_max3A_451[15] : f32 from vector<16xf32>
    %sub3A_453 = arith.subi %scan3A_447#1, %add3A_437 : vector<16xi32>
    %shift_right_logical3A_454 = arith.constant 4 : i32
    %shift_right_logical3A_455 = vector.broadcast %shift_right_logical3A_454 : i32 to vector<16xi32>
    %shift_right_logical3A_456 = arith.shrui %sub3A_453, %shift_right_logical3A_455 : vector<16xi32>
    %min3A_457 = arith.constant 1000 : i32
    %min3A_458 = vector.broadcast %min3A_457 : i32 to vector<16xi32>
    %min3A_459 = arith.minsi %shift_right_logical3A_456, %min3A_458 : vector<16xi32>
    %reduce_max3A_460 = arith.constant true
    %reduce_max3A_461 = vector.broadcast %reduce_max3A_460 : i1 to vector<16xi1>
    %reduce_max3A_462 = arith.constant -2147483648 : i32
    %reduce_max3A_463 = vector.broadcast %reduce_max3A_462 : i32 to vector<16xi32>
    %reduce_max3A_464 = arith.xori %min3A_459, %reduce_max3A_463 : vector<16xi32>
    %reduce_max3A_465 = tpu.scan <max>, %reduce_max3A_464 masked %reduce_max3A_461 : vector<16xi32>, vector<16xi1> -> vector<16xi32>
    %reduce_max3A_466 = arith.xori %reduce_max3A_465, %reduce_max3A_463 : vector<16xi32>
    %reduce_max3A_467 = vector.extract %reduce_max3A_466[15] : i32 from vector<16xi32>
    %while3A_468 = arith.constant -2.000000e+00 : f32
    %while3A_469 = arith.constant -1.000000e+00 : f32
    %while3A_470 = arith.constant 0 : i32
    %while3A_471:3 = scf.while (%while3A_558 = %while3A_468, %while3A_559 = %while3A_469, %while3A_560 = %while3A_470) : (f32, f32, i32) -> (f32, f32, i32) {
      %gt3A = arith.cmpf ogt, %while3A_559, %while3A_558 : f32
      %lt3A = arith.constant 64 : i32
      %lt3A_561 = arith.cmpi slt, %while3A_560, %lt3A : i32
      %and3A = arith.andi %gt3A, %lt3A_561 : i1
      scf.condition(%and3A) %while3A_558, %while3A_559, %while3A_560 : f32, f32, i32
    } do {
    ^bb0(%while3A_558: f32, %while3A_559: f32, %while3A_560: i32):
      %broadcast_in_dim3A_561 = arith.constant 0.000000e+00 : f32
      %broadcast_in_dim3A_562 = vector.broadcast %broadcast_in_dim3A_561 : f32 to vector<16xf32>
      %broadcast_in_dim3A_563 = arith.constant 0.000000e+00 : f32
      %broadcast_in_dim3A_564 = vector.broadcast %broadcast_in_dim3A_563 : f32 to vector<16xf32>
      %while3A_565 = arith.constant 0 : i32
      %while3A_566 = arith.subi %reduce_max3A_467, %while3A_565 : i32
      %while3A_567 = arith.addi %while3A_565, %while3A_566 : i32
      %while3A_568 = arith.constant 1 : i32
      %while3A_569 = arith.divsi %while3A_566, %while3A_568 : i32
      %while3A_570 = arith.muli %while3A_569, %while3A_568 : i32
      %while3A_571 = arith.addi %while3A_565, %while3A_570 : i32
      %while3A_572 = arith.constant 1 : i32
      %while3A_573:4 = scf.for %while3A_589 = %while3A_565 to %while3A_571 step %while3A_572 iter_args(%while3A_590 = %broadcast_in_dim3A_562, %while3A_591 = %broadcast_in_dim3A_564, %while3A_592 = %add3A_437, %while3A_593 = %broadcast_in_dim3A_430) -> (vector<16xf32>, vector<16xf32>, vector<16xi32>, vector<16xi32>)  : i32 {
        %gather3A = tpu.vector_load_idx %arg7[%while3A_592] : memref<32000xi32, #tpu.memory_space<vmem>>[vector<16xi32>], vector<16xi32>,
        %lt3A = arith.cmpi slt, %while3A_593, %shift_right_logical3A_456 : vector<16xi32>
        %select_n3A = arith.select %lt3A, %gather3A, %broadcast_in_dim3A_434 : vector<16xi1>, vector<16xi32>
        %gather3A_594 = tpu.vector_load_idx %arg5[%select_n3A] : memref<32784xf32, #tpu.memory_space<vmem>>[vector<16xi32>], vector<16xf32>,
        %sub3A_595 = vector.broadcast %reduce_max3A_452 : f32 to vector<16xf32>
        %sub3A_596 = arith.subf %gather3A_594, %sub3A_595 : vector<16xf32>
        %gt3A = vector.broadcast %while3A_559 : f32 to vector<16xf32>
        %gt3A_597 = arith.cmpf ogt, %sub3A_596, %gt3A : vector<16xf32>
        %jit3A = arith.constant 0.000000e+00 : f32
        %broadcast_in_dim3A_598 = vector.broadcast %jit3A : f32 to vector<16xf32>
        %select_n3A_599 = arith.select %gt3A_597, %sub3A_596, %broadcast_in_dim3A_598 : vector<16xi1>, vector<16xf32>
        %add3A_600 = arith.addf %while3A_590, %select_n3A_599 : vector<16xf32>
        %jit3A_601 = arith.constant 1.000000e+00 : f32
        %jit3A_602 = arith.constant 0.000000e+00 : f32
        %broadcast_in_dim3A_603 = vector.broadcast %jit3A_601 : f32 to vector<16xf32>
        %broadcast_in_dim3A_604 = vector.broadcast %jit3A_602 : f32 to vector<16xf32>
        %select_n3A_605 = arith.select %gt3A_597, %broadcast_in_dim3A_603, %broadcast_in_dim3A_604 : vector<16xi1>, vector<16xf32>
        %add3A_606 = arith.addf %while3A_591, %select_n3A_605 : vector<16xf32>
        %add3A_607 = arith.addi %while3A_592, %broadcast_in_dim3A_432 : vector<16xi32>
        %add3A_608 = arith.addi %while3A_593, %broadcast_in_dim3A_428 : vector<16xi32>
        scf.yield %add3A_600, %add3A_606, %add3A_607, %add3A_608 : vector<16xf32>, vector<16xf32>, vector<16xi32>, vector<16xi32>
      }
      %while3A_574 = arith.constant 1 : i32
      %while3A_575:4 = scf.for %while3A_589 = %while3A_571 to %while3A_567 step %while3A_574 iter_args(%while3A_590 = %while3A_573#0, %while3A_591 = %while3A_573#1, %while3A_592 = %while3A_573#2, %while3A_593 = %while3A_573#3) -> (vector<16xf32>, vector<16xf32>, vector<16xi32>, vector<16xi32>)  : i32 {
        %gather3A = tpu.vector_load_idx %arg7[%while3A_592] : memref<32000xi32, #tpu.memory_space<vmem>>[vector<16xi32>], vector<16xi32>,
        %lt3A = arith.cmpi slt, %while3A_593, %shift_right_logical3A_456 : vector<16xi32>
        %select_n3A = arith.select %lt3A, %gather3A, %broadcast_in_dim3A_434 : vector<16xi1>, vector<16xi32>
        %gather3A_594 = tpu.vector_load_idx %arg5[%select_n3A] : memref<32784xf32, #tpu.memory_space<vmem>>[vector<16xi32>], vector<16xf32>,
        %sub3A_595 = vector.broadcast %reduce_max3A_452 : f32 to vector<16xf32>
        %sub3A_596 = arith.subf %gather3A_594, %sub3A_595 : vector<16xf32>
        %gt3A = vector.broadcast %while3A_559 : f32 to vector<16xf32>
        %gt3A_597 = arith.cmpf ogt, %sub3A_596, %gt3A : vector<16xf32>
        %jit3A = arith.constant 0.000000e+00 : f32
        %broadcast_in_dim3A_598 = vector.broadcast %jit3A : f32 to vector<16xf32>
        %select_n3A_599 = arith.select %gt3A_597, %sub3A_596, %broadcast_in_dim3A_598 : vector<16xi1>, vector<16xf32>
        %add3A_600 = arith.addf %while3A_590, %select_n3A_599 : vector<16xf32>
        %jit3A_601 = arith.constant 1.000000e+00 : f32
        %jit3A_602 = arith.constant 0.000000e+00 : f32
        %broadcast_in_dim3A_603 = vector.broadcast %jit3A_601 : f32 to vector<16xf32>
        %broadcast_in_dim3A_604 = vector.broadcast %jit3A_602 : f32 to vector<16xf32>
        %select_n3A_605 = arith.select %gt3A_597, %broadcast_in_dim3A_603, %broadcast_in_dim3A_604 : vector<16xi1>, vector<16xf32>
        %add3A_606 = arith.addf %while3A_591, %select_n3A_605 : vector<16xf32>
        %add3A_607 = arith.addi %while3A_592, %broadcast_in_dim3A_432 : vector<16xi32>
        %add3A_608 = arith.addi %while3A_593, %broadcast_in_dim3A_428 : vector<16xi32>
        scf.yield %add3A_600, %add3A_606, %add3A_607, %add3A_608 : vector<16xf32>, vector<16xf32>, vector<16xi32>, vector<16xi32>
      }
      %reduce_sum3A = arith.constant true
      %reduce_sum3A_576 = vector.broadcast %reduce_sum3A : i1 to vector<16xi1>
      %reduce_sum3A_577 = tpu.scan <sum>, %while3A_575#0 masked %reduce_sum3A_576 : vector<16xf32>, vector<16xi1> -> vector<16xf32>
      %reduce_sum3A_578 = vector.extract %reduce_sum3A_577[15] : f32 from vector<16xf32>
      %reduce_sum3A_579 = arith.constant true
      %reduce_sum3A_580 = vector.broadcast %reduce_sum3A_579 : i1 to vector<16xi1>
      %reduce_sum3A_581 = tpu.scan <sum>, %while3A_575#1 masked %reduce_sum3A_580 : vector<16xf32>, vector<16xi1> -> vector<16xf32>
      %reduce_sum3A_582 = vector.extract %reduce_sum3A_581[15] : f32 from vector<16xf32>
      %sub3A_583 = arith.constant 1.000000e+00 : f32
      %sub3A_584 = arith.subf %reduce_sum3A_578, %sub3A_583 : f32
      %broadcast_in_dim3A_585 = vector.broadcast %sub3A_584 : f32 to vector<16xf32>
      %broadcast_in_dim3A_586 = vector.broadcast %reduce_sum3A_582 : f32 to vector<16xf32>
      %div3A = arith.divf %broadcast_in_dim3A_585, %broadcast_in_dim3A_586 : vector<16xf32>
      %slice3A = vector.extract_strided_slice %div3A {offsets = [0], sizes = [1], strides = [1]} : vector<16xf32> to vector<1xf32>
      %squeeze3A = vector.extract %slice3A[0] : f32 from vector<1xf32>
      %add3A_587 = arith.constant 1 : i32
      %add3A_588 = arith.addi %while3A_560, %add3A_587 : i32
      scf.yield %while3A_559, %squeeze3A, %add3A_588 : f32, f32, i32
    }
    %max3A_472 = arith.maximumf %while3A_471#0, %while3A_471#1 : f32
    %add3A_473 = arith.addf %reduce_max3A_452, %max3A_472 : f32
    %add3A_474 = arith.constant 2 : i32
    %add3A_475 = arith.addi %mul3A_2, %add3A_474 : i32
    %dma_wait3A_476 = arith.constant 0 : i32
    %dma_wait3A_477 = tpu.memref_slice %arg6[%dma_wait3A_476] : memref<32784xf32, #tpu.memory_space<vmem>> -> memref<32768xf32, #tpu.memory_space<vmem>>
    %dma_wait3A_478 = arith.constant 0 : i32
    %dma_wait3A_479 = tpu.memref_slice %arg3[%add3A_475, %dma_wait3A_478] : memref<128x32768xf32, #tpu.memory_space<hbm>> -> memref<1x32768xf32, #tpu.memory_space<hbm>>
    %dma_wait3A_480 = tpu.memref_squeeze %dma_wait3A_479 : memref<1x32768xf32, #tpu.memory_space<hbm>> -> memref<32768xf32, #tpu.memory_space<hbm>>
    %dma_wait3A_481 = arith.constant 0 : i32
    %dma_wait3A_482 = tpu.memref_slice %arg3[%add3A_475, %dma_wait3A_481] : memref<128x32768xf32, #tpu.memory_space<hbm>> -> memref<1x32768xf32, #tpu.memory_space<hbm>>
    %dma_wait3A_483 = tpu.memref_squeeze %dma_wait3A_482 : memref<1x32768xf32, #tpu.memory_space<hbm>> -> memref<32768xf32, #tpu.memory_space<hbm>>
    %dma_wait3A_484 = arith.constant 0 : i32
    %dma_wait3A_485 = tpu.memref_slice %arg6[%dma_wait3A_484] : memref<32784xf32, #tpu.memory_space<vmem>> -> memref<32768xf32, #tpu.memory_space<vmem>>
    tpu.wait_dma2 semaphore(%arg10 : memref<!tpu.dma_semaphore, #tpu.memory_space<semaphore_mem>>) src(%dma_wait3A_485 : memref<32768xf32, #tpu.memory_space<vmem>>) dst(%dma_wait3A_483 : memref<32768xf32, #tpu.memory_space<hbm>>)
    %iota3A_486 = tpu.iota {dimensions = array<i32: 0>} : vector<16xi32>
    %broadcast_in_dim3A_487 = arith.constant 1 : i32
    %broadcast_in_dim3A_488 = vector.broadcast %broadcast_in_dim3A_487 : i32 to vector<16xi32>
    %broadcast_in_dim3A_489 = arith.constant 0 : i32
    %broadcast_in_dim3A_490 = vector.broadcast %broadcast_in_dim3A_489 : i32 to vector<16xi32>
    %broadcast_in_dim3A_491 = arith.constant 16 : i32
    %broadcast_in_dim3A_492 = vector.broadcast %broadcast_in_dim3A_491 : i32 to vector<16xi32>
    %broadcast_in_dim3A_493 = arith.constant 0.000000e+00 : f32
    %broadcast_in_dim3A_494 = vector.broadcast %broadcast_in_dim3A_493 : f32 to vector<16xf32>
    %broadcast_in_dim3A_495 = arith.constant 32768 : i32
    %broadcast_in_dim3A_496 = vector.broadcast %broadcast_in_dim3A_495 : i32 to vector<16xi32>
    %add3A_497 = arith.constant 0 : i32
    %add3A_498 = vector.broadcast %add3A_497 : i32 to vector<16xi32>
    %add3A_499 = arith.addi %iota3A_486, %add3A_498 : vector<16xi32>
    %while3A_500 = arith.constant 0 : i32
    %while3A_501 = arith.subi %reduce_max3A_335, %while3A_500 : i32
    %while3A_502 = arith.addi %while3A_500, %while3A_501 : i32
    %while3A_503 = arith.constant 1 : i32
    %while3A_504 = arith.divsi %while3A_501, %while3A_503 : i32
    %while3A_505 = arith.muli %while3A_504, %while3A_503 : i32
    %while3A_506 = arith.addi %while3A_500, %while3A_505 : i32
    %while3A_507 = arith.constant 1 : i32
    %while3A_508:2 = scf.for %while3A_558 = %while3A_500 to %while3A_506 step %while3A_507 iter_args(%while3A_559 = %add3A_499, %while3A_560 = %broadcast_in_dim3A_490) -> (vector<16xi32>, vector<16xi32>)  : i32 {
      %gather3A = tpu.vector_load_idx %arg7[%while3A_559] : memref<32000xi32, #tpu.memory_space<vmem>>[vector<16xi32>], vector<16xi32>,
      %lt3A = arith.cmpi slt, %while3A_560, %shift_right_logical3A_324 : vector<16xi32>
      %select_n3A = arith.select %lt3A, %gather3A, %broadcast_in_dim3A_496 : vector<16xi1>, vector<16xi32>
      tpu.vector_store_idx %arg6[%select_n3A], %broadcast_in_dim3A_494 : memref<32784xf32, #tpu.memory_space<vmem>>[vector<16xi32>], vector<16xf32>,
      %add3A_561 = arith.addi %while3A_559, %broadcast_in_dim3A_492 : vector<16xi32>
      %add3A_562 = arith.addi %while3A_560, %broadcast_in_dim3A_488 : vector<16xi32>
      scf.yield %add3A_561, %add3A_562 : vector<16xi32>, vector<16xi32>
    }
    %while3A_509 = arith.constant 1 : i32
    %while3A_510:2 = scf.for %while3A_558 = %while3A_506 to %while3A_502 step %while3A_509 iter_args(%while3A_559 = %while3A_508#0, %while3A_560 = %while3A_508#1) -> (vector<16xi32>, vector<16xi32>)  : i32 {
      %gather3A = tpu.vector_load_idx %arg7[%while3A_559] : memref<32000xi32, #tpu.memory_space<vmem>>[vector<16xi32>], vector<16xi32>,
      %lt3A = arith.cmpi slt, %while3A_560, %shift_right_logical3A_324 : vector<16xi32>
      %select_n3A = arith.select %lt3A, %gather3A, %broadcast_in_dim3A_496 : vector<16xi1>, vector<16xi32>
      tpu.vector_store_idx %arg6[%select_n3A], %broadcast_in_dim3A_494 : memref<32784xf32, #tpu.memory_space<vmem>>[vector<16xi32>], vector<16xf32>,
      %add3A_561 = arith.addi %while3A_559, %broadcast_in_dim3A_492 : vector<16xi32>
      %add3A_562 = arith.addi %while3A_560, %broadcast_in_dim3A_488 : vector<16xi32>
      scf.yield %add3A_561, %add3A_562 : vector<16xi32>, vector<16xi32>
    }
    %iota3A_511 = tpu.iota {dimensions = array<i32: 0>} : vector<16xi32>
    %broadcast_in_dim3A_512 = arith.constant 1 : i32
    %broadcast_in_dim3A_513 = vector.broadcast %broadcast_in_dim3A_512 : i32 to vector<16xi32>
    %broadcast_in_dim3A_514 = arith.constant 0 : i32
    %broadcast_in_dim3A_515 = vector.broadcast %broadcast_in_dim3A_514 : i32 to vector<16xi32>
    %broadcast_in_dim3A_516 = arith.constant 16 : i32
    %broadcast_in_dim3A_517 = vector.broadcast %broadcast_in_dim3A_516 : i32 to vector<16xi32>
    %broadcast_in_dim3A_518 = arith.constant 32768 : i32
    %broadcast_in_dim3A_519 = vector.broadcast %broadcast_in_dim3A_518 : i32 to vector<16xi32>
    %add3A_520 = arith.constant 16000 : i32
    %add3A_521 = vector.broadcast %add3A_520 : i32 to vector<16xi32>
    %add3A_522 = arith.addi %iota3A_511, %add3A_521 : vector<16xi32>
    %while3A_523 = arith.constant 0 : i32
    %while3A_524 = arith.subi %reduce_max3A_467, %while3A_523 : i32
    %while3A_525 = arith.addi %while3A_523, %while3A_524 : i32
    %while3A_526 = arith.constant 1 : i32
    %while3A_527 = arith.divsi %while3A_524, %while3A_526 : i32
    %while3A_528 = arith.muli %while3A_527, %while3A_526 : i32
    %while3A_529 = arith.addi %while3A_523, %while3A_528 : i32
    %while3A_530 = arith.constant 1 : i32
    %while3A_531:2 = scf.for %while3A_558 = %while3A_523 to %while3A_529 step %while3A_530 iter_args(%while3A_559 = %add3A_522, %while3A_560 = %broadcast_in_dim3A_515) -> (vector<16xi32>, vector<16xi32>)  : i32 {
      %gather3A = tpu.vector_load_idx %arg7[%while3A_559] : memref<32000xi32, #tpu.memory_space<vmem>>[vector<16xi32>], vector<16xi32>,
      %lt3A = arith.cmpi slt, %while3A_560, %shift_right_logical3A_456 : vector<16xi32>
      %select_n3A = arith.select %lt3A, %gather3A, %broadcast_in_dim3A_519 : vector<16xi1>, vector<16xi32>
      %gather3A_561 = tpu.vector_load_idx %arg5[%select_n3A] : memref<32784xf32, #tpu.memory_space<vmem>>[vector<16xi32>], vector<16xf32>,
      %sub3A_562 = vector.broadcast %add3A_473 : f32 to vector<16xf32>
      %sub3A_563 = arith.subf %gather3A_561, %sub3A_562 : vector<16xf32>
      %max3A_564 = arith.constant 0.000000e+00 : f32
      %max3A_565 = vector.broadcast %max3A_564 : f32 to vector<16xf32>
      %max3A_566 = arith.maximumf %sub3A_563, %max3A_565 : vector<16xf32>
      tpu.vector_store_idx %arg6[%select_n3A], %max3A_566 : memref<32784xf32, #tpu.memory_space<vmem>>[vector<16xi32>], vector<16xf32>,
      %add3A_567 = arith.addi %while3A_559, %broadcast_in_dim3A_517 : vector<16xi32>
      %add3A_568 = arith.addi %while3A_560, %broadcast_in_dim3A_513 : vector<16xi32>
      scf.yield %add3A_567, %add3A_568 : vector<16xi32>, vector<16xi32>
    }
    %while3A_532 = arith.constant 1 : i32
    %while3A_533:2 = scf.for %while3A_558 = %while3A_529 to %while3A_525 step %while3A_532 iter_args(%while3A_559 = %while3A_531#0, %while3A_560 = %while3A_531#1) -> (vector<16xi32>, vector<16xi32>)  : i32 {
      %gather3A = tpu.vector_load_idx %arg7[%while3A_559] : memref<32000xi32, #tpu.memory_space<vmem>>[vector<16xi32>], vector<16xi32>,
      %lt3A = arith.cmpi slt, %while3A_560, %shift_right_logical3A_456 : vector<16xi32>
      %select_n3A = arith.select %lt3A, %gather3A, %broadcast_in_dim3A_519 : vector<16xi1>, vector<16xi32>
      %gather3A_561 = tpu.vector_load_idx %arg5[%select_n3A] : memref<32784xf32, #tpu.memory_space<vmem>>[vector<16xi32>], vector<16xf32>,
      %sub3A_562 = vector.broadcast %add3A_473 : f32 to vector<16xf32>
      %sub3A_563 = arith.subf %gather3A_561, %sub3A_562 : vector<16xf32>
      %max3A_564 = arith.constant 0.000000e+00 : f32
      %max3A_565 = vector.broadcast %max3A_564 : f32 to vector<16xf32>
      %max3A_566 = arith.maximumf %sub3A_563, %max3A_565 : vector<16xf32>
      tpu.vector_store_idx %arg6[%select_n3A], %max3A_566 : memref<32784xf32, #tpu.memory_space<vmem>>[vector<16xi32>], vector<16xf32>,
      %add3A_567 = arith.addi %while3A_559, %broadcast_in_dim3A_517 : vector<16xi32>
      %add3A_568 = arith.addi %while3A_560, %broadcast_in_dim3A_513 : vector<16xi32>
      scf.yield %add3A_567, %add3A_568 : vector<16xi32>, vector<16xi32>
    }
    %add3A_534 = arith.constant 3 : i32
    %add3A_535 = arith.addi %mul3A_2, %add3A_534 : i32
    %dma_start3A_536 = arith.constant 0 : i32
    %dma_start3A_537 = tpu.memref_slice %arg6[%dma_start3A_536] : memref<32784xf32, #tpu.memory_space<vmem>> -> memref<32768xf32, #tpu.memory_space<vmem>>
    %dma_start3A_538 = arith.constant 0 : i32
    %dma_start3A_539 = tpu.memref_slice %arg3[%add3A_535, %dma_start3A_538] : memref<128x32768xf32, #tpu.memory_space<hbm>> -> memref<1x32768xf32, #tpu.memory_space<hbm>>
    %dma_start3A_540 = tpu.memref_squeeze %dma_start3A_539 : memref<1x32768xf32, #tpu.memory_space<hbm>> -> memref<32768xf32, #tpu.memory_space<hbm>>
    %dma_start3A_541 = arith.constant 0 : i32
    %dma_start3A_542 = tpu.memref_slice %arg3[%add3A_535, %dma_start3A_541] : memref<128x32768xf32, #tpu.memory_space<hbm>> -> memref<1x32768xf32, #tpu.memory_space<hbm>>
    %dma_start3A_543 = tpu.memref_squeeze %dma_start3A_542 : memref<1x32768xf32, #tpu.memory_space<hbm>> -> memref<32768xf32, #tpu.memory_space<hbm>>
    %dma_start3A_544 = arith.constant 0 : i32
    %dma_start3A_545 = tpu.memref_slice %arg6[%dma_start3A_544] : memref<32784xf32, #tpu.memory_space<vmem>> -> memref<32768xf32, #tpu.memory_space<vmem>>
    tpu.enqueue_dma source(%dma_start3A_545 : memref<32768xf32, #tpu.memory_space<vmem>>) target(%dma_start3A_543 : memref<32768xf32, #tpu.memory_space<hbm>>) target_semaphore(%arg10 : memref<!tpu.dma_semaphore, #tpu.memory_space<semaphore_mem>>)
    %add3A_546 = arith.constant 3 : i32
    %add3A_547 = arith.addi %mul3A_2, %add3A_546 : i32
    %dma_wait3A_548 = arith.constant 0 : i32
    %dma_wait3A_549 = tpu.memref_slice %arg6[%dma_wait3A_548] : memref<32784xf32, #tpu.memory_space<vmem>> -> memref<32768xf32, #tpu.memory_space<vmem>>
    %dma_wait3A_550 = arith.constant 0 : i32
    %dma_wait3A_551 = tpu.memref_slice %arg3[%add3A_547, %dma_wait3A_550] : memref<128x32768xf32, #tpu.memory_space<hbm>> -> memref<1x32768xf32, #tpu.memory_space<hbm>>
    %dma_wait3A_552 = tpu.memref_squeeze %dma_wait3A_551 : memref<1x32768xf32, #tpu.memory_space<hbm>> -> memref<32768xf32, #tpu.memory_space<hbm>>
    %dma_wait3A_553 = arith.constant 0 : i32
    %dma_wait3A_554 = tpu.memref_slice %arg3[%add3A_547, %dma_wait3A_553] : memref<128x32768xf32, #tpu.memory_space<hbm>> -> memref<1x32768xf32, #tpu.memory_space<hbm>>
    %dma_wait3A_555 = tpu.memref_squeeze %dma_wait3A_554 : memref<1x32768xf32, #tpu.memory_space<hbm>> -> memref<32768xf32, #tpu.memory_space<hbm>>
    %dma_wait3A_556 = arith.constant 0 : i32
    %dma_wait3A_557 = tpu.memref_slice %arg6[%dma_wait3A_556] : memref<32784xf32, #tpu.memory_space<vmem>> -> memref<32768xf32, #tpu.memory_space<vmem>>
    tpu.wait_dma2 semaphore(%arg10 : memref<!tpu.dma_semaphore, #tpu.memory_space<semaphore_mem>>) src(%dma_wait3A_557 : memref<32768xf32, #tpu.memory_space<vmem>>) dst(%dma_wait3A_555 : memref<32768xf32, #tpu.memory_space<hbm>>)
    return
  }
}

</mosaic_0001>

<sc_bundles>
// kernel: kernel.3.cloned.1.call-start
scs
__scs_entry_jumppad:
0x0: {  	(pc) =	sbr.rel $0x88, $3  }
0x1: {  	(tag) =	ssettag $0x0;
	lr =	simm.s32 $0x1  }
0x2: {  	[smem:$0x3FA0] =	sst lr;
	_ =	strace $0xD0000000  }
0x3: {  	_ = 	snop  }
0x4: {  	_ = 	snop  }
0x5: {  	_ = 	snop  }
0x6: {  	_ = 	snop  }
0x7: {  	_ = 	snop  }
__scs_overlays_trampoline_lowered:
0x8: {  	[smem:$0x3FAF] =	sst s0  }
0x9: {  	[smem:$0x3FB0] =	sst s1  }
0xa: {  	[smem:$0x3FB1] =	sst s2  }
0xb: {  	[smem:$0x3FB2] =	sst s3  }
0xc: {  	[smem:$0x3FB3] =	sst s4  }
0xd: {  	[smem:$0x3FB4] =	sst s5  }
0xe: {  	[smem:$0x3FB5] =	sst s6  }
0xf: {  	[smem:$0x3FB6] =	sst s7  }
0x10: {  	[smem:$0x3FB7] =	sst s8  }
0x11: {  	[smem:$0x3FB8] =	sst s9;
	s0 =	simm.s32 @!p0 $0x0  }
0x12: {  	s1 =	sld [smem:$0x3F9E];
	s0 =	simm.s32 @p0 $0x1  }
0x13: {  	[smem:$0x3FB9] =	sst s0;
	s0 =	simm.s32 @!p1 $0x0  }
0x14: {  	s2 =	sld [smem:$0x3F9D];
	s0 =	simm.s32 @p1 $0x1  }
0x15: {  	[smem:$0x3FBA] =	sst s0;
	s0 =	simm.s32 @!p2 $0x0  }
0x16: {  	s3 =	sld [smem:$0x3FDB];
	s0 =	simm.s32 @p2 $0x1  }
0x17: {  	s4 =	simm.s32 $0x1BF5;
	[smem:$0x3FBC] =	sst s0  }
0x18: {  	s0 =	sld [smem:$0x3F9F];
	_ =	swait.ge [sflag:s4], $0x0  }
0x19: {  	s7 =	sld [smem:$0x3FA0]  }
0x1a: {  	s8 =	sadd.s32 $0xFFFFE003, lr  }
0x1b: {  	s9 =	sadd.s32 $0xFFFFFEF7, lr;
	s5 =	simm.s32 $0xFFFFFFFF;
	p2 =	slt.u32 s8, $0xFFFFF086  }
0x1c: {  	p1 =	slt.u32 s9, $0xF7A;
	s5 =	simm.s32 @!p2 $0x0  }
0x1d: {  	s5 =	simm.s32 @p1 $0x1;
	p0 =	seq.s32 s7, s2  }
0x1e: {  	s7 =	smul.u32 @!p0 $0xF7A, s2;
	p2 =	seq.s32 @!p0 s5, $0x0  }
0x1f: {  	s9 =	smul.u32 $0xF7A, s1;
	s8 =	simm.s32 @!p0 $0x1BF5;
	p2 =	por !p2, p0  }
0x20: {  	[sflag:s8] =	ssyncset.s32 @!p0 $0xFFFFF086;
	s6 =	sadd.s32 @!p0 s3, s7;
	s7 =	simm.s32 @!p0 $0x108  }
0x21: {  	s3 =	sadd.s32 s3, s9;
	s6 =	sadd.s32 @!p0 $0x88, s6;
	s7 =	simm.s32 @p2 $0x1082  }
0x22: {  	[simem:s7], [sflag:s8] =	dma.local @!p0 [hbm:s6], $0xF7A  }
0x23: {  	s9 =	sor.u32 $0xD0000000, s2;
	s6 =	simm.s32 $0x108;
	_ =	swait.ge @!p0 [sflag:s8], $0x0  }
0x24: {  	s3 =	sadd.s32 $0x88, s3;
	s6 =	simm.s32 @!p1 $0x1082;
	[sflag:s4] =	ssyncset.s32 $0xFFFFF086  }
0x25: {  	[simem:s6], [sflag:s4] =	dma.local [hbm:s3], $0xF7A  }
0x26: {  	[smem:$0x3FA0] =	sst s1;
	(tag) =	ssettag s2;
	_ =	strace s9  }
0x27: {  	s1 =	sld [smem:$0x3FB0]  }
0x28: {  	s2 =	sld [smem:$0x3FB1]  }
0x29: {  	s4 =	sld [smem:$0x3FB3]  }
0x2a: {  	p0 =	seq.s32 s5, $0x0;
	s5 =	sld [smem:$0x3FB4]  }
0x2b: {  	s6 =	sld [smem:$0x3FB5]  }
0x2c: {  	s7 =	sld [smem:$0x3FB6]  }
0x2d: {  	s3 =	simm.s32 $0x108;
	s8 =	sld [smem:$0x3FB7]  }
0x2e: {  	s3 =	simm.s32 @!p0 $0x1082;
	s9 =	sld [smem:$0x3FB8]  }
0x2f: {  	lr =	sadd.s32 s0, s3;
	s0 =	sld [smem:$0x3FAF]  }
0x30: {  	s3 =	sld [smem:$0x3FB2]  }
0x31: {  	[smem:$0x3FBB] =	sst s10  }
0x32: {  	s10 =	sld [smem:$0x3FB9];
	_ =	sdelay $0x3  }
0x33: {  	p0 =	seq.s32 s10, $0x1;
	s10 =	sld [smem:$0x3FBB];
	_ =	sdelay $0x3  }
0x34: {  	[smem:$0x3FBB] =	sst s10  }
0x35: {  	s10 =	sld [smem:$0x3FBA];
	_ =	sdelay $0x3  }
0x36: {  	p1 =	seq.s32 s10, $0x1;
	s10 =	sld [smem:$0x3FBB];
	_ =	sdelay $0x3  }
0x37: {  	[smem:$0x3FBB] =	sst s10  }
0x38: {  	s10 =	sld [smem:$0x3FBC]  }
0x39: {  	_ = 	snop;
	(pc) =	sbr.ind lr, $3  }
0x3a: {  	_ = 	snop  }
0x3b: {  	_ = 	snop  }
0x3c: {  	p2 =	seq.s32 s10, $0x1;
	s10 =	sld [smem:$0x3FBB]  }
0x3d: {  	_ =	shalt  }
0x3e: {  	_ =	shalt  }
0x3f: {  	_ =	shalt  }
0x40: {  	_ =	shalt  }
0x41: {  	_ =	shalt  }
0x42: {  	_ =	shalt  }
0x43: {  	_ =	shalt  }
0x44: {  	_ =	shalt  }
0x45: {  	_ =	shalt  }
0x46: {  	_ =	shalt  }
0x47: {  	_ =	shalt  }
0x48: {  	_ =	shalt  }
0x49: {  	_ =	shalt  }
0x4a: {  	_ =	shalt  }
0x4b: {  	_ =	shalt  }
0x4c: {  	_ =	shalt  }
0x4d: {  	_ =	shalt  }
0x4e: {  	_ =	shalt  }
0x4f: {  	_ =	shalt  }
0x50: {  	_ =	shalt  }
0x51: {  	_ =	shalt  }
0x52: {  	_ =	shalt  }
0x53: {  	_ =	shalt  }
0x54: {  	_ =	shalt  }
0x55: {  	_ =	shalt  }
0x56: {  	_ =	shalt  }
0x57: {  	_ =	shalt  }
0x58: {  	_ =	shalt  }
0x59: {  	_ =	shalt  }
0x5a: {  	_ =	shalt  }
0x5b: {  	_ =	shalt  }
0x5c: {  	_ =	shalt  }
0x5d: {  	_ =	shalt  }
0x5e: {  	_ =	shalt  }
0x5f: {  	_ =	shalt  }
0x60: {  	_ =	shalt  }
0x61: {  	_ =	shalt  }
0x62: {  	_ =	shalt  }
0x63: {  	_ =	shalt  }
0x64: {  	_ =	shalt  }
0x65: {  	_ =	shalt  }
0x66: {  	_ =	shalt  }
0x67: {  	_ =	shalt  }
0x68: {  	_ =	shalt  }
0x69: {  	_ =	shalt  }
0x6a: {  	_ =	shalt  }
0x6b: {  	_ =	shalt  }
0x6c: {  	_ =	shalt  }
0x6d: {  	_ =	shalt  }
0x6e: {  	_ =	shalt  }
0x6f: {  	_ =	shalt  }
0x70: {  	_ =	shalt  }
0x71: {  	_ =	shalt  }
0x72: {  	_ =	shalt  }
0x73: {  	_ =	shalt  }
0x74: {  	_ =	shalt  }
0x75: {  	_ =	shalt  }
0x76: {  	_ =	shalt  }
0x77: {  	_ =	shalt  }
0x78: {  	_ =	shalt  }
0x79: {  	_ =	shalt  }
0x7a: {  	_ =	shalt  }
0x7b: {  	_ =	shalt  }
0x7c: {  	_ =	shalt  }
0x7d: {  	_ =	shalt  }
0x7e: {  	_ =	shalt  }
0x7f: {  	_ =	shalt  }
0x80: {  	_ =	shalt  }
0x81: {  	_ =	shalt  }
0x82: {  	_ =	shalt  }
0x83: {  	_ =	shalt  }
0x84: {  	_ =	shalt  }
0x85: {  	_ =	shalt  }
0x86: {  	_ =	shalt  }
0x87: {  	_ =	shalt  }
.Lfunc_end0:
.L_simem_size_0:
called_computation_lowered:
.L_overlay_start_0:
0x88: {  	s2 =	sld [smem:$0x3FD9]  }
0x89: {  	s3 =	sld [smem:$0x3FFE];
	_ =	sdelay $0x1  }
0x8a: {  	s1 =	srdreg.scid  }
0x8b: {  	s0 =	sand.u32 $0x1, s1  }
0x8c: {  	s18 =	sshll.u32 s0, $0xA;
	s2 =	sadd.s32 s3, s2  }
0x8d: {  	s2 =	sadd.s32 s2, s18  }
0x8e: {  	[smem:$0x3FC7] =	sst s2  }
0x8f: {  	_ = 	snop  }
0x90: {  	s2 =	sld [smem:$0x3FC9]  }
0x91: {  	s19 =	sld [smem:$0x3FD0];
	(tm) =	ssettm $0x1  }
0x92: {  	s4 =	sld [smem:$0x3FFB];
	_ =	sdelay $0x3  }
0x93: {  	_ =	strace s4  }
0x94: {  	s4 =	sld [smem:$0x3FFC];
	_ =	sdelay $0x3  }
0x95: {  	_ =	strace s4  }
0x96: {  	s4 =	sld [smem:$0x3FFD];
	_ =	sdelay $0x3  }
0x97: {  	_ =	strace s4  }
0x98: {  	_ =	strace $0x8FFFFFFF  }
0x99: {  	s20 =	sld [smem:$0x3FDB];
	_ =	sdelay $0x1  }
0x9a: {  	s5 =	simm.s32 $_scs_section_size  }
0x9b: {  	s6 =	simm.s32 $_size__tile_overlayer_lowered;
	s7 =	simm.s32 $_tile_overlayer_lowered  }
0x9c: {  	s23 =	simm.s32 $0x1BFF;
	s22 =	sshll.u32 s7, $0x1;
	s4 =	sadd.s32 s5, s20  }
0x9d: {  	s8 =	simm.s32 $0x0;
	s21 =	sshll.u32 s6, $0x1;
	s6 =	sadd.s32 s22, s4  }
0x9e: {  	[timem:s8], [sflag:s23] =	dma.local [hbm:s6], s21  }
0x9f: {  	_ =	swait.ge [sflag:s23], s21  }
0xa0: {  	s5 =	ssub.s32 $0x0, s21;
	[sflag:s23] =	ssyncset.done $0x0  }
0xa1: {  	[sflag:s23] =	ssyncadd.s32 s5;
	_ =	sdelay $0x1  }
0xa2: {  	s24 =	simm.s32 $0x1B8B  }
0xa3: {  	_ =	swait.ge [sflag:s24], $0x1  }
0xa4: {  	[sflag:s24] =	ssyncset.done $0x0  }
0xa5: {  	s25 =	simm.s32 $0x1B8E;
	[sflag:s24] =	ssyncadd.s32 $0xFFFFFFFF  }
0xa6: {  	s26 =	simm.s32 $execute0_lowered;
	[smem:$0x3FD2] =	sst s25  }
0xa7: {  	s5 =	sshll.u32 s26, $0x1;
	_ =	strace $0x80000046;
	[dreg:$0x1] =	wrdreg $0xFFFFFFFF  }
0xa8: {  	s28 =	simm.s32 $_size_execute0_lowered;
	s4 =	sadd.s32 s4, s5;
	[dreg:$0x0] =	wrdreg $0x0  }
0xa9: {  	s5 =	sshll.u32 s28, $0x1;
	[dreg:$0x2] =	wrdreg s4  }
0xaa: {  	[dreg:$0x3] =	wrdreg s5  }
0xab: {  	[dreg:$0x4] =	wrdreg $0xC0  }
0xac: {  	_ =	task [dreg:s8], $0x5FFFF  }
0xad: {  	[dreg:$0x1] =	wrdreg $0xFFFFFFFF  }
0xae: {  	[dreg:$0x0] =	wrdreg $0x60  }
0xaf: {  	[dreg:$0x2] =	wrdreg s2  }
0xb0: {  	[dreg:$0x3] =	wrdreg s19  }
0xb1: {  	[dreg:$0x4] =	wrdreg $0x9  }
0xb2: {  	_ =	task.clear_ibuf [dreg:s8], $0x5FFFF;
	_ =	strace $0x90000046  }
0xb3: {  	s29 =	simm.s32 $0x9;
	_ =	strace $0x80000048  }
0xb4: {  	_ =	swait.ge [sflag:s29], $0x1  }
0xb5: {  	[sflag:s29] =	ssyncadd.s32 $0xFFFFFFFF  }
0xb6: {  	_ =	strace $0x90000048  }
0xb7: {  	_ =	sfence  }
0xb8: {  	s30 =	sld [smem:$0x0];
	_ =	sdelay $0x2  }
0xb9: {  	s31 =	sshll.u32 s1, $0xD;
	s1 =	sshrl.u32 s1, $0x2  }
0xba: {  	s3 =	sand.u32 $0x4000, s31;
	s1 =	sadd.s32 s1, s30  }
0xbb: {  	s0 =	sor.u32 s3, s0;
	s1 =	sshll.u32 s1, $0x11  }
0xbc: {  	s0 =	sor.u32 s1, s0  }
0xbd: {  	s0 =	sadd.s32 $0x8F2B, s0  }
0xbe: {  	[sflag:s0] =	ssyncadd.remote.s32 $0x1  }
0xbf: {  	_ =	sfence.sel $0xFFFF  }
0xc0: {  	[dreg:$0x0] =	wrdreg $0xFFFFFFFF;
	(pc) =	sbr.abs _section_cstart, $3  }
0xc1: {  	[dreg:$0x1] =	wrdreg $0xFFFFFFFF  }
0xc2: {  	_ =	task.clear_ibuf [dreg:s8], $0x2FFFF;
	_ =	strace $0x9FFFFFFF  }
0xc3: {  	(tm) =	ssettm $0x7FFFFFFF  }
tec
execute0_lowered:
.L_overlay_start_1:
0x0: {  	(tag) =	ssettag $0x1  }
0x1: {  	s8 =	rddreg [dreg:$0x0]  }
0x2: {  	s10 =	rddreg [dreg:$0x1]  }
0x3: {  	s2 =	srdreg.scid;
	s0 =	rddreg [dreg:$0x2]  }
0x4: {  	s1 =	stileid.u32;
	s13 =	simm.s32 $0x400;
	s14 =	simm.s32 $0x8080  }
0x5: {  	s15 =	simm.s32 $0x1;
	s16 =	simm.s32 $0x18180;
	s17 =	simm.s32 $0x10100  }
0x6: {  	s18 =	simm.s32 $0x2;
	s19 =	simm.s32 $0x3;
	s20 =	simm.s32 $0x0  }
0x7: {  	s3 =	sand.u32 $0x1, s2;
	s2 =	simm.s32 $0x0;
	s4 =	sshll.u32 s1, $0xF  }
0x8: {  	s5 =	sshll.u32 s3, $0x6;
	[smem:$0x7FF] =	sst s2;
	s3 =	ssub.s32 $0x2, s3  }
0x9: {  	s6 =	sor.u32 s5, s4;
	_ =	strace $0x80000047;
	s31 =	sshrl.u32 s3, $0x1  }
.Ltmp0:
0xa: {  	s7 =	sor.u32 $0x10, s6;
	s11 =	ssub.s32 s3, s31;
	(pc) =	sbr.rel .LBB2_1-.Ltmp0, $4  }
0xb: {  	s3 =	sadd.s32 s8, s6;
	s5 =	sadd.s32 s10, s6;
	s9 =	sor.u32 $0x20, s6  }
0xc: {  	s12 =	sor.u32 $0x30, s6;
	s4 =	sadd.s32 s8, s7;
	s6 =	sadd.s32 s8, s9  }
0xd: {  	v0 =	vimm.f32 $0.0e+00;
	v1 =	vlaneseq.u32;
	s7 =	sadd.s32 s10, s7;
	s8 =	sadd.s32 s8, s12;
	s9 =	sadd.s32 s10, s9  }
0xe: {  	v2 =	vimm.s32 $0x0;
	v3 =	vor.u32 $0x3E70, v1;
	v4 =	vmul.u32 $0xFFFFFFFF, v1;
	s10 =	sadd.s32 s10, s12;
	s11 =	smax.u32 s11, $0x1;
	s12 =	simm.s32 $0x80  }
.LBB2_103:
0xf: {  	v9 =	vimm.s32 $0x0  }
.LBB2_111:
0x10: {  	v8 =	vadd.s32 @p0 $0x1, v9  }
0x11: {  	v7 =	vpsel p0, v8, v7  }
0x12: {  	vm0 =	vlt.s32 v7, v6  }
0x13: {  	v6 =	vnsel vm0, $0x8000, v10;
	_ =	sdelay $0x4  }
0x14: {  	v7 =	vld.idx.msk [tilespmem:v6+s14+$0x0], $0xffff;
	_ =	sdelay $0x4  }
0x15: {  	v5 =	vsub.f32 v7, v5;
	_ =	sdelay $0x1  }
0x16: {  	v5 =	vmax.f32 v5, $0.0e+00  }
0x17: {  	[tilespmem:v6+s17+$0x0] =	vst.idx.msk $0xffff, v5  }
.LBB2_112:
0x18: {  	s20 =	sadd.s32 $0x1, s20  }
0x19: {  	p0 =	sne.s32 s20, s11  }
.Ltmp1:
0x1a: {  	_ = 	snop;
	(pc) =	sbr.rel @!p0 .LBB2_113-.Ltmp1, $4  }
0x1b: {  	[hbm4b:s10+s12] =	stream.strided.scatter [tilespmem:s17], [sflag:$0x3], $0x8000, s13, s12, $0x38;
	[tilespmem:$0x1FE80] =	vst v63  }
0x1c: {  	_ =	swait.ge [sflag:s19], $0x8000  }
0x1d: {  	[sflag:s19] =	ssyncset.done $0x0  }
0x1e: {  	[sflag:s19] =	ssyncadd.s32 $0xFFFF8000  }
.LBB2_1:
0x1f: {  	[tilespmem:s2], [sflag:$0x1] =	stream.strided.gather [hbm4b:s3+s12], $0x8000, s13, s12, $0x38;
	[tilespmem:$0x1FE80] =	vst v63  }
0x20: {  	s21 =	simm.s32 $0x0;
	s22 =	simm.s32 $0x200  }
.LBB2_2:
0x21: {  	p0 =	sne.s32 s22, $0x1FE00;
	[tilespmem:s21+$0x10170] =	vst v0  }
0x22: {  	[tilespmem:s21+$0x10100] =	vst v0  }
0x23: {  	[tilespmem:s21+$0x10110] =	vst v0  }
.Ltmp2:
0x24: {  	[tilespmem:s21+$0x10120] =	vst v0;
	(pc) =	sbr.rel @p0 .LBB2_2-.Ltmp2, $4  }
0x25: {  	[tilespmem:s21+$0x10130] =	vst v0  }
0x26: {  	[tilespmem:s21+$0x10140] =	vst v0  }
0x27: {  	[tilespmem:s21+$0x10150] =	vst v0  }
0x28: {  	[tilespmem:s21+$0x10160] =	vst v0;
	s21 =	sshra.s32 s22, $0x2;
	s22 =	sadd.s32 $0x200, s22  }
0x29: {  	[tilespmem:s21+$0x10170] =	vst v0  }
0x2a: {  	[tilespmem:s21+$0x10100] =	vst v0  }
0x2b: {  	[tilespmem:s21+$0x10110] =	vst v0  }
0x2c: {  	[tilespmem:s21+$0x10120] =	vst v0  }
0x2d: {  	[tilespmem:s21+$0x10130] =	vst v0  }
0x2e: {  	[tilespmem:s21+$0x10140] =	vst v0  }
0x2f: {  	[tilespmem:s21+$0x10150] =	vst v0  }
0x30: {  	[tilespmem:s21+$0x10160] =	vst v0  }
0x31: {  	v6 =	vimm.f32 $-Inf;
	[tilespmem:$0x18100] =	vst v0  }
0x32: {  	[tilespmem:$0x8000] =	vst v6  }
0x33: {  	[tilespmem:$0x10080] =	vst v6  }
0x34: {  	[tilespmem:s14], [sflag:$0x2] =	stream.strided.gather [hbm4b:s4+s12], $0x8000, s13, s12, $0x38;
	[tilespmem:$0x1FE80] =	vst v63  }
0x35: {  	_ =	swait.ge [sflag:s15], $0x8000  }
0x36: {  	[sflag:s15] =	ssyncset.done $0x0  }
0x37: {  	s31 =	simm.s32 $0x0;
	[sflag:s15] =	ssyncadd.s32 $0xFFFF8000  }
0x38: {  	v9 =	vld [tilespmem:s31+$0x20]  }
0x39: {  	v10 =	vld [tilespmem:s31+$0x0]  }
0x3a: {  	v11 =	vld [tilespmem:s31+$0x10]  }
0x3b: {  	v12 =	vld [tilespmem:s31+$0x30]  }
0x3c: {  	v13 =	vld [tilespmem:s31+$0x50]  }
0x3d: {  	v14 =	vld [tilespmem:s31+$0x40]  }
0x3e: {  	v5 =	vlaneseq.u32;
	v8 =	vadd.f32 $-1.000000000e+00, v6  }
0x3f: {  	v7 =	vadd.s32 $0x80, v5;
	vm0 =	vlt.s32 v5, v3  }
0x40: {  	v17 =	vsel vm0, v5, v3;
	vm4 =	vgt.f32 v9, v8;
	vm3 =	vgt.f32 v10, v8  }
0x41: {  	vm5 =	vgt.f32 v11, v8;
	v11 =	vmax.f32 v10, v11;
	vm0 =	vgt.f32 v12, v8  }
0x42: {  	v9 =	vmax.f32 v9, v12;
	v24 =	vmax.f32 v14, v13;
	vm2 =	vgt.f32 v14, v8  }
0x43: {  	v15 =	vsel vm4, $0x10, v2;
	v16 =	vsel vm3, $0x10, v2;
	v18 =	vsel vm5, $0x10, v2  }
0x44: {  	v11 =	vmax.f32 v11, v9;
	v12 =	vsel vm0, $0x10, v2;
	v19 =	vadd.s32 v5, v16  }
0x45: {  	v23 =	vld [tilespmem:s31+$0x60];
	v20 =	vadd.s32 v16, v18;
	v18 =	vadd.s32 v18, v15;
	vm1 =	vlt.s32 v19, v3  }
0x46: {  	v10 =	vld [tilespmem:s31+$0x70];
	v26 =	vadd.s32 v15, v12;
	v22 =	vadd.s32 v5, v20;
	v21 =	vsel vm1, v19, v3  }
0x47: {  	v9 =	vadd.s32 v16, v18;
	vm1 =	vgt.f32 v13, v8;
	vm6 =	vlt.s32 v22, v3  }
0x48: {  	v16 =	vsel vm2, $0x10, v2;
	v14 =	vsel vm1, $0x10, v2;
	v25 =	vsel vm6, v22, v3  }
0x49: {  	v15 =	vadd.s32 $0x10, v5;
	v13 =	vadd.s32 v5, v9;
	v9 =	vadd.s32 v16, v14;
	[tilespmem:v17+s16+$0x0] =	vst.idx.msk vm3, v5  }
0x4a: {  	v16 =	vadd.s32 v12, v16;
	v12 =	vadd.s32 v20, v26;
	vm3 =	vgt.f32 v23, v8  }
0x4b: {  	v20 =	vadd.s32 $0x20, v5;
	[tilespmem:v21+s16+$0x0] =	vst.idx.msk vm5, v15;
	v15 =	vadd.s32 v18, v19;
	v18 =	vmax.f32 v23, v10  }
0x4c: {  	v12 =	vadd.s32 v5, v12;
	v17 =	vadd.s32 v16, v15;
	v19 =	vmax.f32 v24, v18  }
0x4d: {  	s21 =	simm.s32 $0x200;
	v15 =	vsel vm3, $0x10, v2;
	[tilespmem:v25+s16+$0x0] =	vst.idx.msk vm4, v20;
	vm4 =	vlt.s32 v12, v3;
	v18 =	vadd.s32 v26, v22  }
.LBB2_4:
0x4e: {  	p0 =	sne.s32 s21, $0x1FE00;
	vm5 =	vlt.s32 v13, v3;
	vm6 =	vlt.s32 v17, v3;
	v14 =	vadd.s32 v14, v13;
	s22 =	smov.u32 s21;
	s21 =	sadd.s32 $0x200, s21  }
0x4f: {  	v18 =	vadd.s32 v9, v18;
	v11 =	vmax.f32 v11, v19;
	v13 =	vsel vm5, v13, v3  }
0x50: {  	v19 =	vsel vm4, v12, v3;
	v14 =	vadd.s32 v16, v14;
	v6 =	vmax.f32 v6, v11  }
0x51: {  	v11 =	vsel vm6, v17, v3;
	vm4 =	vlt.s32 v18, v3;
	v14 =	vadd.s32 v15, v14  }
0x52: {  	vm5 =	vgt.f32 v10, v8;
	v8 =	vsel vm4, v18, v3;
	vm4 =	vlt.s32 v14, v3  }
0x53: {  	v10 =	vadd.s32 $0x30, v5;
	v14 =	vsel vm4, v14, v3  }
0x54: {  	[tilespmem:v13+s16+$0x0] =	vst.idx.msk vm0, v10;
	v10 =	vadd.s32 $0x40, v5  }
0x55: {  	[tilespmem:v19+s16+$0x0] =	vst.idx.msk vm2, v10;
	v10 =	vadd.s32 $0x50, v5  }
0x56: {  	[tilespmem:v11+s16+$0x0] =	vst.idx.msk vm1, v10;
	v10 =	vadd.s32 $0x60, v5;
	v11 =	vadd.s32 v15, v12  }
0x57: {  	v12 =	vsel vm5, $0x10, v2;
	[tilespmem:v8+s16+$0x0] =	vst.idx.msk vm3, v10;
	v8 =	vadd.s32 $0x70, v5;
	v9 =	vadd.s32 v9, v11;
	v5 =	vmovc v7  }
0x58: {  	s22 =	sshra.s32 s22, $0x2;
	[tilespmem:v14+s16+$0x0] =	vst.idx.msk vm5, v8;
	v12 =	vadd.s32 v12, v9  }
0x59: {  	v9 =	vld [tilespmem:s22+$0x20]  }
0x5a: {  	v10 =	vld [tilespmem:s22+$0x0]  }
0x5b: {  	v11 =	vld [tilespmem:s22+$0x10]  }
0x5c: {  	v8 =	vadd.f32 $-1.000000000e+00, v6;
	v13 =	vld [tilespmem:s22+$0x30];
	_ =	sdelay $0x1  }
0x5d: {  	v7 =	vadd.s32 $0x80, v7;
	vm4 =	vgt.f32 v9, v8  }
0x5e: {  	vm0 =	vlt.s32 v12, v3;
	v14 =	vld [tilespmem:s22+$0x50];
	vm3 =	vgt.f32 v10, v8;
	v15 =	vsel vm4, $0x10, v2  }
0x5f: {  	v18 =	vsel vm0, v12, v3;
	v16 =	vld [tilespmem:s22+$0x40];
	vm5 =	vgt.f32 v11, v8;
	v17 =	vsel vm3, $0x10, v2  }
0x60: {  	v11 =	vmax.f32 v10, v11;
	v19 =	vsel vm5, $0x10, v2;
	v20 =	vadd.s32 v12, v17  }
0x61: {  	vm0 =	vgt.f32 v13, v8;
	v21 =	vadd.s32 v17, v19;
	vm1 =	vlt.s32 v20, v3  }
0x62: {  	v9 =	vmax.f32 v9, v13;
	v19 =	vadd.s32 v19, v15;
	v22 =	vsel vm1, v20, v3  }
0x63: {  	v11 =	vmax.f32 v11, v9;
	v23 =	vadd.s32 v12, v21;
	v10 =	vld [tilespmem:s22+$0x70];
	vm1 =	vgt.f32 v14, v8  }
0x64: {  	v9 =	vadd.s32 v17, v19;
	vm6 =	vlt.s32 v23, v3;
	v24 =	vld [tilespmem:s22+$0x60];
	v25 =	vmax.f32 v16, v14  }
0x65: {  	v13 =	vadd.s32 v12, v9;
	vm2 =	vgt.f32 v16, v8;
	v14 =	vsel vm1, $0x10, v2  }
0x66: {  	v16 =	vsel vm0, $0x10, v2;
	v26 =	vsel vm6, v23, v3;
	v17 =	vsel vm2, $0x10, v2  }
.Ltmp3:
0x67: {  	v27 =	vadd.s32 v15, v16;
	v15 =	vadd.s32 $0x10, v5;
	v9 =	vadd.s32 v17, v14;
	[tilespmem:v18+s16+$0x0] =	vst.idx.msk vm3, v5;
	(pc) =	sbr.rel @p0 .LBB2_4-.Ltmp3, $4  }
0x68: {  	v16 =	vadd.s32 v16, v17;
	v17 =	vadd.s32 v21, v27;
	v18 =	vadd.s32 $0x20, v5;
	[tilespmem:v22+s16+$0x0] =	vst.idx.msk vm5, v15  }
0x69: {  	v12 =	vadd.s32 v12, v17;
	v15 =	vadd.s32 v19, v20;
	v19 =	vmax.f32 v24, v10  }
0x6a: {  	vm3 =	vgt.f32 v24, v8;
	v17 =	vadd.s32 v16, v15;
	v19 =	vmax.f32 v25, v19  }
0x6b: {  	v15 =	vsel vm3, $0x10, v2;
	[tilespmem:v26+s16+$0x0] =	vst.idx.msk vm4, v18;
	vm4 =	vlt.s32 v12, v3;
	v18 =	vadd.s32 v27, v23  }
0x6c: {  	vm5 =	vgt.f32 v10, v8;
	v7 =	vadd.s32 v15, v12  }
0x6d: {  	v8 =	vsel vm5, $0x10, v2;
	v7 =	vadd.s32 v9, v7  }
0x6e: {  	v7 =	vadd.s32 v8, v7  }
0x6f: {  	v7 =	vadd.s32 v4, v7  }
0x70: {  	v8 =	vmax.f32 v11, v19;
	v7 =	vshrl.u32 v7, $0x4  }
0x71: {  	v6 =	vmax.f32 v6, v8;
	v8 =	vmin.u32 v7, $0x3E8  }
0x72: {  	(xrf0) =	vmax.scan.msk.f32 $0xffff, v6;
	v6 =	vor.u32 $0x80000000, v8  }
0x73: {  	(xrf0) =	vmax.scan.msk.u32 $0xffff, v6;
	_ =	sdelay $0x4  }
0x74: {  	v6, _, _ =	vpop (xrf0)  }
0x75: {  	v8, _, _ =	vpop (xrf0)  }
0x76: {  	(v2sf) =	vpush v8, $0xF;
	_ =	sdelay $0x6  }
0x77: {  	vm6 =	vlt.s32 v13, v3  }
0x78: {  	vm13 =	vlt.s32 v17, v3;
	v59 =	vadd.s32 v14, v13;
	v8 =	vsel vm6, v13, v3  }
0x79: {  	v60 =	vadd.s32 v9, v18;
	v61 =	vsel vm4, v12, v3;
	v10 =	vadd.s32 v16, v59  }
0x7a: {  	v62 =	vsel vm13, v17, v3;
	vm14 =	vlt.s32 v60, v3;
	v10 =	vadd.s32 v15, v10  }
0x7b: {  	v9 =	vsel vm14, v60, v3;
	vm15 =	vlt.s32 v10, v3  }
0x7c: {  	v63 =	vadd.s32 $0x30, v5;
	v10 =	vsel vm15, v10, v3  }
.Ltmp4:
0x7d: {  	[tilespmem:v8+s16+$0x0] =	vst.idx.msk vm0, v63;
	v8 =	vadd.s32 $0x40, v5;
	(pc) =	sbr.rel .LBB2_6-.Ltmp4, $4  }
0x7e: {  	[tilespmem:v61+s16+$0x0] =	vst.idx.msk vm2, v8;
	v8 =	vadd.s32 $0x50, v5  }
0x7f: {  	[tilespmem:v62+s16+$0x0] =	vst.idx.msk vm1, v8;
	v8 =	vadd.s32 $0x60, v5;
	s21 =	spop (v2sf)  }
0x80: {  	v5 =	vadd.s32 $0x70, v5;
	[tilespmem:v9+s16+$0x0] =	vst.idx.msk vm3, v8;
	s22 =	sxor.u32 $0x80000000, s21  }
0x81: {  	s24 =	simm.f32 $-1.000000000e+00;
	s23 =	simm.s32 $0x0;
	[tilespmem:v10+s16+$0x0] =	vst.idx.msk vm5, v5;
	v5 =	vbroadcast v6, $0xF;
	p0 =	slt.s32 s22, $0x1  }
.LBB2_7:
0x82: {  	v8 =	vimm.f32 $0.0e+00;
	v9 =	vimm.f32 $0.0e+00  }
.LBB2_17:
0x83: {  	(xrf2) =	vadd.scan.msk.f32 $0xffff, v8  }
0x84: {  	(xrf2) =	vadd.scan.msk.f32 $0xffff, v9;
	_ =	sdelay $0x8  }
0x85: {  	v8, _, _ =	vpop (xrf2)  }
0x86: {  	v9, _, _ =	vpop (xrf2)  }
0x87: {  	v9 =	vbroadcast v9, $0xF;
	_ =	sdelay $0x1  }
0x88: {  	(erf) = vrcp.f32 v9;
	_ =	sdelay $0x7  }
0x89: {  	(v2sf) =	vpush v8, $0xF  }
0x8a: {  	v8 =	vpop (erf)  }
0x8b: {  	(v2sf) =	vpush v8, $0x0;
	_ =	sdelay $0xc  }
0x8c: {  	s24 =	spop (v2sf)  }
0x8d: {  	s24 =	sadd.f32 $-1.000000000e+00, s24  }
0x8e: {  	s25 =	spop (v2sf)  }
0x8f: {  	s24 =	smul.f32 s25, s24;
	_ =	sdelay $0x1  }
0x90: {  	p1 =	sgt.f32 s24, s21;
	_ =	sdelay $0x1  }
0x91: {  	p2 =	slt.u32 @p1 s23, $0x3F  }
0x92: {  	p1 =	por !p1, !p2  }
.Ltmp5:
0x93: {  	_ = 	snop;
	(pc) =	sbr.rel @p1 .LBB2_18-.Ltmp5, $2  }
0x94: {  	_ =	sdelay $0x2  }
0x95: {  	s23 =	sadd.s32 $0x1, s23  }
.LBB2_6:
.Ltmp6:
0x96: {  	(pc) =	sbr.rel @p0 .LBB2_7-.Ltmp6, $2  }
0x97: {  	_ =	sdelay $0x2  }
0x98: {  	s21 =	smov.u32 s24  }
0x99: {  	v12 =	vlaneseq.u32;
	p3 =	sne.s32 s22, $0x1  }
.Ltmp7:
0x9a: {  	_ = 	snop;
	(pc) =	sbr.rel @!p3 .LBB2_9-.Ltmp7, $3  }
0x9b: {  	_ =	sdelay $0x1  }
0x9c: {  	v8 =	vmov s21;
	v11 =	vimm.s32 $0x0  }
0x9d: {  	v9 =	vimm.f32 $0.0e+00;
	s24 =	sadd.s32 $0xFFFFFFFF, s22;
	p1 =	por $0x0, $0x0;
	p2 =	por $0x0, $0x0;
	vm0 =	vlt.s32 v11, v7;
	v10 =	vld.idx.msk [tilespmem:v12+s16+$0x0], $0xffff;
	v12 =	vadd.s32 $0x10, v12  }
0x9e: {  	_ =	sdelay $0x3  }
0x9f: {  	p3 =	sne.s32 s24, $0x1;
	v14 =	vnsel vm0, $0x8000, v10  }
.Ltmp8:
0xa0: {  	_ = 	snop;
	(pc) =	sbr.rel @!p3 .LBB2_11-.Ltmp8, $3  }
0xa1: {  	_ =	sdelay $0x1  }
0xa2: {  	v13 =	vadd.s32 $0x1, v11;
	v10 =	vld.idx.msk [tilespmem:v12+s16+$0x0], $0xffff  }
0xa3: {  	s24 =	sadd.s32 $0xFFFFFFFF, s24;
	v11 =	vadd.s32 $0x10, v12;
	p1 =	por $0x1, $0x1;
	vm0 =	vlt.s32 v13, v7;
	v17 =	vld.idx.msk [tilespmem:v14+s2+$0x0], $0xffff  }
0xa4: {  	_ =	sdelay $0x2  }
0xa5: {  	p3 =	sne.s32 s24, $0x1;
	v12 =	vnsel vm0, $0x8000, v10  }
.Ltmp9:
0xa6: {  	v16 =	vadd.s32 $0x10, v11;
	v10 =	vld.idx.msk [tilespmem:v11+s16+$0x0], $0xffff;
	(pc) =	sbr.rel @!p3 .LBB2_13-.Ltmp9, $4  }
0xa7: {  	_ = 	snop  }
0xa8: {  	v14 =	vadd.s32 $0x1, v13  }
0xa9: {  	vm0 =	vlt.s32 v14, v7  }
0xaa: {  	s24 =	sadd.s32 $0xFFFFFFFF, s24;
	p2 =	por $0x1, $0x1;
	v11 =	vimm.f32 $0.0e+00;
	v13 =	vsub.f32 v17, v5;
	v15 =	vld.idx.msk [tilespmem:v12+s2+$0x0], $0xffff;
	v12 =	vimm.f32 $0.0e+00  }
.LBB2_14:
0xab: {  	p3 =	sne.s32 s24, $0x1;
	s24 =	sadd.s32 $0xFFFFFFFF, s24;
	v17 =	vnsel vm0, $0x8000, v10;
	v10 =	vld.idx.msk [tilespmem:v16+s16+$0x0], $0xffff  }
.Ltmp10:
0xac: {  	v16 =	vadd.s32 $0x10, v16;
	vm0 =	vgt.f32 v13, v8;
	(pc) =	sbr.rel @p3 .LBB2_14-.Ltmp10, $4  }
0xad: {  	v13 =	vnsel vm0, $0x0, v13;
	v18 =	vsel vm0, $0x3F800000, v0  }
0xae: {  	v11 =	vadd.f32 v13, v11;
	v12 =	vadd.f32 v18, v12  }
0xaf: {  	v14 =	vadd.s32 $0x1, v14  }
0xb0: {  	vm0 =	vlt.s32 v14, v7;
	v13 =	vsub.f32 v15, v5;
	v15 =	vld.idx.msk [tilespmem:v17+s2+$0x0], $0xffff  }
0xb1: {  	_ =	sdelay $0x3  }
0xb2: {  	v17 =	vmov v15  }
.LBB2_16:
0xb3: {  	v10 =	vnsel vm0, $0x8000, v10;
	_ =	sdelay $0x4  }
0xb4: {  	v10 =	vld.idx.msk [tilespmem:v10+s2+$0x0], $0xffff  }
0xb5: {  	vm0 =	vgt.f32 @p2 v13, v8;
	v14 =	vsub.f32 @p1 v17, v5  }
0xb6: {  	v13 =	vnsel @p2 vm0, $0x0, v13  }
0xb7: {  	v15 =	vsel @p2 vm0, $0x3F800000, v0;
	v11 =	vadd.f32 @p2 v13, v11;
	v13 =	vpsel p1, v14, v0  }
0xb8: {  	v12 =	vadd.f32 @p2 v15, v12;
	vm0 =	vgt.f32 @p1 v13, v8  }
0xb9: {  	v11 =	vpsel p2, v11, v9;
	v13 =	vnsel @p1 vm0, $0x0, v13;
	v10 =	vsub.f32 v10, v5  }
.Ltmp11:
0xba: {  	v12 =	vpsel p2, v12, v9;
	v14 =	vsel @p1 vm0, $0x3F800000, v0;
	v11 =	vadd.f32 @p1 v13, v11;
	(pc) =	sbr.rel .LBB2_17-.Ltmp11, $4  }
0xbb: {  	v12 =	vadd.f32 @p1 v14, v12;
	vm15 =	vgt.f32 v10, v8  }
0xbc: {  	v11 =	vpsel p1, v11, v9;
	v8 =	vnsel vm15, $0x0, v10  }
0xbd: {  	v9 =	vpsel p1, v12, v9;
	v10 =	vsel vm15, $0x3F800000, v0;
	v8 =	vadd.f32 v8, v11  }
0xbe: {  	v9 =	vadd.f32 v10, v9  }
.LBB2_9:
.Ltmp12:
0xbf: {  	(pc) =	sbr.rel .LBB2_16-.Ltmp12, $2  }
0xc0: {  	_ =	sdelay $0x2  }
0xc1: {  	v11 =	vimm.f32 $0.0e+00;
	v12 =	vimm.f32 $0.0e+00  }
.LBB2_11:
.Ltmp13:
0xc2: {  	(pc) =	sbr.rel .LBB2_16-.Ltmp13, $2  }
0xc3: {  	_ =	sdelay $0x2  }
0xc4: {  	v11 =	vimm.f32 $0.0e+00;
	v12 =	vimm.f32 $0.0e+00  }
.LBB2_13:
.Ltmp14:
0xc5: {  	_ = 	snop;
	(pc) =	sbr.rel .LBB2_16-.Ltmp14, $2  }
0xc6: {  	_ =	sdelay $0x2  }
0xc7: {  	v11 =	vimm.f32 $0.0e+00;
	v12 =	vimm.f32 $0.0e+00;
	v17 =	vmov v15  }
.LBB2_18:
.Ltmp15:
0xc8: {  	(pc) =	sbr.rel @p0 .LBB2_25-.Ltmp15, $1  }
0xc9: {  	_ =	sdelay $0x3  }
0xca: {  	(v2sf) =	vpush v6, $0xF;
	_ =	sdelay $0xc  }
0xcb: {  	v8 =	vlaneseq.u32;
	p1 =	sne.s32 s22, $0x1  }
.Ltmp16:
0xcc: {  	_ = 	snop;
	(pc) =	sbr.rel @!p1 .LBB2_20-.Ltmp16, $3  }
0xcd: {  	s21 =	smax.f32 s21, s24;
	s23 =	spop (v2sf)  }
0xce: {  	s21 =	sadd.f32 s21, s23;
	_ =	sdelay $0x1  }
0xcf: {  	v6 =	vimm.s32 $0x0;
	p0 =	por $0x0, $0x0;
	v10 =	vld.idx.msk [tilespmem:v8+s16+$0x0], $0xffff;
	v5 =	vmov s21;
	s21 =	sadd.s32 $0xFFFFFFFF, s22  }
0xd0: {  	_ =	sdelay $0x2  }
0xd1: {  	vm0 =	vlt.s32 v6, v7  }
0xd2: {  	v9 =	vnsel vm0, $0x8000, v10;
	_ =	sdelay $0x4  }
0xd3: {  	v10 =	vld.idx.msk [tilespmem:v9+s2+$0x0], $0xffff;
	_ =	sdelay $0x3  }
0xd4: {  	v8 =	vadd.s32 $0x10, v8;
	p1 =	sne.s32 s21, $0x1  }
.Ltmp17:
0xd5: {  	v10 =	vsub.f32 v10, v5;
	(pc) =	sbr.rel @!p1 .LBB2_22-.Ltmp17, $4  }
0xd6: {  	_ = 	snop  }
0xd7: {  	v10 =	vmax.f32 v10, $0.0e+00  }
0xd8: {  	[tilespmem:v9+s17+$0x0] =	vst.idx.msk $0xffff, v10  }
0xd9: {  	s21 =	sadd.s32 $0xFFFFFFFF, s21;
	p0 =	por $0x1, $0x1;
	v9 =	vimm.s32 $0x0;
	v10 =	vld.idx.msk [tilespmem:v8+s16+$0x0], $0xffff  }
.LBB2_23:
0xda: {  	p1 =	sne.s32 s21, $0x1;
	_ =	sdelay $0x2  }
0xdb: {  	v9 =	vadd.s32 $0x1, v9  }
0xdc: {  	vm0 =	vlt.s32 v9, v7  }
0xdd: {  	v10 =	vnsel vm0, $0x8000, v10;
	_ =	sdelay $0x4  }
0xde: {  	v11 =	vld.idx.msk [tilespmem:v10+s2+$0x0], $0xffff;
	_ =	sdelay $0x4  }
0xdf: {  	v8 =	vadd.s32 $0x10, v8  }
.Ltmp18:
0xe0: {  	v11 =	vsub.f32 v11, v5;
	(pc) =	sbr.rel @p1 .LBB2_23-.Ltmp18, $4  }
0xe1: {  	_ = 	snop  }
0xe2: {  	v11 =	vmax.f32 v11, $0.0e+00  }
0xe3: {  	[tilespmem:v10+s17+$0x0] =	vst.idx.msk $0xffff, v11  }
0xe4: {  	s21 =	sadd.s32 $0xFFFFFFFF, s21;
	v10 =	vld.idx.msk [tilespmem:v8+s16+$0x0], $0xffff  }
.LBB2_24:
0xe5: {  	_ = 	snop  }
0xe6: {  	v8 =	vadd.s32 @p0 $0x1, v9  }
0xe7: {  	v6 =	vpsel p0, v8, v6  }
0xe8: {  	vm0 =	vlt.s32 v6, v7  }
0xe9: {  	v6 =	vnsel vm0, $0x8000, v10;
	_ =	sdelay $0x4  }
0xea: {  	v8 =	vld.idx.msk [tilespmem:v6+s2+$0x0], $0xffff;
	_ =	sdelay $0x4  }
0xeb: {  	v5 =	vsub.f32 v8, v5;
	_ =	sdelay $0x1  }
0xec: {  	v5 =	vmax.f32 v5, $0.0e+00  }
0xed: {  	[tilespmem:v6+s17+$0x0] =	vst.idx.msk $0xffff, v5  }
.LBB2_25:
0xee: {  	[hbm4b:s5+s12] =	stream.strided.scatter [tilespmem:s17], [sflag:$0x3], $0x8000, s13, s12, $0x38;
	[tilespmem:$0x1FE80] =	vst v63  }
0xef: {  	s21 =	simm.s32 $0x0  }
0xf0: {  	[tilespmem:s21], [sflag:$0x1] =	stream.strided.gather [hbm4b:s6+s12], $0x8000, s13, s12, $0x38;
	[tilespmem:$0x1FE80] =	vst v63  }
0xf1: {  	_ =	swait.ge [sflag:s18], $0x8000  }
0xf2: {  	[sflag:s18] =	ssyncset.done $0x0  }
0xf3: {  	s31 =	simm.s32 $0x0;
	[sflag:s18] =	ssyncadd.s32 $0xFFFF8000  }
0xf4: {  	v10 =	vld [tilespmem:s31+$0x80A0]  }
0xf5: {  	v8 =	vld [tilespmem:s31+$0x8080]  }
0xf6: {  	v12 =	vld [tilespmem:s31+$0x8090]  }
0xf7: {  	v16 =	vld [tilespmem:s31+$0x80B0]  }
0xf8: {  	v6 =	vlaneseq.u32;
	v14 =	vld [tilespmem:s31+$0x80C0]  }
0xf9: {  	v9 =	vimm.f32 $-Inf;
	v5 =	vor.u32 $0x7CF0, v1;
	v15 =	vor.u32 $0x3E80, v6  }
0xfa: {  	v18 =	vadd.f32 $-1.000000000e+00, v9;
	vm0 =	vlt.s32 v15, v5  }
0xfb: {  	v11 =	vadd.s32 $0x30, v6;
	v17 =	vsel vm0, v15, v5  }
0xfc: {  	vm5 =	vgt.f32 v10, v18;
	vm3 =	vgt.f32 v8, v18;
	vm4 =	vgt.f32 v12, v18  }
0xfd: {  	v21 =	vmax.f32 v8, v12;
	vm1 =	vgt.f32 v16, v18;
	vm2 =	vgt.f32 v14, v18  }
0xfe: {  	v10 =	vmax.f32 v10, v16;
	v19 =	vsel vm5, $0x10, v2;
	v20 =	vsel vm3, $0x10, v2  }
0xff: {  	v13 =	vld [tilespmem:s31+$0x80D0];
	v8 =	vsel vm4, $0x10, v2;
	v24 =	vsel vm1, $0x10, v2;
	v30 =	vsel vm2, $0x10, v2  }
0x100: {  	v12 =	vadd.s32 v15, v20;
	v22 =	vadd.s32 v20, v8;
	v23 =	vadd.s32 v8, v19  }
0x101: {  	v19 =	vadd.s32 v19, v24;
	v16 =	vadd.s32 v24, v30;
	vm0 =	vlt.s32 v12, v5  }
0x102: {  	v27 =	vld [tilespmem:s31+$0x80F0];
	v8 =	vadd.s32 v20, v23;
	v25 =	vadd.s32 v15, v22;
	v22 =	vadd.s32 v22, v19  }
0x103: {  	v28 =	vld [tilespmem:s31+$0x80E0];
	v20 =	vsel vm0, v12, v5;
	v26 =	vadd.s32 v15, v8;
	vm6 =	vlt.s32 v25, v5  }
0x104: {  	vm0 =	vgt.f32 v13, v18;
	vm7 =	vlt.s32 v26, v5;
	v31 =	vsel vm6, v25, v5  }
0x105: {  	v8 =	vmax.f32 v14, v13;
	v14 =	vadd.s32 v23, v12;
	v13 =	vsel vm7, v26, v5  }
0x106: {  	v15 =	vadd.s32 v15, v22;
	v19 =	vadd.s32 v19, v25;
	v29 =	vsel vm0, $0x10, v2  }
0x107: {  	[tilespmem:v17+s16+$0x0] =	vst.idx.msk vm3, v6;
	v17 =	vadd.s32 $0x10, v6;
	v12 =	vadd.s32 v30, v29;
	vm3 =	vgt.f32 v27, v18  }
0x108: {  	v23 =	vadd.s32 $0x20, v6;
	[tilespmem:v20+s16+$0x0] =	vst.idx.msk vm4, v17;
	v17 =	vmax.f32 v21, v10;
	vm4 =	vgt.f32 v28, v18  }
0x109: {  	s21 =	simm.s32 $0x200;
	v18 =	vadd.s32 v29, v26;
	v20 =	vmax.f32 v28, v27;
	v10 =	vlaneseq.u32;
	[tilespmem:v31+s16+$0x0] =	vst.idx.msk vm5, v23  }
.LBB2_26:
0x10a: {  	p0 =	sne.s32 s21, $0x1FE00;
	[tilespmem:v13+s16+$0x0] =	vst.idx.msk vm1, v11;
	vm1 =	vlt.s32 v15, v5;
	v8 =	vmax.f32 v8, v20;
	v6 =	vadd.s32 $0x80, v6;
	s23 =	smov.u32 s21;
	s21 =	sadd.s32 $0x200, s21  }
0x10b: {  	v11 =	vsel vm4, $0x10, v2;
	v13 =	vadd.s32 v16, v14;
	v14 =	vadd.s32 v16, v18  }
0x10c: {  	v18 =	vadd.s32 v12, v19;
	v16 =	vsel vm1, v15, v5;
	v14 =	vadd.s32 v11, v14  }
0x10d: {  	vm1 =	vlt.s32 v13, v5;
	vm5 =	vlt.s32 v18, v5;
	vm6 =	vlt.s32 v14, v5  }
0x10e: {  	v8 =	vmax.f32 v17, v8;
	v13 =	vsel vm1, v13, v5;
	v18 =	vsel vm5, v18, v5  }
0x10f: {  	v9 =	vmax.f32 v9, v8;
	v8 =	vadd.s32 v11, v15;
	v14 =	vsel vm6, v14, v5  }
0x110: {  	v11 =	vsel vm3, $0x10, v2;
	v15 =	vadd.s32 $0x40, v10;
	v8 =	vadd.s32 v12, v8  }
0x111: {  	v12 =	vadd.s32 $0x50, v10;
	[tilespmem:v16+s16+$0x0] =	vst.idx.msk vm2, v15;
	v15 =	vadd.s32 v11, v8  }
0x112: {  	v8 =	vadd.s32 $0x60, v10;
	vm1 =	vlt.s32 v15, v5  }
0x113: {  	v11 =	vadd.s32 $0x70, v10;
	v10 =	vmov v6;
	v16 =	vsel vm1, v15, v5;
	[tilespmem:v13+s16+$0x0] =	vst.idx.msk vm0, v12  }
0x114: {  	[tilespmem:v18+s16+$0x0] =	vst.idx.msk vm4, v8  }
0x115: {  	s23 =	sshra.s32 s23, $0x2;
	[tilespmem:v14+s16+$0x0] =	vst.idx.msk vm3, v11  }
0x116: {  	v12 =	vld [tilespmem:s23+$0x80A0]  }
0x117: {  	v8 =	vld [tilespmem:s23+$0x8080]  }
0x118: {  	v13 =	vld [tilespmem:s23+$0x8090]  }
0x119: {  	v18 =	vadd.f32 $-1.000000000e+00, v9;
	v17 =	vld [tilespmem:s23+$0x80B0];
	_ =	sdelay $0x1  }
0x11a: {  	vm5 =	vgt.f32 v12, v18  }
0x11b: {  	v11 =	vadd.s32 $0x30, v6;
	v14 =	vld [tilespmem:s23+$0x80D0];
	vm4 =	vgt.f32 v8, v18;
	v19 =	vsel vm5, $0x10, v2  }
0x11c: {  	v20 =	vld [tilespmem:s23+$0x80C0];
	vm3 =	vgt.f32 v13, v18;
	v21 =	vsel vm4, $0x10, v2;
	v22 =	vmax.f32 v8, v13  }
0x11d: {  	vm1 =	vgt.f32 v17, v18;
	v8 =	vsel vm3, $0x10, v2;
	v23 =	vadd.s32 v15, v21  }
0x11e: {  	v24 =	vadd.s32 v21, v8;
	v25 =	vadd.s32 v8, v19;
	vm0 =	vlt.s32 v23, v5  }
0x11f: {  	v26 =	vsel vm1, $0x10, v2;
	v8 =	vadd.s32 v21, v25;
	v21 =	vsel vm0, v23, v5  }
0x120: {  	v28 =	vadd.s32 v15, v24;
	v27 =	vld [tilespmem:s23+$0x80F0];
	vm0 =	vgt.f32 v14, v18;
	v29 =	vadd.s32 v15, v8  }
0x121: {  	vm6 =	vlt.s32 v28, v5;
	v30 =	vld [tilespmem:s23+$0x80E0];
	vm7 =	vlt.s32 v29, v5;
	v8 =	vmax.f32 v20, v14  }
0x122: {  	vm2 =	vgt.f32 v20, v18;
	v20 =	vsel vm0, $0x10, v2;
	v13 =	vsel vm7, v29, v5  }
0x123: {  	v32 =	vsel vm6, v28, v5;
	v14 =	vadd.s32 v25, v23;
	v31 =	vsel vm2, $0x10, v2  }
.Ltmp19:
0x124: {  	v17 =	vmax.f32 v12, v17;
	v19 =	vadd.s32 v19, v26;
	[tilespmem:v16+s16+$0x0] =	vst.idx.msk vm4, v6;
	v16 =	vadd.s32 $0x10, v6;
	(pc) =	sbr.rel @p0 .LBB2_26-.Ltmp19, $4  }
0x125: {  	v23 =	vadd.s32 v24, v19;
	v12 =	vadd.s32 v31, v20;
	[tilespmem:v21+s16+$0x0] =	vst.idx.msk vm3, v16;
	v21 =	vadd.s32 $0x20, v6  }
0x126: {  	v17 =	vmax.f32 v22, v17;
	vm3 =	vgt.f32 v27, v18;
	v16 =	vadd.s32 v26, v31  }
0x127: {  	vm4 =	vgt.f32 v30, v18;
	v18 =	vadd.s32 v20, v29;
	v20 =	vmax.f32 v30, v27  }
0x128: {  	v19 =	vadd.s32 v19, v28;
	v15 =	vadd.s32 v15, v23;
	[tilespmem:v32+s16+$0x0] =	vst.idx.msk vm5, v21  }
0x129: {  	v21 =	vsel vm4, $0x10, v2  }
0x12a: {  	v6 =	vadd.s32 v21, v15  }
0x12b: {  	v22 =	vsel vm3, $0x10, v2;
	v6 =	vadd.s32 v12, v6  }
0x12c: {  	v22 =	vadd.s32 v22, v6;
	v6 =	vadd.s32 $0xFFFFC180, v4  }
0x12d: {  	v8 =	vmax.f32 v8, v20;
	v58 =	vadd.s32 v6, v22  }
0x12e: {  	v17 =	vmax.f32 v17, v8;
	v8 =	vshrl.u32 v58, $0x4  }
0x12f: {  	v9 =	vmax.f32 v9, v17;
	v59 =	vmin.u32 v8, $0x3E8  }
0x130: {  	(xrf0) =	vmax.scan.msk.f32 $0xffff, v9;
	v9 =	vor.u32 $0x80000000, v59  }
0x131: {  	(xrf0) =	vmax.scan.msk.u32 $0xffff, v9;
	_ =	sdelay $0x4  }
0x132: {  	v9, _, _ =	vpop (xrf0)  }
0x133: {  	v60, _, _ =	vpop (xrf0)  }
0x134: {  	(v2sf) =	vpush v60, $0xF;
	_ =	sdelay $0x7  }
0x135: {  	v14 =	vadd.s32 v16, v14;
	v61 =	vadd.s32 v16, v18;
	vm5 =	vlt.s32 v15, v5  }
0x136: {  	v62 =	vadd.s32 v12, v19;
	v15 =	vsel vm5, v15, v5;
	vm14 =	vlt.s32 v14, v5  }
0x137: {  	v16 =	vadd.s32 v21, v61;
	vm6 =	vlt.s32 v62, v5;
	v14 =	vsel vm14, v14, v5  }
0x138: {  	vm15 =	vlt.s32 v16, v5;
	v12 =	vsel vm6, v62, v5  }
0x139: {  	v16 =	vsel vm15, v16, v5  }
.Ltmp20:
0x13a: {  	[tilespmem:v13+s16+$0x0] =	vst.idx.msk vm1, v11;
	v11 =	vadd.s32 $0x40, v10;
	(pc) =	sbr.rel .LBB2_28-.Ltmp20, $4  }
0x13b: {  	[tilespmem:v15+s16+$0x0] =	vst.idx.msk vm2, v11;
	v11 =	vadd.s32 $0x50, v10  }
0x13c: {  	v63 =	vadd.s32 $0x60, v10;
	[tilespmem:v14+s16+$0x0] =	vst.idx.msk vm0, v11;
	s21 =	spop (v2sf)  }
0x13d: {  	v10 =	vadd.s32 $0x70, v10;
	[tilespmem:v12+s16+$0x0] =	vst.idx.msk vm4, v63;
	s21 =	sxor.u32 $0x80000000, s21  }
0x13e: {  	s25 =	simm.f32 $-1.000000000e+00;
	s24 =	simm.s32 $0x0;
	[tilespmem:v16+s16+$0x0] =	vst.idx.msk vm3, v10;
	v10 =	vbroadcast v9, $0xF;
	p0 =	slt.s32 s21, $0x1  }
.LBB2_29:
0x13f: {  	v11 =	vimm.f32 $0.0e+00;
	v12 =	vimm.f32 $0.0e+00  }
.LBB2_39:
0x140: {  	(xrf2) =	vadd.scan.msk.f32 $0xffff, v11  }
0x141: {  	(xrf2) =	vadd.scan.msk.f32 $0xffff, v12;
	_ =	sdelay $0x8  }
0x142: {  	v11, _, _ =	vpop (xrf2)  }
0x143: {  	v12, _, _ =	vpop (xrf2)  }
0x144: {  	v12 =	vbroadcast v12, $0xF;
	_ =	sdelay $0x1  }
0x145: {  	(erf) = vrcp.f32 v12;
	_ =	sdelay $0x7  }
0x146: {  	(v2sf) =	vpush v11, $0xF  }
0x147: {  	v11 =	vpop (erf)  }
0x148: {  	(v2sf) =	vpush v11, $0x0;
	_ =	sdelay $0xc  }
0x149: {  	s25 =	spop (v2sf)  }
0x14a: {  	s25 =	sadd.f32 $-1.000000000e+00, s25  }
0x14b: {  	s26 =	spop (v2sf)  }
0x14c: {  	s25 =	smul.f32 s26, s25;
	_ =	sdelay $0x1  }
0x14d: {  	p1 =	sgt.f32 s25, s23;
	_ =	sdelay $0x1  }
0x14e: {  	p2 =	slt.u32 @p1 s24, $0x3F  }
0x14f: {  	p1 =	por !p1, !p2  }
.Ltmp21:
0x150: {  	_ = 	snop;
	(pc) =	sbr.rel @p1 .LBB2_40-.Ltmp21, $2  }
0x151: {  	_ =	sdelay $0x2  }
0x152: {  	s24 =	sadd.s32 $0x1, s24  }
.LBB2_28:
.Ltmp22:
0x153: {  	(pc) =	sbr.rel @p0 .LBB2_29-.Ltmp22, $2  }
0x154: {  	_ =	sdelay $0x2  }
0x155: {  	s23 =	smov.u32 s25  }
0x156: {  	v15 =	vor.u32 $0x3E80, v1;
	p3 =	sne.s32 s21, $0x1  }
.Ltmp23:
0x157: {  	_ = 	snop;
	(pc) =	sbr.rel @!p3 .LBB2_31-.Ltmp23, $3  }
0x158: {  	_ =	sdelay $0x1  }
0x159: {  	v11 =	vmov s23;
	v14 =	vimm.s32 $0x0  }
0x15a: {  	v12 =	vimm.f32 $0.0e+00;
	s25 =	sadd.s32 $0xFFFFFFFF, s21;
	p1 =	por $0x0, $0x0;
	p2 =	por $0x0, $0x0;
	vm0 =	vlt.s32 v14, v8;
	v13 =	vld.idx.msk [tilespmem:v15+s16+$0x0], $0xffff;
	v15 =	vadd.s32 $0x10, v15  }
0x15b: {  	_ =	sdelay $0x3  }
0x15c: {  	p3 =	sne.s32 s25, $0x1;
	v17 =	vnsel vm0, $0x8000, v13  }
.Ltmp24:
0x15d: {  	_ = 	snop;
	(pc) =	sbr.rel @!p3 .LBB2_33-.Ltmp24, $3  }
0x15e: {  	_ =	sdelay $0x1  }
0x15f: {  	v16 =	vadd.s32 $0x1, v14;
	v13 =	vld.idx.msk [tilespmem:v15+s16+$0x0], $0xffff  }
0x160: {  	s25 =	sadd.s32 $0xFFFFFFFF, s25;
	v14 =	vadd.s32 $0x10, v15;
	p1 =	por $0x1, $0x1;
	vm0 =	vlt.s32 v16, v8;
	v20 =	vld.idx.msk [tilespmem:v17+s14+$0x0], $0xffff  }
0x161: {  	_ =	sdelay $0x2  }
0x162: {  	p3 =	sne.s32 s25, $0x1;
	v15 =	vnsel vm0, $0x8000, v13  }
.Ltmp25:
0x163: {  	v19 =	vadd.s32 $0x10, v14;
	v13 =	vld.idx.msk [tilespmem:v14+s16+$0x0], $0xffff;
	(pc) =	sbr.rel @!p3 .LBB2_35-.Ltmp25, $4  }
0x164: {  	_ = 	snop  }
0x165: {  	v17 =	vadd.s32 $0x1, v16  }
0x166: {  	vm0 =	vlt.s32 v17, v8  }
0x167: {  	s25 =	sadd.s32 $0xFFFFFFFF, s25;
	p2 =	por $0x1, $0x1;
	v14 =	vimm.f32 $0.0e+00;
	v16 =	vsub.f32 v20, v10;
	v18 =	vld.idx.msk [tilespmem:v15+s14+$0x0], $0xffff;
	v15 =	vimm.f32 $0.0e+00  }
.LBB2_36:
0x168: {  	p3 =	sne.s32 s25, $0x1;
	s25 =	sadd.s32 $0xFFFFFFFF, s25;
	v20 =	vnsel vm0, $0x8000, v13;
	v13 =	vld.idx.msk [tilespmem:v19+s16+$0x0], $0xffff  }
.Ltmp26:
0x169: {  	v19 =	vadd.s32 $0x10, v19;
	vm0 =	vgt.f32 v16, v11;
	(pc) =	sbr.rel @p3 .LBB2_36-.Ltmp26, $4  }
0x16a: {  	v16 =	vnsel vm0, $0x0, v16;
	v21 =	vsel vm0, $0x3F800000, v0  }
0x16b: {  	v14 =	vadd.f32 v16, v14;
	v15 =	vadd.f32 v21, v15  }
0x16c: {  	v17 =	vadd.s32 $0x1, v17  }
0x16d: {  	vm0 =	vlt.s32 v17, v8;
	v16 =	vsub.f32 v18, v10;
	v18 =	vld.idx.msk [tilespmem:v20+s14+$0x0], $0xffff  }
0x16e: {  	_ =	sdelay $0x3  }
0x16f: {  	v20 =	vmov v18  }
.LBB2_38:
0x170: {  	v13 =	vnsel vm0, $0x8000, v13;
	_ =	sdelay $0x4  }
0x171: {  	v13 =	vld.idx.msk [tilespmem:v13+s14+$0x0], $0xffff  }
0x172: {  	vm0 =	vgt.f32 @p2 v16, v11;
	v17 =	vsub.f32 @p1 v20, v10  }
0x173: {  	v16 =	vnsel @p2 vm0, $0x0, v16  }
0x174: {  	v18 =	vsel @p2 vm0, $0x3F800000, v0;
	v14 =	vadd.f32 @p2 v16, v14;
	v16 =	vpsel p1, v17, v0  }
0x175: {  	v15 =	vadd.f32 @p2 v18, v15;
	vm0 =	vgt.f32 @p1 v16, v11  }
0x176: {  	v14 =	vpsel p2, v14, v12;
	v16 =	vnsel @p1 vm0, $0x0, v16;
	v13 =	vsub.f32 v13, v10  }
.Ltmp27:
0x177: {  	v15 =	vpsel p2, v15, v12;
	v17 =	vsel @p1 vm0, $0x3F800000, v0;
	v14 =	vadd.f32 @p1 v16, v14;
	(pc) =	sbr.rel .LBB2_39-.Ltmp27, $4  }
0x178: {  	v15 =	vadd.f32 @p1 v17, v15;
	vm15 =	vgt.f32 v13, v11  }
0x179: {  	v14 =	vpsel p1, v14, v12;
	v11 =	vnsel vm15, $0x0, v13  }
0x17a: {  	v12 =	vpsel p1, v15, v12;
	v13 =	vsel vm15, $0x3F800000, v0;
	v11 =	vadd.f32 v11, v14  }
0x17b: {  	v12 =	vadd.f32 v13, v12  }
.LBB2_31:
.Ltmp28:
0x17c: {  	(pc) =	sbr.rel .LBB2_38-.Ltmp28, $2  }
0x17d: {  	_ =	sdelay $0x2  }
0x17e: {  	v14 =	vimm.f32 $0.0e+00;
	v15 =	vimm.f32 $0.0e+00  }
.LBB2_33:
.Ltmp29:
0x17f: {  	(pc) =	sbr.rel .LBB2_38-.Ltmp29, $2  }
0x180: {  	_ =	sdelay $0x2  }
0x181: {  	v14 =	vimm.f32 $0.0e+00;
	v15 =	vimm.f32 $0.0e+00  }
.LBB2_35:
.Ltmp30:
0x182: {  	_ = 	snop;
	(pc) =	sbr.rel .LBB2_38-.Ltmp30, $2  }
0x183: {  	_ =	sdelay $0x2  }
0x184: {  	v14 =	vimm.f32 $0.0e+00;
	v15 =	vimm.f32 $0.0e+00;
	v20 =	vmov v18  }
.LBB2_40:
0x185: {  	(v2sf) =	vpush v9, $0xF;
	_ =	sdelay $0xc  }
0x186: {  	p1 =	sgt.s32 s22, $0x0  }
.Ltmp31:
0x187: {  	_ = 	snop;
	(pc) =	sbr.rel @!p1 .LBB2_43-.Ltmp31, $4  }
0x188: {  	s24 =	spop (v2sf)  }
0x189: {  	_ =	swait.ge [sflag:s19], $0x8000  }
0x18a: {  	[sflag:s19] =	ssyncset.done $0x0  }
0x18b: {  	[sflag:s19] =	ssyncadd.s32 $0xFFFF8000  }
0x18c: {  	v11 =	vlaneseq.u32;
	p2 =	seq.s32 s22, $0x1  }
.Ltmp32:
0x18d: {  	_ = 	snop;
	(pc) =	sbr.rel @p2 .LBB2_42-.Ltmp32, $2  }
0x18e: {  	_ =	sdelay $0x2  }
0x18f: {  	v9 =	vimm.s32 $0x0;
	s22 =	sadd.s32 $0xFFFFFFFF, s22;
	p1 =	por $0x0, $0x0;
	v10 =	vld.idx.msk [tilespmem:v11+s16+$0x0], $0xffff  }
0x190: {  	_ =	sdelay $0x2  }
0x191: {  	vm0 =	vlt.s32 v9, v7  }
0x192: {  	v10 =	vnsel vm0, $0x8000, v10  }
0x193: {  	v11 =	vadd.s32 $0x10, v11;
	p2 =	seq.s32 s22, $0x1  }
.Ltmp33:
0x194: {  	_ = 	snop;
	(pc) =	sbr.rel @p2 .LBB2_47-.Ltmp33, $3  }
0x195: {  	_ =	sdelay $0x1  }
0x196: {  	[tilespmem:v10+s17+$0x0] =	vst.idx.msk $0xffff, v0  }
0x197: {  	s22 =	sadd.s32 $0xFFFFFFFF, s22;
	p1 =	por $0x1, $0x1;
	v12 =	vimm.s32 $0x0;
	v10 =	vld.idx.msk [tilespmem:v11+s16+$0x0], $0xffff  }
.LBB2_48:
0x198: {  	p2 =	seq.s32 s22, $0x1;
	_ =	sdelay $0x2  }
0x199: {  	v12 =	vadd.s32 $0x1, v12  }
0x19a: {  	vm0 =	vlt.s32 v12, v7  }
0x19b: {  	v10 =	vnsel vm0, $0x8000, v10  }
0x19c: {  	v11 =	vadd.s32 $0x10, v11  }
.Ltmp34:
0x19d: {  	(pc) =	sbr.rel @!p2 .LBB2_48-.Ltmp34, $3  }
0x19e: {  	_ =	sdelay $0x1  }
0x19f: {  	[tilespmem:v10+s17+$0x0] =	vst.idx.msk $0xffff, v0  }
0x1a0: {  	s22 =	sadd.s32 $0xFFFFFFFF, s22;
	v10 =	vld.idx.msk [tilespmem:v11+s16+$0x0], $0xffff  }
.LBB2_49:
0x1a1: {  	_ = 	snop  }
0x1a2: {  	v11 =	vadd.s32 @p1 $0x1, v12  }
0x1a3: {  	v9 =	vpsel p1, v11, v9  }
0x1a4: {  	vm0 =	vlt.s32 v9, v7  }
0x1a5: {  	v7 =	vnsel vm0, $0x8000, v10;
	_ =	sdelay $0x4  }
0x1a6: {  	[tilespmem:v7+s17+$0x0] =	vst.idx.msk $0xffff, v0  }
.LBB2_43:
.Ltmp35:
0x1a7: {  	(pc) =	sbr.rel @p0 .LBB2_54-.Ltmp35, $2  }
0x1a8: {  	_ =	sdelay $0x2  }
0x1a9: {  	v9 =	vor.u32 $0x3E80, v1  }
0x1aa: {  	v11 =	vor.u32 $0x3E80, v1;
	p1 =	sne.s32 s21, $0x1  }
.Ltmp36:
0x1ab: {  	_ = 	snop;
	(pc) =	sbr.rel @!p1 .LBB2_45-.Ltmp36, $3  }
0x1ac: {  	s22 =	smax.f32 s23, s25  }
0x1ad: {  	s22 =	sadd.f32 s22, s24;
	_ =	sdelay $0x1  }
0x1ae: {  	v10 =	vimm.s32 $0x0;
	p0 =	por $0x0, $0x0;
	v7 =	vmov s22;
	s22 =	sadd.s32 $0xFFFFFFFF, s21;
	v13 =	vld.idx.msk [tilespmem:v11+s16+$0x0], $0xffff  }
0x1af: {  	_ =	sdelay $0x2  }
0x1b0: {  	vm0 =	vlt.s32 v10, v8  }
0x1b1: {  	v12 =	vnsel vm0, $0x8000, v13;
	_ =	sdelay $0x4  }
0x1b2: {  	v13 =	vld.idx.msk [tilespmem:v12+s14+$0x0], $0xffff;
	_ =	sdelay $0x3  }
0x1b3: {  	v11 =	vadd.s32 $0x10, v11;
	p1 =	sne.s32 s22, $0x1  }
.Ltmp37:
0x1b4: {  	v13 =	vsub.f32 v13, v7;
	(pc) =	sbr.rel @!p1 .LBB2_51-.Ltmp37, $4  }
0x1b5: {  	_ = 	snop  }
0x1b6: {  	v13 =	vmax.f32 v13, $0.0e+00  }
0x1b7: {  	[tilespmem:v12+s17+$0x0] =	vst.idx.msk $0xffff, v13  }
0x1b8: {  	s22 =	sadd.s32 $0xFFFFFFFF, s22;
	p0 =	por $0x1, $0x1;
	v12 =	vimm.s32 $0x0;
	v13 =	vld.idx.msk [tilespmem:v11+s16+$0x0], $0xffff  }
.LBB2_52:
0x1b9: {  	p1 =	sne.s32 s22, $0x1;
	_ =	sdelay $0x2  }
0x1ba: {  	v12 =	vadd.s32 $0x1, v12  }
0x1bb: {  	vm0 =	vlt.s32 v12, v8  }
0x1bc: {  	v13 =	vnsel vm0, $0x8000, v13;
	_ =	sdelay $0x4  }
0x1bd: {  	v14 =	vld.idx.msk [tilespmem:v13+s14+$0x0], $0xffff;
	_ =	sdelay $0x4  }
0x1be: {  	v11 =	vadd.s32 $0x10, v11  }
.Ltmp38:
0x1bf: {  	v14 =	vsub.f32 v14, v7;
	(pc) =	sbr.rel @p1 .LBB2_52-.Ltmp38, $4  }
0x1c0: {  	_ = 	snop  }
0x1c1: {  	v14 =	vmax.f32 v14, $0.0e+00  }
0x1c2: {  	[tilespmem:v13+s17+$0x0] =	vst.idx.msk $0xffff, v14  }
0x1c3: {  	s22 =	sadd.s32 $0xFFFFFFFF, s22;
	v13 =	vld.idx.msk [tilespmem:v11+s16+$0x0], $0xffff  }
.LBB2_53:
0x1c4: {  	_ = 	snop  }
0x1c5: {  	v11 =	vadd.s32 @p0 $0x1, v12  }
0x1c6: {  	v10 =	vpsel p0, v11, v10  }
0x1c7: {  	vm0 =	vlt.s32 v10, v8  }
0x1c8: {  	v10 =	vnsel vm0, $0x8000, v13;
	_ =	sdelay $0x4  }
0x1c9: {  	v11 =	vld.idx.msk [tilespmem:v10+s14+$0x0], $0xffff;
	_ =	sdelay $0x4  }
0x1ca: {  	v7 =	vsub.f32 v11, v7;
	_ =	sdelay $0x1  }
0x1cb: {  	v7 =	vmax.f32 v7, $0.0e+00  }
0x1cc: {  	[tilespmem:v10+s17+$0x0] =	vst.idx.msk $0xffff, v7  }
.LBB2_54:
0x1cd: {  	[hbm4b:s7+s12] =	stream.strided.scatter [tilespmem:s17], [sflag:$0x3], $0x8000, s13, s12, $0x38;
	[tilespmem:$0x1FE80] =	vst v63  }
0x1ce: {  	_ = 	snop  }
0x1cf: {  	[tilespmem:s14], [sflag:$0x2] =	stream.strided.gather [hbm4b:s8+s12], $0x8000, s13, s12, $0x38;
	[tilespmem:$0x1FE80] =	vst v63  }
0x1d0: {  	_ =	swait.ge [sflag:s15], $0x8000  }
0x1d1: {  	[sflag:s15] =	ssyncset.done $0x0  }
0x1d2: {  	s22 =	simm.s32 $0x0;
	[sflag:s15] =	ssyncadd.s32 $0xFFFF8000  }
0x1d3: {  	v13 =	vld [tilespmem:s22+$0x20]  }
0x1d4: {  	v14 =	vld [tilespmem:s22+$0x0]  }
0x1d5: {  	v15 =	vld [tilespmem:s22+$0x10]  }
0x1d6: {  	v16 =	vld [tilespmem:s22+$0x30]  }
0x1d7: {  	v17 =	vld [tilespmem:s22+$0x50]  }
0x1d8: {  	v11 =	vimm.f32 $-Inf;
	v18 =	vld [tilespmem:s22+$0x40]  }
0x1d9: {  	v10 =	vlaneseq.u32;
	v12 =	vadd.f32 $-1.000000000e+00, v11  }
0x1da: {  	v7 =	vadd.s32 $0x80, v10;
	vm0 =	vlt.s32 v10, v3  }
0x1db: {  	v21 =	vsel vm0, v10, v3;
	vm4 =	vgt.f32 v13, v12;
	vm3 =	vgt.f32 v14, v12  }
0x1dc: {  	vm5 =	vgt.f32 v15, v12;
	v15 =	vmax.f32 v14, v15;
	vm0 =	vgt.f32 v16, v12  }
0x1dd: {  	v13 =	vmax.f32 v13, v16;
	v28 =	vmax.f32 v18, v17;
	vm2 =	vgt.f32 v18, v12  }
0x1de: {  	v19 =	vsel vm4, $0x10, v2;
	v20 =	vsel vm3, $0x10, v2;
	v22 =	vsel vm5, $0x10, v2  }
0x1df: {  	v15 =	vmax.f32 v15, v13;
	v16 =	vsel vm0, $0x10, v2;
	v23 =	vadd.s32 v10, v20  }
0x1e0: {  	v27 =	vld [tilespmem:s22+$0x60];
	v24 =	vadd.s32 v20, v22;
	v22 =	vadd.s32 v22, v19;
	vm1 =	vlt.s32 v23, v3  }
0x1e1: {  	v14 =	vld [tilespmem:s22+$0x70];
	v30 =	vadd.s32 v19, v16;
	v26 =	vadd.s32 v10, v24;
	v25 =	vsel vm1, v23, v3  }
0x1e2: {  	v13 =	vadd.s32 v20, v22;
	vm1 =	vgt.f32 v17, v12;
	vm6 =	vlt.s32 v26, v3  }
0x1e3: {  	v20 =	vsel vm2, $0x10, v2;
	v18 =	vsel vm1, $0x10, v2;
	v29 =	vsel vm6, v26, v3  }
0x1e4: {  	v19 =	vadd.s32 $0x10, v10;
	v17 =	vadd.s32 v10, v13;
	v13 =	vadd.s32 v20, v18;
	[tilespmem:v21+s16+$0x0] =	vst.idx.msk vm3, v10  }
0x1e5: {  	v20 =	vadd.s32 v16, v20;
	v16 =	vadd.s32 v24, v30;
	vm3 =	vgt.f32 v27, v12  }
0x1e6: {  	v63 =	vadd.s32 $0x20, v10;
	[tilespmem:v25+s16+$0x0] =	vst.idx.msk vm5, v19;
	v19 =	vadd.s32 v22, v23;
	v22 =	vmax.f32 v27, v14  }
0x1e7: {  	v16 =	vadd.s32 v10, v16;
	v21 =	vadd.s32 v20, v19;
	v23 =	vmax.f32 v28, v22  }
0x1e8: {  	s22 =	simm.s32 $0x200;
	v19 =	vsel vm3, $0x10, v2;
	[tilespmem:v29+s16+$0x0] =	vst.idx.msk vm4, v63;
	vm4 =	vlt.s32 v16, v3;
	v22 =	vadd.s32 v30, v26  }
.LBB2_55:
0x1e9: {  	p0 =	sne.s32 s22, $0x1FE00;
	vm5 =	vlt.s32 v17, v3;
	vm6 =	vlt.s32 v21, v3;
	v18 =	vadd.s32 v18, v17;
	s23 =	smov.u32 s22;
	s22 =	sadd.s32 $0x200, s22  }
0x1ea: {  	v22 =	vadd.s32 v13, v22;
	v15 =	vmax.f32 v15, v23;
	v17 =	vsel vm5, v17, v3  }
0x1eb: {  	v23 =	vsel vm4, v16, v3;
	v18 =	vadd.s32 v20, v18;
	v11 =	vmax.f32 v11, v15  }
0x1ec: {  	v15 =	vsel vm6, v21, v3;
	vm4 =	vlt.s32 v22, v3;
	v18 =	vadd.s32 v19, v18  }
0x1ed: {  	vm5 =	vgt.f32 v14, v12;
	v12 =	vsel vm4, v22, v3;
	vm4 =	vlt.s32 v18, v3  }
0x1ee: {  	v14 =	vadd.s32 $0x30, v10;
	v18 =	vsel vm4, v18, v3  }
0x1ef: {  	[tilespmem:v17+s16+$0x0] =	vst.idx.msk vm0, v14;
	v14 =	vadd.s32 $0x40, v10  }
0x1f0: {  	[tilespmem:v23+s16+$0x0] =	vst.idx.msk vm2, v14;
	v14 =	vadd.s32 $0x50, v10  }
0x1f1: {  	[tilespmem:v15+s16+$0x0] =	vst.idx.msk vm1, v14;
	v14 =	vadd.s32 $0x60, v10;
	v15 =	vadd.s32 v19, v16  }
0x1f2: {  	v16 =	vsel vm5, $0x10, v2;
	[tilespmem:v12+s16+$0x0] =	vst.idx.msk vm3, v14;
	v12 =	vadd.s32 $0x70, v10;
	v13 =	vadd.s32 v13, v15;
	v10 =	vmovc v7  }
0x1f3: {  	s23 =	sshra.s32 s23, $0x2;
	[tilespmem:v18+s16+$0x0] =	vst.idx.msk vm5, v12;
	v16 =	vadd.s32 v16, v13  }
0x1f4: {  	v13 =	vld [tilespmem:s23+$0x20]  }
0x1f5: {  	v14 =	vld [tilespmem:s23+$0x0]  }
0x1f6: {  	v15 =	vld [tilespmem:s23+$0x10]  }
0x1f7: {  	v12 =	vadd.f32 $-1.000000000e+00, v11;
	v17 =	vld [tilespmem:s23+$0x30];
	_ =	sdelay $0x1  }
0x1f8: {  	v7 =	vadd.s32 $0x80, v7;
	vm4 =	vgt.f32 v13, v12  }
0x1f9: {  	vm0 =	vlt.s32 v16, v3;
	v18 =	vld [tilespmem:s23+$0x50];
	vm3 =	vgt.f32 v14, v12;
	v19 =	vsel vm4, $0x10, v2  }
0x1fa: {  	v22 =	vsel vm0, v16, v3;
	v20 =	vld [tilespmem:s23+$0x40];
	vm5 =	vgt.f32 v15, v12;
	v21 =	vsel vm3, $0x10, v2  }
0x1fb: {  	v15 =	vmax.f32 v14, v15;
	v23 =	vsel vm5, $0x10, v2;
	v24 =	vadd.s32 v16, v21  }
0x1fc: {  	vm0 =	vgt.f32 v17, v12;
	v25 =	vadd.s32 v21, v23;
	vm1 =	vlt.s32 v24, v3  }
0x1fd: {  	v13 =	vmax.f32 v13, v17;
	v23 =	vadd.s32 v23, v19;
	v26 =	vsel vm1, v24, v3  }
0x1fe: {  	v15 =	vmax.f32 v15, v13;
	v27 =	vadd.s32 v16, v25;
	v14 =	vld [tilespmem:s23+$0x70];
	vm1 =	vgt.f32 v18, v12  }
0x1ff: {  	v13 =	vadd.s32 v21, v23;
	vm6 =	vlt.s32 v27, v3;
	v28 =	vld [tilespmem:s23+$0x60];
	v29 =	vmax.f32 v20, v18  }
0x200: {  	v17 =	vadd.s32 v16, v13;
	vm2 =	vgt.f32 v20, v12;
	v18 =	vsel vm1, $0x10, v2  }
0x201: {  	v20 =	vsel vm0, $0x10, v2;
	v30 =	vsel vm6, v27, v3;
	v21 =	vsel vm2, $0x10, v2  }
.Ltmp39:
0x202: {  	v31 =	vadd.s32 v19, v20;
	v19 =	vadd.s32 $0x10, v10;
	v13 =	vadd.s32 v21, v18;
	[tilespmem:v22+s16+$0x0] =	vst.idx.msk vm3, v10;
	(pc) =	sbr.rel @p0 .LBB2_55-.Ltmp39, $4  }
0x203: {  	v20 =	vadd.s32 v20, v21;
	v21 =	vadd.s32 v25, v31;
	v22 =	vadd.s32 $0x20, v10;
	[tilespmem:v26+s16+$0x0] =	vst.idx.msk vm5, v19  }
0x204: {  	v16 =	vadd.s32 v16, v21;
	v19 =	vadd.s32 v23, v24;
	v23 =	vmax.f32 v28, v14  }
0x205: {  	vm3 =	vgt.f32 v28, v12;
	v21 =	vadd.s32 v20, v19;
	v23 =	vmax.f32 v29, v23  }
0x206: {  	v19 =	vsel vm3, $0x10, v2;
	[tilespmem:v30+s16+$0x0] =	vst.idx.msk vm4, v22;
	vm4 =	vlt.s32 v16, v3;
	v22 =	vadd.s32 v31, v27  }
0x207: {  	vm5 =	vgt.f32 v14, v12;
	v7 =	vadd.s32 v19, v16  }
0x208: {  	v12 =	vsel vm5, $0x10, v2;
	v7 =	vadd.s32 v13, v7  }
0x209: {  	v7 =	vadd.s32 v12, v7  }
0x20a: {  	v7 =	vadd.s32 v4, v7  }
0x20b: {  	v52 =	vmax.f32 v15, v23;
	v7 =	vshrl.u32 v7, $0x4  }
0x20c: {  	v11 =	vmax.f32 v11, v52;
	v53 =	vmin.u32 v7, $0x3E8  }
0x20d: {  	(xrf0) =	vmax.scan.msk.f32 $0xffff, v11;
	v11 =	vor.u32 $0x80000000, v53  }
0x20e: {  	(xrf0) =	vmax.scan.msk.u32 $0xffff, v11;
	_ =	sdelay $0x4  }
0x20f: {  	v11, _, _ =	vpop (xrf0)  }
0x210: {  	v54, _, _ =	vpop (xrf0)  }
0x211: {  	(v2sf) =	vpush v54, $0xF;
	_ =	sdelay $0x6  }
0x212: {  	vm6 =	vlt.s32 v17, v3  }
0x213: {  	vm13 =	vlt.s32 v21, v3;
	v56 =	vadd.s32 v18, v17;
	v55 =	vsel vm6, v17, v3  }
0x214: {  	v57 =	vadd.s32 v13, v22;
	v58 =	vsel vm4, v16, v3;
	v14 =	vadd.s32 v20, v56  }
0x215: {  	v59 =	vsel vm13, v21, v3;
	vm14 =	vlt.s32 v57, v3;
	v14 =	vadd.s32 v19, v14  }
0x216: {  	v13 =	vsel vm14, v57, v3;
	vm15 =	vlt.s32 v14, v3  }
0x217: {  	v60 =	vadd.s32 $0x30, v10;
	v14 =	vsel vm15, v14, v3  }
.Ltmp40:
0x218: {  	v61 =	vadd.s32 $0x40, v10;
	[tilespmem:v55+s16+$0x0] =	vst.idx.msk vm0, v60;
	(pc) =	sbr.rel .LBB2_57-.Ltmp40, $4  }
0x219: {  	v62 =	vadd.s32 $0x50, v10;
	[tilespmem:v58+s16+$0x0] =	vst.idx.msk vm2, v61  }
0x21a: {  	v63 =	vadd.s32 $0x60, v10;
	[tilespmem:v59+s16+$0x0] =	vst.idx.msk vm1, v62;
	s22 =	spop (v2sf)  }
0x21b: {  	v10 =	vadd.s32 $0x70, v10;
	[tilespmem:v13+s16+$0x0] =	vst.idx.msk vm3, v63;
	s22 =	sxor.u32 $0x80000000, s22  }
0x21c: {  	s25 =	simm.f32 $-1.000000000e+00;
	s24 =	simm.s32 $0x0;
	[tilespmem:v14+s16+$0x0] =	vst.idx.msk vm5, v10;
	v10 =	vbroadcast v11, $0xF;
	p0 =	slt.s32 s22, $0x1  }
.LBB2_58:
0x21d: {  	v12 =	vimm.f32 $0.0e+00;
	v13 =	vimm.f32 $0.0e+00  }
.LBB2_68:
0x21e: {  	(xrf2) =	vadd.scan.msk.f32 $0xffff, v12  }
0x21f: {  	(xrf2) =	vadd.scan.msk.f32 $0xffff, v13;
	_ =	sdelay $0x8  }
0x220: {  	v12, _, _ =	vpop (xrf2)  }
0x221: {  	v13, _, _ =	vpop (xrf2)  }
0x222: {  	v13 =	vbroadcast v13, $0xF;
	_ =	sdelay $0x1  }
0x223: {  	(erf) = vrcp.f32 v13;
	_ =	sdelay $0x7  }
0x224: {  	(v2sf) =	vpush v12, $0xF  }
0x225: {  	v63 =	vpop (erf)  }
0x226: {  	(v2sf) =	vpush v63, $0x0;
	_ =	sdelay $0xc  }
0x227: {  	s25 =	spop (v2sf)  }
0x228: {  	s25 =	sadd.f32 $-1.000000000e+00, s25  }
0x229: {  	s26 =	spop (v2sf)  }
0x22a: {  	s25 =	smul.f32 s26, s25;
	_ =	sdelay $0x1  }
0x22b: {  	p1 =	sgt.f32 s25, s23;
	_ =	sdelay $0x1  }
0x22c: {  	p2 =	slt.u32 @p1 s24, $0x3F  }
0x22d: {  	p1 =	por !p1, !p2  }
.Ltmp41:
0x22e: {  	_ = 	snop;
	(pc) =	sbr.rel @p1 .LBB2_69-.Ltmp41, $2  }
0x22f: {  	_ =	sdelay $0x2  }
0x230: {  	s24 =	sadd.s32 $0x1, s24  }
.LBB2_57:
.Ltmp42:
0x231: {  	(pc) =	sbr.rel @p0 .LBB2_58-.Ltmp42, $2  }
0x232: {  	_ =	sdelay $0x2  }
0x233: {  	s23 =	smov.u32 s25  }
0x234: {  	v16 =	vlaneseq.u32;
	p3 =	sne.s32 s22, $0x1  }
.Ltmp43:
0x235: {  	_ = 	snop;
	(pc) =	sbr.rel @!p3 .LBB2_60-.Ltmp43, $3  }
0x236: {  	_ =	sdelay $0x1  }
0x237: {  	v12 =	vmov s23;
	v15 =	vimm.s32 $0x0  }
0x238: {  	v13 =	vimm.f32 $0.0e+00;
	s25 =	sadd.s32 $0xFFFFFFFF, s22;
	p1 =	por $0x0, $0x0;
	p2 =	por $0x0, $0x0;
	vm0 =	vlt.s32 v15, v7;
	v14 =	vld.idx.msk [tilespmem:v16+s16+$0x0], $0xffff;
	v16 =	vadd.s32 $0x10, v16  }
0x239: {  	_ =	sdelay $0x3  }
0x23a: {  	p3 =	sne.s32 s25, $0x1;
	v18 =	vnsel vm0, $0x8000, v14  }
.Ltmp44:
0x23b: {  	_ = 	snop;
	(pc) =	sbr.rel @!p3 .LBB2_62-.Ltmp44, $3  }
0x23c: {  	_ =	sdelay $0x1  }
0x23d: {  	v17 =	vadd.s32 $0x1, v15;
	v14 =	vld.idx.msk [tilespmem:v16+s16+$0x0], $0xffff  }
0x23e: {  	s25 =	sadd.s32 $0xFFFFFFFF, s25;
	v15 =	vadd.s32 $0x10, v16;
	p1 =	por $0x1, $0x1;
	vm0 =	vlt.s32 v17, v7;
	v21 =	vld.idx.msk [tilespmem:v18+s2+$0x0], $0xffff  }
0x23f: {  	_ =	sdelay $0x2  }
0x240: {  	p3 =	sne.s32 s25, $0x1;
	v16 =	vnsel vm0, $0x8000, v14  }
.Ltmp45:
0x241: {  	v20 =	vadd.s32 $0x10, v15;
	v14 =	vld.idx.msk [tilespmem:v15+s16+$0x0], $0xffff;
	(pc) =	sbr.rel @!p3 .LBB2_64-.Ltmp45, $4  }
0x242: {  	_ = 	snop  }
0x243: {  	v18 =	vadd.s32 $0x1, v17  }
0x244: {  	vm0 =	vlt.s32 v18, v7  }
0x245: {  	s25 =	sadd.s32 $0xFFFFFFFF, s25;
	p2 =	por $0x1, $0x1;
	v15 =	vimm.f32 $0.0e+00;
	v17 =	vsub.f32 v21, v10;
	v19 =	vld.idx.msk [tilespmem:v16+s2+$0x0], $0xffff;
	v16 =	vimm.f32 $0.0e+00  }
.LBB2_65:
0x246: {  	p3 =	sne.s32 s25, $0x1;
	s25 =	sadd.s32 $0xFFFFFFFF, s25;
	v21 =	vnsel vm0, $0x8000, v14;
	v14 =	vld.idx.msk [tilespmem:v20+s16+$0x0], $0xffff  }
.Ltmp46:
0x247: {  	v20 =	vadd.s32 $0x10, v20;
	vm0 =	vgt.f32 v17, v12;
	(pc) =	sbr.rel @p3 .LBB2_65-.Ltmp46, $4  }
0x248: {  	v17 =	vnsel vm0, $0x0, v17;
	v22 =	vsel vm0, $0x3F800000, v0  }
0x249: {  	v15 =	vadd.f32 v17, v15;
	v16 =	vadd.f32 v22, v16  }
0x24a: {  	v18 =	vadd.s32 $0x1, v18  }
0x24b: {  	vm0 =	vlt.s32 v18, v7;
	v17 =	vsub.f32 v19, v10;
	v19 =	vld.idx.msk [tilespmem:v21+s2+$0x0], $0xffff  }
0x24c: {  	_ =	sdelay $0x3  }
0x24d: {  	v21 =	vmov v19  }
.LBB2_67:
0x24e: {  	v14 =	vnsel vm0, $0x8000, v14;
	_ =	sdelay $0x4  }
0x24f: {  	v14 =	vld.idx.msk [tilespmem:v14+s2+$0x0], $0xffff  }
0x250: {  	vm0 =	vgt.f32 @p2 v17, v12;
	v18 =	vsub.f32 @p1 v21, v10  }
0x251: {  	v17 =	vnsel @p2 vm0, $0x0, v17  }
0x252: {  	v19 =	vsel @p2 vm0, $0x3F800000, v0;
	v15 =	vadd.f32 @p2 v17, v15;
	v17 =	vpsel p1, v18, v0  }
0x253: {  	v16 =	vadd.f32 @p2 v19, v16;
	vm0 =	vgt.f32 @p1 v17, v12  }
0x254: {  	v15 =	vpsel p2, v15, v13;
	v17 =	vnsel @p1 vm0, $0x0, v17;
	v14 =	vsub.f32 v14, v10  }
.Ltmp47:
0x255: {  	v16 =	vpsel p2, v16, v13;
	v18 =	vsel @p1 vm0, $0x3F800000, v0;
	v15 =	vadd.f32 @p1 v17, v15;
	(pc) =	sbr.rel .LBB2_68-.Ltmp47, $4  }
0x256: {  	v16 =	vadd.f32 @p1 v18, v16;
	vm15 =	vgt.f32 v14, v12  }
0x257: {  	v15 =	vpsel p1, v15, v13;
	v12 =	vnsel vm15, $0x0, v14  }
0x258: {  	v13 =	vpsel p1, v16, v13;
	v14 =	vsel vm15, $0x3F800000, v0;
	v12 =	vadd.f32 v12, v15  }
0x259: {  	v13 =	vadd.f32 v14, v13  }
.LBB2_60:
.Ltmp48:
0x25a: {  	(pc) =	sbr.rel .LBB2_67-.Ltmp48, $2  }
0x25b: {  	_ =	sdelay $0x2  }
0x25c: {  	v15 =	vimm.f32 $0.0e+00;
	v16 =	vimm.f32 $0.0e+00  }
.LBB2_62:
.Ltmp49:
0x25d: {  	(pc) =	sbr.rel .LBB2_67-.Ltmp49, $2  }
0x25e: {  	_ =	sdelay $0x2  }
0x25f: {  	v15 =	vimm.f32 $0.0e+00;
	v16 =	vimm.f32 $0.0e+00  }
.LBB2_64:
.Ltmp50:
0x260: {  	_ = 	snop;
	(pc) =	sbr.rel .LBB2_67-.Ltmp50, $2  }
0x261: {  	_ =	sdelay $0x2  }
0x262: {  	v15 =	vimm.f32 $0.0e+00;
	v16 =	vimm.f32 $0.0e+00;
	v21 =	vmov v19  }
.LBB2_69:
0x263: {  	(v2sf) =	vpush v11, $0xF;
	_ =	sdelay $0xc  }
0x264: {  	p1 =	sgt.s32 s21, $0x0  }
.Ltmp51:
0x265: {  	_ = 	snop;
	(pc) =	sbr.rel @!p1 .LBB2_70-.Ltmp51, $4  }
0x266: {  	s24 =	spop (v2sf)  }
0x267: {  	_ =	swait.ge [sflag:s19], $0x8000  }
0x268: {  	[sflag:s19] =	ssyncset.done $0x0  }
0x269: {  	v10 =	vimm.s32 $0x0;
	[sflag:s19] =	ssyncadd.s32 $0xFFFF8000  }
0x26a: {  	p2 =	seq.s32 s21, $0x1  }
.Ltmp52:
0x26b: {  	_ = 	snop;
	(pc) =	sbr.rel @p2 .LBB2_74-.Ltmp52, $2  }
0x26c: {  	_ =	sdelay $0x2  }
0x26d: {  	v11 =	vld.idx.msk [tilespmem:v9+s16+$0x0], $0xffff;
	s21 =	sadd.s32 $0xFFFFFFFF, s21;
	p1 =	por $0x0, $0x0  }
0x26e: {  	_ =	sdelay $0x2  }
0x26f: {  	vm0 =	vlt.s32 v10, v8  }
0x270: {  	v11 =	vnsel vm0, $0x8000, v11  }
0x271: {  	v9 =	vadd.s32 $0x10, v9;
	p2 =	seq.s32 s21, $0x1  }
.Ltmp53:
0x272: {  	_ = 	snop;
	(pc) =	sbr.rel @p2 .LBB2_76-.Ltmp53, $3  }
0x273: {  	_ =	sdelay $0x1  }
0x274: {  	[tilespmem:v11+s17+$0x0] =	vst.idx.msk $0xffff, v0  }
0x275: {  	s21 =	sadd.s32 $0xFFFFFFFF, s21;
	p1 =	por $0x1, $0x1;
	v12 =	vimm.s32 $0x0;
	v11 =	vld.idx.msk [tilespmem:v9+s16+$0x0], $0xffff  }
.LBB2_77:
0x276: {  	p2 =	seq.s32 s21, $0x1;
	_ =	sdelay $0x2  }
0x277: {  	v12 =	vadd.s32 $0x1, v12  }
0x278: {  	vm0 =	vlt.s32 v12, v8  }
0x279: {  	v11 =	vnsel vm0, $0x8000, v11  }
0x27a: {  	v9 =	vadd.s32 $0x10, v9  }
.Ltmp54:
0x27b: {  	(pc) =	sbr.rel @!p2 .LBB2_77-.Ltmp54, $3  }
0x27c: {  	_ =	sdelay $0x1  }
0x27d: {  	[tilespmem:v11+s17+$0x0] =	vst.idx.msk $0xffff, v0  }
0x27e: {  	s21 =	sadd.s32 $0xFFFFFFFF, s21;
	v11 =	vld.idx.msk [tilespmem:v9+s16+$0x0], $0xffff  }
.LBB2_78:
0x27f: {  	_ = 	snop  }
0x280: {  	v9 =	vadd.s32 @p1 $0x1, v12  }
0x281: {  	v9 =	vpsel p1, v9, v10  }
0x282: {  	vm0 =	vlt.s32 v9, v8  }
0x283: {  	v8 =	vnsel vm0, $0x8000, v11;
	_ =	sdelay $0x4  }
0x284: {  	[tilespmem:v8+s17+$0x0] =	vst.idx.msk $0xffff, v0  }
.LBB2_70:
.Ltmp55:
0x285: {  	(pc) =	sbr.rel @p0 .LBB2_83-.Ltmp55, $1  }
0x286: {  	_ =	sdelay $0x3  }
0x287: {  	v10 =	vlaneseq.u32;
	p1 =	sne.s32 s22, $0x1  }
.Ltmp56:
0x288: {  	_ = 	snop;
	(pc) =	sbr.rel @!p1 .LBB2_72-.Ltmp56, $3  }
0x289: {  	s21 =	smax.f32 s23, s25  }
0x28a: {  	s21 =	sadd.f32 s21, s24;
	_ =	sdelay $0x1  }
0x28b: {  	v9 =	vimm.s32 $0x0;
	p0 =	por $0x0, $0x0;
	v8 =	vmov s21;
	s21 =	sadd.s32 $0xFFFFFFFF, s22;
	v12 =	vld.idx.msk [tilespmem:v10+s16+$0x0], $0xffff  }
0x28c: {  	_ =	sdelay $0x2  }
0x28d: {  	vm0 =	vlt.s32 v9, v7  }
0x28e: {  	v11 =	vnsel vm0, $0x8000, v12;
	_ =	sdelay $0x4  }
0x28f: {  	v12 =	vld.idx.msk [tilespmem:v11+s2+$0x0], $0xffff;
	_ =	sdelay $0x3  }
0x290: {  	v10 =	vadd.s32 $0x10, v10;
	p1 =	sne.s32 s21, $0x1  }
.Ltmp57:
0x291: {  	v12 =	vsub.f32 v12, v8;
	(pc) =	sbr.rel @!p1 .LBB2_80-.Ltmp57, $4  }
0x292: {  	_ = 	snop  }
0x293: {  	v12 =	vmax.f32 v12, $0.0e+00  }
0x294: {  	[tilespmem:v11+s17+$0x0] =	vst.idx.msk $0xffff, v12  }
0x295: {  	s21 =	sadd.s32 $0xFFFFFFFF, s21;
	p0 =	por $0x1, $0x1;
	v11 =	vimm.s32 $0x0;
	v12 =	vld.idx.msk [tilespmem:v10+s16+$0x0], $0xffff  }
.LBB2_81:
0x296: {  	p1 =	sne.s32 s21, $0x1;
	_ =	sdelay $0x2  }
0x297: {  	v11 =	vadd.s32 $0x1, v11  }
0x298: {  	vm0 =	vlt.s32 v11, v7  }
0x299: {  	v12 =	vnsel vm0, $0x8000, v12;
	_ =	sdelay $0x4  }
0x29a: {  	v13 =	vld.idx.msk [tilespmem:v12+s2+$0x0], $0xffff;
	_ =	sdelay $0x4  }
0x29b: {  	v10 =	vadd.s32 $0x10, v10  }
.Ltmp58:
0x29c: {  	v13 =	vsub.f32 v13, v8;
	(pc) =	sbr.rel @p1 .LBB2_81-.Ltmp58, $4  }
0x29d: {  	_ = 	snop  }
0x29e: {  	v13 =	vmax.f32 v13, $0.0e+00  }
0x29f: {  	[tilespmem:v12+s17+$0x0] =	vst.idx.msk $0xffff, v13  }
0x2a0: {  	s21 =	sadd.s32 $0xFFFFFFFF, s21;
	v12 =	vld.idx.msk [tilespmem:v10+s16+$0x0], $0xffff  }
.LBB2_82:
0x2a1: {  	_ = 	snop  }
0x2a2: {  	v10 =	vadd.s32 @p0 $0x1, v11  }
0x2a3: {  	v9 =	vpsel p0, v10, v9  }
0x2a4: {  	vm0 =	vlt.s32 v9, v7  }
0x2a5: {  	v9 =	vnsel vm0, $0x8000, v12;
	_ =	sdelay $0x4  }
0x2a6: {  	v63 =	vld.idx.msk [tilespmem:v9+s2+$0x0], $0xffff;
	_ =	sdelay $0x4  }
0x2a7: {  	v8 =	vsub.f32 v63, v8;
	_ =	sdelay $0x1  }
0x2a8: {  	v8 =	vmax.f32 v8, $0.0e+00  }
0x2a9: {  	[tilespmem:v9+s17+$0x0] =	vst.idx.msk $0xffff, v8  }
.LBB2_83:
0x2aa: {  	[hbm4b:s9+s12] =	stream.strided.scatter [tilespmem:s17], [sflag:$0x3], $0x8000, s13, s12, $0x38;
	[tilespmem:$0x1FE80] =	vst v63  }
0x2ab: {  	_ =	swait.ge [sflag:s18], $0x8000  }
0x2ac: {  	[sflag:s18] =	ssyncset.done $0x0  }
0x2ad: {  	s21 =	simm.s32 $0x0;
	[sflag:s18] =	ssyncadd.s32 $0xFFFF8000  }
0x2ae: {  	v12 =	vld [tilespmem:s21+$0x80A0]  }
0x2af: {  	v13 =	vld [tilespmem:s21+$0x8080]  }
0x2b0: {  	v14 =	vld [tilespmem:s21+$0x8090]  }
0x2b1: {  	v15 =	vld [tilespmem:s21+$0x80B0]  }
0x2b2: {  	v16 =	vld [tilespmem:s21+$0x80D0]  }
0x2b3: {  	v9 =	vimm.f32 $-Inf;
	v8 =	vlaneseq.u32;
	v17 =	vld [tilespmem:s21+$0x80C0]  }
0x2b4: {  	v11 =	vadd.f32 $-1.000000000e+00, v9;
	v18 =	vor.u32 $0x3E80, v8  }
0x2b5: {  	v10 =	vadd.s32 $0x80, v8;
	vm0 =	vlt.s32 v18, v5  }
0x2b6: {  	v21 =	vsel vm0, v18, v5;
	vm4 =	vgt.f32 v12, v11;
	vm3 =	vgt.f32 v13, v11  }
0x2b7: {  	vm5 =	vgt.f32 v14, v11;
	v14 =	vmax.f32 v13, v14;
	vm0 =	vgt.f32 v15, v11  }
0x2b8: {  	v12 =	vmax.f32 v12, v15;
	v28 =	vmax.f32 v17, v16;
	vm2 =	vgt.f32 v17, v11  }
0x2b9: {  	v19 =	vsel vm4, $0x10, v2;
	v20 =	vsel vm3, $0x10, v2;
	v22 =	vsel vm5, $0x10, v2  }
0x2ba: {  	v27 =	vld [tilespmem:s21+$0x80E0];
	v14 =	vmax.f32 v14, v12;
	v15 =	vsel vm0, $0x10, v2;
	v23 =	vadd.s32 v18, v20  }
0x2bb: {  	v13 =	vld [tilespmem:s21+$0x80F0];
	v24 =	vadd.s32 v20, v22;
	v22 =	vadd.s32 v22, v19;
	v30 =	vadd.s32 v19, v15  }
0x2bc: {  	vm1 =	vlt.s32 v23, v5;
	v26 =	vadd.s32 v18, v24;
	v12 =	vadd.s32 v20, v22  }
0x2bd: {  	v20 =	vsel vm2, $0x10, v2;
	v25 =	vsel vm1, v23, v5;
	vm6 =	vlt.s32 v26, v5  }
0x2be: {  	vm1 =	vgt.f32 v16, v11;
	v16 =	vadd.s32 v18, v12;
	v29 =	vsel vm6, v26, v5  }
0x2bf: {  	v19 =	vadd.s32 v15, v20;
	v15 =	vadd.s32 v24, v30;
	v17 =	vsel vm1, $0x10, v2  }
0x2c0: {  	v15 =	vadd.s32 v18, v15;
	v18 =	vadd.s32 v22, v23;
	v22 =	vmax.f32 v27, v13  }
0x2c1: {  	v12 =	vadd.s32 v20, v17;
	[tilespmem:v21+s16+$0x0] =	vst.idx.msk vm3, v8;
	v21 =	vadd.s32 $0x10, v8;
	vm3 =	vgt.f32 v27, v11  }
0x2c2: {  	v20 =	vadd.s32 v19, v18;
	v22 =	vmax.f32 v28, v22;
	[tilespmem:v25+s16+$0x0] =	vst.idx.msk vm5, v21;
	v21 =	vadd.s32 $0x20, v8  }
0x2c3: {  	s21 =	simm.s32 $0x200;
	v18 =	vsel vm3, $0x10, v2;
	[tilespmem:v29+s16+$0x0] =	vst.idx.msk vm4, v21;
	vm4 =	vlt.s32 v15, v5;
	v21 =	vadd.s32 v30, v26  }
.LBB2_84:
0x2c4: {  	p0 =	sne.s32 s21, $0x1FE00;
	vm5 =	vlt.s32 v16, v5;
	vm6 =	vlt.s32 v20, v5;
	v17 =	vadd.s32 v17, v16;
	s23 =	smov.u32 s21;
	s21 =	sadd.s32 $0x200, s21  }
0x2c5: {  	v21 =	vadd.s32 v12, v21;
	v14 =	vmax.f32 v14, v22;
	v16 =	vsel vm5, v16, v5  }
0x2c6: {  	v22 =	vsel vm4, v15, v5;
	v17 =	vadd.s32 v19, v17;
	v9 =	vmax.f32 v9, v14  }
0x2c7: {  	v14 =	vsel vm6, v20, v5;
	vm4 =	vlt.s32 v21, v5;
	v17 =	vadd.s32 v18, v17  }
0x2c8: {  	vm5 =	vgt.f32 v13, v11;
	v11 =	vsel vm4, v21, v5;
	vm4 =	vlt.s32 v17, v5  }
0x2c9: {  	v13 =	vadd.s32 $0x30, v8;
	v17 =	vsel vm4, v17, v5  }
0x2ca: {  	[tilespmem:v16+s16+$0x0] =	vst.idx.msk vm0, v13;
	v13 =	vadd.s32 $0x40, v8  }
0x2cb: {  	[tilespmem:v22+s16+$0x0] =	vst.idx.msk vm2, v13;
	v13 =	vadd.s32 $0x50, v8  }
0x2cc: {  	[tilespmem:v14+s16+$0x0] =	vst.idx.msk vm1, v13;
	v13 =	vadd.s32 $0x60, v8;
	v14 =	vadd.s32 v18, v15  }
0x2cd: {  	v15 =	vsel vm5, $0x10, v2;
	[tilespmem:v11+s16+$0x0] =	vst.idx.msk vm3, v13;
	v11 =	vadd.s32 $0x70, v8;
	v12 =	vadd.s32 v12, v14;
	v8 =	vmovc v10  }
0x2ce: {  	s23 =	sshra.s32 s23, $0x2;
	[tilespmem:v17+s16+$0x0] =	vst.idx.msk vm5, v11;
	v15 =	vadd.s32 v15, v12  }
0x2cf: {  	v12 =	vld [tilespmem:s23+$0x80A0]  }
0x2d0: {  	v13 =	vld [tilespmem:s23+$0x8080]  }
0x2d1: {  	v14 =	vld [tilespmem:s23+$0x8090]  }
0x2d2: {  	v11 =	vadd.f32 $-1.000000000e+00, v9;
	v16 =	vld [tilespmem:s23+$0x80B0];
	_ =	sdelay $0x1  }
0x2d3: {  	v10 =	vadd.s32 $0x80, v10;
	vm4 =	vgt.f32 v12, v11  }
0x2d4: {  	vm0 =	vlt.s32 v15, v5;
	v17 =	vld [tilespmem:s23+$0x80D0];
	vm3 =	vgt.f32 v13, v11;
	v18 =	vsel vm4, $0x10, v2  }
0x2d5: {  	v21 =	vsel vm0, v15, v5;
	v19 =	vld [tilespmem:s23+$0x80C0];
	vm5 =	vgt.f32 v14, v11;
	v20 =	vsel vm3, $0x10, v2  }
0x2d6: {  	v14 =	vmax.f32 v13, v14;
	v22 =	vsel vm5, $0x10, v2;
	v23 =	vadd.s32 v15, v20  }
0x2d7: {  	vm0 =	vgt.f32 v16, v11;
	v24 =	vadd.s32 v20, v22;
	vm1 =	vlt.s32 v23, v5  }
0x2d8: {  	v12 =	vmax.f32 v12, v16;
	v22 =	vadd.s32 v22, v18;
	v25 =	vsel vm1, v23, v5  }
0x2d9: {  	v14 =	vmax.f32 v14, v12;
	v26 =	vadd.s32 v15, v24;
	v13 =	vld [tilespmem:s23+$0x80F0];
	vm1 =	vgt.f32 v17, v11  }
0x2da: {  	v12 =	vadd.s32 v20, v22;
	vm6 =	vlt.s32 v26, v5;
	v27 =	vld [tilespmem:s23+$0x80E0];
	v28 =	vmax.f32 v19, v17  }
0x2db: {  	v16 =	vadd.s32 v15, v12;
	vm2 =	vgt.f32 v19, v11;
	v17 =	vsel vm1, $0x10, v2  }
0x2dc: {  	v19 =	vsel vm0, $0x10, v2;
	v29 =	vsel vm6, v26, v5;
	v20 =	vsel vm2, $0x10, v2  }
.Ltmp59:
0x2dd: {  	v30 =	vadd.s32 v18, v19;
	v18 =	vadd.s32 $0x10, v8;
	v12 =	vadd.s32 v20, v17;
	[tilespmem:v21+s16+$0x0] =	vst.idx.msk vm3, v8;
	(pc) =	sbr.rel @p0 .LBB2_84-.Ltmp59, $4  }
0x2de: {  	v19 =	vadd.s32 v19, v20;
	v20 =	vadd.s32 v24, v30;
	v21 =	vadd.s32 $0x20, v8;
	[tilespmem:v25+s16+$0x0] =	vst.idx.msk vm5, v18  }
0x2df: {  	v15 =	vadd.s32 v15, v20;
	v18 =	vadd.s32 v22, v23;
	v22 =	vmax.f32 v27, v13  }
0x2e0: {  	vm3 =	vgt.f32 v27, v11;
	v20 =	vadd.s32 v19, v18;
	v22 =	vmax.f32 v28, v22  }
0x2e1: {  	v18 =	vsel vm3, $0x10, v2;
	[tilespmem:v29+s16+$0x0] =	vst.idx.msk vm4, v21;
	vm4 =	vlt.s32 v15, v5;
	v21 =	vadd.s32 v30, v26  }
0x2e2: {  	vm5 =	vgt.f32 v13, v11;
	v10 =	vadd.s32 v18, v15  }
0x2e3: {  	v11 =	vsel vm5, $0x10, v2;
	v10 =	vadd.s32 v12, v10  }
0x2e4: {  	v10 =	vadd.s32 v11, v10  }
0x2e5: {  	v6 =	vadd.s32 v6, v10  }
0x2e6: {  	v10 =	vmax.f32 v14, v22;
	v6 =	vshrl.u32 v6, $0x4  }
0x2e7: {  	v9 =	vmax.f32 v9, v10;
	v10 =	vmin.u32 v6, $0x3E8  }
0x2e8: {  	(xrf0) =	vmax.scan.msk.f32 $0xffff, v9;
	v9 =	vor.u32 $0x80000000, v10  }
0x2e9: {  	(xrf0) =	vmax.scan.msk.u32 $0xffff, v9;
	_ =	sdelay $0x4  }
0x2ea: {  	v9, _, _ =	vpop (xrf0)  }
0x2eb: {  	v10, _, _ =	vpop (xrf0)  }
0x2ec: {  	(v2sf) =	vpush v10, $0xF;
	_ =	sdelay $0x6  }
0x2ed: {  	vm6 =	vlt.s32 v16, v5  }
0x2ee: {  	vm13 =	vlt.s32 v20, v5;
	v11 =	vadd.s32 v17, v16;
	v10 =	vsel vm6, v16, v5  }
0x2ef: {  	v60 =	vadd.s32 v12, v21;
	v61 =	vsel vm4, v15, v5;
	v11 =	vadd.s32 v19, v11  }
0x2f0: {  	v62 =	vsel vm13, v20, v5;
	vm14 =	vlt.s32 v60, v5;
	v11 =	vadd.s32 v18, v11  }
0x2f1: {  	v12 =	vsel vm14, v60, v5;
	vm15 =	vlt.s32 v11, v5  }
0x2f2: {  	v63 =	vadd.s32 $0x30, v8;
	v5 =	vsel vm15, v11, v5  }
.Ltmp60:
0x2f3: {  	[tilespmem:v10+s16+$0x0] =	vst.idx.msk vm0, v63;
	v10 =	vadd.s32 $0x40, v8;
	(pc) =	sbr.rel .LBB2_86-.Ltmp60, $4  }
0x2f4: {  	[tilespmem:v61+s16+$0x0] =	vst.idx.msk vm2, v10;
	v10 =	vadd.s32 $0x50, v8  }
0x2f5: {  	[tilespmem:v62+s16+$0x0] =	vst.idx.msk vm1, v10;
	v10 =	vadd.s32 $0x60, v8;
	s21 =	spop (v2sf)  }
0x2f6: {  	v8 =	vadd.s32 $0x70, v8;
	[tilespmem:v12+s16+$0x0] =	vst.idx.msk vm3, v10;
	s21 =	sxor.u32 $0x80000000, s21  }
0x2f7: {  	s25 =	simm.f32 $-1.000000000e+00;
	s24 =	simm.s32 $0x0;
	[tilespmem:v5+s16+$0x0] =	vst.idx.msk vm5, v8;
	v5 =	vbroadcast v9, $0xF;
	p0 =	slt.s32 s21, $0x1  }
.LBB2_87:
0x2f8: {  	v8 =	vimm.f32 $0.0e+00;
	v10 =	vimm.f32 $0.0e+00  }
.LBB2_97:
0x2f9: {  	(xrf2) =	vadd.scan.msk.f32 $0xffff, v8  }
0x2fa: {  	(xrf2) =	vadd.scan.msk.f32 $0xffff, v10;
	_ =	sdelay $0x8  }
0x2fb: {  	v8, _, _ =	vpop (xrf2)  }
0x2fc: {  	v10, _, _ =	vpop (xrf2)  }
0x2fd: {  	v10 =	vbroadcast v10, $0xF;
	_ =	sdelay $0x1  }
0x2fe: {  	(erf) = vrcp.f32 v10;
	_ =	sdelay $0x7  }
0x2ff: {  	(v2sf) =	vpush v8, $0xF  }
0x300: {  	v8 =	vpop (erf)  }
0x301: {  	(v2sf) =	vpush v8, $0x0;
	_ =	sdelay $0xc  }
0x302: {  	s25 =	spop (v2sf)  }
0x303: {  	s25 =	sadd.f32 $-1.000000000e+00, s25  }
0x304: {  	s26 =	spop (v2sf)  }
0x305: {  	s25 =	smul.f32 s26, s25;
	_ =	sdelay $0x1  }
0x306: {  	p1 =	sgt.f32 s25, s23;
	_ =	sdelay $0x1  }
0x307: {  	p2 =	slt.u32 @p1 s24, $0x3F  }
0x308: {  	p1 =	por !p1, !p2  }
.Ltmp61:
0x309: {  	_ = 	snop;
	(pc) =	sbr.rel @p1 .LBB2_98-.Ltmp61, $2  }
0x30a: {  	_ =	sdelay $0x2  }
0x30b: {  	s24 =	sadd.s32 $0x1, s24  }
.LBB2_86:
.Ltmp62:
0x30c: {  	(pc) =	sbr.rel @p0 .LBB2_87-.Ltmp62, $2  }
0x30d: {  	_ =	sdelay $0x2  }
0x30e: {  	s23 =	smov.u32 s25  }
0x30f: {  	v13 =	vor.u32 $0x3E80, v1;
	p3 =	sne.s32 s21, $0x1  }
.Ltmp63:
0x310: {  	_ = 	snop;
	(pc) =	sbr.rel @!p3 .LBB2_89-.Ltmp63, $3  }
0x311: {  	_ =	sdelay $0x1  }
0x312: {  	v8 =	vmov s23;
	v12 =	vimm.s32 $0x0  }
0x313: {  	v10 =	vimm.f32 $0.0e+00;
	s25 =	sadd.s32 $0xFFFFFFFF, s21;
	p1 =	por $0x0, $0x0;
	p2 =	por $0x0, $0x0;
	vm0 =	vlt.s32 v12, v6;
	v11 =	vld.idx.msk [tilespmem:v13+s16+$0x0], $0xffff;
	v13 =	vadd.s32 $0x10, v13  }
0x314: {  	_ =	sdelay $0x3  }
0x315: {  	p3 =	sne.s32 s25, $0x1;
	v15 =	vnsel vm0, $0x8000, v11  }
.Ltmp64:
0x316: {  	_ = 	snop;
	(pc) =	sbr.rel @!p3 .LBB2_91-.Ltmp64, $3  }
0x317: {  	_ =	sdelay $0x1  }
0x318: {  	v14 =	vadd.s32 $0x1, v12;
	v11 =	vld.idx.msk [tilespmem:v13+s16+$0x0], $0xffff  }
0x319: {  	s25 =	sadd.s32 $0xFFFFFFFF, s25;
	v12 =	vadd.s32 $0x10, v13;
	p1 =	por $0x1, $0x1;
	vm0 =	vlt.s32 v14, v6;
	v18 =	vld.idx.msk [tilespmem:v15+s14+$0x0], $0xffff  }
0x31a: {  	_ =	sdelay $0x2  }
0x31b: {  	p3 =	sne.s32 s25, $0x1;
	v13 =	vnsel vm0, $0x8000, v11  }
.Ltmp65:
0x31c: {  	v17 =	vadd.s32 $0x10, v12;
	v11 =	vld.idx.msk [tilespmem:v12+s16+$0x0], $0xffff;
	(pc) =	sbr.rel @!p3 .LBB2_93-.Ltmp65, $4  }
0x31d: {  	_ = 	snop  }
0x31e: {  	v15 =	vadd.s32 $0x1, v14  }
0x31f: {  	vm0 =	vlt.s32 v15, v6  }
0x320: {  	s25 =	sadd.s32 $0xFFFFFFFF, s25;
	p2 =	por $0x1, $0x1;
	v12 =	vimm.f32 $0.0e+00;
	v14 =	vsub.f32 v18, v5;
	v16 =	vld.idx.msk [tilespmem:v13+s14+$0x0], $0xffff;
	v13 =	vimm.f32 $0.0e+00  }
.LBB2_94:
0x321: {  	p3 =	sne.s32 s25, $0x1;
	s25 =	sadd.s32 $0xFFFFFFFF, s25;
	v18 =	vnsel vm0, $0x8000, v11;
	v11 =	vld.idx.msk [tilespmem:v17+s16+$0x0], $0xffff  }
.Ltmp66:
0x322: {  	v17 =	vadd.s32 $0x10, v17;
	vm0 =	vgt.f32 v14, v8;
	(pc) =	sbr.rel @p3 .LBB2_94-.Ltmp66, $4  }
0x323: {  	v14 =	vnsel vm0, $0x0, v14;
	v19 =	vsel vm0, $0x3F800000, v0  }
0x324: {  	v12 =	vadd.f32 v14, v12;
	v13 =	vadd.f32 v19, v13  }
0x325: {  	v15 =	vadd.s32 $0x1, v15  }
0x326: {  	vm0 =	vlt.s32 v15, v6;
	v14 =	vsub.f32 v16, v5;
	v16 =	vld.idx.msk [tilespmem:v18+s14+$0x0], $0xffff  }
0x327: {  	_ =	sdelay $0x3  }
0x328: {  	v18 =	vmov v16  }
.LBB2_96:
0x329: {  	v11 =	vnsel vm0, $0x8000, v11;
	_ =	sdelay $0x4  }
0x32a: {  	v11 =	vld.idx.msk [tilespmem:v11+s14+$0x0], $0xffff  }
0x32b: {  	vm0 =	vgt.f32 @p2 v14, v8;
	v15 =	vsub.f32 @p1 v18, v5  }
0x32c: {  	v14 =	vnsel @p2 vm0, $0x0, v14  }
0x32d: {  	v16 =	vsel @p2 vm0, $0x3F800000, v0;
	v12 =	vadd.f32 @p2 v14, v12;
	v14 =	vpsel p1, v15, v0  }
0x32e: {  	v13 =	vadd.f32 @p2 v16, v13;
	vm0 =	vgt.f32 @p1 v14, v8  }
0x32f: {  	v12 =	vpsel p2, v12, v10;
	v14 =	vnsel @p1 vm0, $0x0, v14;
	v11 =	vsub.f32 v11, v5  }
.Ltmp67:
0x330: {  	v13 =	vpsel p2, v13, v10;
	v15 =	vsel @p1 vm0, $0x3F800000, v0;
	v12 =	vadd.f32 @p1 v14, v12;
	(pc) =	sbr.rel .LBB2_97-.Ltmp67, $4  }
0x331: {  	v13 =	vadd.f32 @p1 v15, v13;
	vm15 =	vgt.f32 v11, v8  }
0x332: {  	v12 =	vpsel p1, v12, v10;
	v8 =	vnsel vm15, $0x0, v11  }
0x333: {  	v10 =	vpsel p1, v13, v10;
	v11 =	vsel vm15, $0x3F800000, v0;
	v8 =	vadd.f32 v8, v12  }
0x334: {  	v10 =	vadd.f32 v11, v10  }
.LBB2_89:
.Ltmp68:
0x335: {  	(pc) =	sbr.rel .LBB2_96-.Ltmp68, $2  }
0x336: {  	_ =	sdelay $0x2  }
0x337: {  	v12 =	vimm.f32 $0.0e+00;
	v13 =	vimm.f32 $0.0e+00  }
.LBB2_91:
.Ltmp69:
0x338: {  	(pc) =	sbr.rel .LBB2_96-.Ltmp69, $2  }
0x339: {  	_ =	sdelay $0x2  }
0x33a: {  	v12 =	vimm.f32 $0.0e+00;
	v13 =	vimm.f32 $0.0e+00  }
.LBB2_93:
.Ltmp70:
0x33b: {  	_ = 	snop;
	(pc) =	sbr.rel .LBB2_96-.Ltmp70, $2  }
0x33c: {  	_ =	sdelay $0x2  }
0x33d: {  	v12 =	vimm.f32 $0.0e+00;
	v13 =	vimm.f32 $0.0e+00;
	v18 =	vmov v16  }
.LBB2_98:
0x33e: {  	(v2sf) =	vpush v9, $0xF;
	_ =	sdelay $0xc  }
0x33f: {  	p1 =	sgt.s32 s22, $0x0  }
.Ltmp71:
0x340: {  	_ = 	snop;
	(pc) =	sbr.rel @!p1 .LBB2_101-.Ltmp71, $4  }
0x341: {  	s24 =	spop (v2sf)  }
0x342: {  	_ =	swait.ge [sflag:s19], $0x8000  }
0x343: {  	[sflag:s19] =	ssyncset.done $0x0  }
0x344: {  	[sflag:s19] =	ssyncadd.s32 $0xFFFF8000  }
0x345: {  	v9 =	vlaneseq.u32;
	p2 =	seq.s32 s22, $0x1  }
.Ltmp72:
0x346: {  	_ = 	snop;
	(pc) =	sbr.rel @p2 .LBB2_100-.Ltmp72, $2  }
0x347: {  	_ =	sdelay $0x2  }
0x348: {  	v5 =	vimm.s32 $0x0;
	s22 =	sadd.s32 $0xFFFFFFFF, s22;
	p1 =	por $0x0, $0x0;
	v8 =	vld.idx.msk [tilespmem:v9+s16+$0x0], $0xffff  }
0x349: {  	_ =	sdelay $0x2  }
0x34a: {  	vm0 =	vlt.s32 v5, v7  }
0x34b: {  	v8 =	vnsel vm0, $0x8000, v8  }
0x34c: {  	v9 =	vadd.s32 $0x10, v9;
	p2 =	seq.s32 s22, $0x1  }
.Ltmp73:
0x34d: {  	_ = 	snop;
	(pc) =	sbr.rel @p2 .LBB2_105-.Ltmp73, $3  }
0x34e: {  	_ =	sdelay $0x1  }
0x34f: {  	[tilespmem:v8+s17+$0x0] =	vst.idx.msk $0xffff, v0  }
0x350: {  	s22 =	sadd.s32 $0xFFFFFFFF, s22;
	p1 =	por $0x1, $0x1;
	v10 =	vimm.s32 $0x0;
	v8 =	vld.idx.msk [tilespmem:v9+s16+$0x0], $0xffff  }
.LBB2_106:
0x351: {  	p2 =	seq.s32 s22, $0x1;
	_ =	sdelay $0x2  }
0x352: {  	v10 =	vadd.s32 $0x1, v10  }
0x353: {  	vm0 =	vlt.s32 v10, v7  }
0x354: {  	v8 =	vnsel vm0, $0x8000, v8  }
0x355: {  	v9 =	vadd.s32 $0x10, v9  }
.Ltmp74:
0x356: {  	(pc) =	sbr.rel @!p2 .LBB2_106-.Ltmp74, $3  }
0x357: {  	_ =	sdelay $0x1  }
0x358: {  	[tilespmem:v8+s17+$0x0] =	vst.idx.msk $0xffff, v0  }
0x359: {  	s22 =	sadd.s32 $0xFFFFFFFF, s22;
	v8 =	vld.idx.msk [tilespmem:v9+s16+$0x0], $0xffff  }
.LBB2_107:
0x35a: {  	_ = 	snop  }
0x35b: {  	v9 =	vadd.s32 @p1 $0x1, v10  }
0x35c: {  	v5 =	vpsel p1, v9, v5  }
0x35d: {  	vm0 =	vlt.s32 v5, v7  }
0x35e: {  	v5 =	vnsel vm0, $0x8000, v8;
	_ =	sdelay $0x4  }
0x35f: {  	[tilespmem:v5+s17+$0x0] =	vst.idx.msk $0xffff, v0  }
.LBB2_101:
.Ltmp75:
0x360: {  	(pc) =	sbr.rel @p0 .LBB2_112-.Ltmp75, $1  }
0x361: {  	_ =	sdelay $0x3  }
0x362: {  	v8 =	vor.u32 $0x3E80, v1  }
0x363: {  	p1 =	sne.s32 s21, $0x1  }
.Ltmp76:
0x364: {  	_ = 	snop;
	(pc) =	sbr.rel @!p1 .LBB2_103-.Ltmp76, $4  }
0x365: {  	s22 =	smax.f32 s23, s25  }
0x366: {  	s22 =	sadd.f32 s22, s24  }
0x367: {  	v10 =	vld.idx.msk [tilespmem:v8+s16+$0x0], $0xffff  }
0x368: {  	v7 =	vimm.s32 $0x0;
	s21 =	sadd.s32 $0xFFFFFFFF, s21;
	p0 =	por $0x0, $0x0;
	v5 =	vmov s22  }
0x369: {  	_ =	sdelay $0x1  }
0x36a: {  	vm0 =	vlt.s32 v7, v6  }
0x36b: {  	v9 =	vnsel vm0, $0x8000, v10;
	_ =	sdelay $0x4  }
0x36c: {  	v10 =	vld.idx.msk [tilespmem:v9+s14+$0x0], $0xffff;
	_ =	sdelay $0x3  }
0x36d: {  	v8 =	vadd.s32 $0x10, v8  }
0x36e: {  	p1 =	sne.s32 s21, $0x1;
	v10 =	vsub.f32 v10, v5  }
.Ltmp77:
0x36f: {  	_ = 	snop;
	(pc) =	sbr.rel @!p1 .LBB2_109-.Ltmp77, $4  }
0x370: {  	v10 =	vmax.f32 v10, $0.0e+00  }
0x371: {  	[tilespmem:v9+s17+$0x0] =	vst.idx.msk $0xffff, v10  }
0x372: {  	v10 =	vld.idx.msk [tilespmem:v8+s16+$0x0], $0xffff  }
0x373: {  	s21 =	sadd.s32 $0xFFFFFFFF, s21;
	p0 =	por $0x1, $0x1;
	v9 =	vimm.s32 $0x0  }
.LBB2_110:
0x374: {  	p1 =	sne.s32 s21, $0x1;
	_ =	sdelay $0x2  }
0x375: {  	v9 =	vadd.s32 $0x1, v9  }
0x376: {  	vm0 =	vlt.s32 v9, v6  }
0x377: {  	v10 =	vnsel vm0, $0x8000, v10;
	_ =	sdelay $0x4  }
0x378: {  	v11 =	vld.idx.msk [tilespmem:v10+s14+$0x0], $0xffff;
	_ =	sdelay $0x4  }
0x379: {  	v8 =	vadd.s32 $0x10, v8  }
.Ltmp78:
0x37a: {  	v11 =	vsub.f32 v11, v5;
	(pc) =	sbr.rel @p1 .LBB2_110-.Ltmp78, $4  }
0x37b: {  	_ = 	snop  }
0x37c: {  	v11 =	vmax.f32 v11, $0.0e+00  }
0x37d: {  	[tilespmem:v10+s17+$0x0] =	vst.idx.msk $0xffff, v11  }
0x37e: {  	s21 =	sadd.s32 $0xFFFFFFFF, s21;
	v10 =	vld.idx.msk [tilespmem:v8+s16+$0x0], $0xffff  }
.Ltmp79:
0x37f: {  	_ = 	snop;
	(pc) =	sbr.rel .LBB2_111-.Ltmp79, $1  }
0x380: {  	_ =	sdelay $0x3  }
.LBB2_20:
.Ltmp80:
0x381: {  	(pc) =	sbr.rel .LBB2_24-.Ltmp80, $2  }
0x382: {  	_ =	sdelay $0x2  }
0x383: {  	v9 =	vimm.s32 $0x0  }
.LBB2_42:
.Ltmp81:
0x384: {  	(pc) =	sbr.rel .LBB2_49-.Ltmp81, $2  }
0x385: {  	_ =	sdelay $0x2  }
0x386: {  	v12 =	vimm.s32 $0x0  }
.LBB2_45:
.Ltmp82:
0x387: {  	(pc) =	sbr.rel .LBB2_53-.Ltmp82, $2  }
0x388: {  	_ =	sdelay $0x2  }
0x389: {  	v12 =	vimm.s32 $0x0  }
.LBB2_74:
.Ltmp83:
0x38a: {  	(pc) =	sbr.rel .LBB2_78-.Ltmp83, $2  }
0x38b: {  	_ =	sdelay $0x2  }
0x38c: {  	v12 =	vimm.s32 $0x0  }
.LBB2_72:
.Ltmp84:
0x38d: {  	(pc) =	sbr.rel .LBB2_82-.Ltmp84, $2  }
0x38e: {  	_ =	sdelay $0x2  }
0x38f: {  	v11 =	vimm.s32 $0x0  }
.LBB2_100:
.Ltmp85:
0x390: {  	(pc) =	sbr.rel .LBB2_107-.Ltmp85, $2  }
0x391: {  	_ =	sdelay $0x2  }
0x392: {  	v10 =	vimm.s32 $0x0  }
.LBB2_22:
.Ltmp86:
0x393: {  	(pc) =	sbr.rel .LBB2_24-.Ltmp86, $2  }
0x394: {  	_ =	sdelay $0x2  }
0x395: {  	v9 =	vimm.s32 $0x0  }
.LBB2_47:
.Ltmp87:
0x396: {  	(pc) =	sbr.rel .LBB2_49-.Ltmp87, $2  }
0x397: {  	_ =	sdelay $0x2  }
0x398: {  	v12 =	vimm.s32 $0x0  }
.LBB2_51:
.Ltmp88:
0x399: {  	(pc) =	sbr.rel .LBB2_53-.Ltmp88, $2  }
0x39a: {  	_ =	sdelay $0x2  }
0x39b: {  	v12 =	vimm.s32 $0x0  }
.LBB2_76:
.Ltmp89:
0x39c: {  	(pc) =	sbr.rel .LBB2_78-.Ltmp89, $2  }
0x39d: {  	_ =	sdelay $0x2  }
0x39e: {  	v12 =	vimm.s32 $0x0  }
.LBB2_80:
.Ltmp90:
0x39f: {  	(pc) =	sbr.rel .LBB2_82-.Ltmp90, $2  }
0x3a0: {  	_ =	sdelay $0x2  }
0x3a1: {  	v11 =	vimm.s32 $0x0  }
.LBB2_105:
.Ltmp91:
0x3a2: {  	(pc) =	sbr.rel .LBB2_107-.Ltmp91, $2  }
0x3a3: {  	_ =	sdelay $0x2  }
0x3a4: {  	v10 =	vimm.s32 $0x0  }
.LBB2_109:
.Ltmp92:
0x3a5: {  	(pc) =	sbr.rel .LBB2_111-.Ltmp92, $2  }
0x3a6: {  	_ =	sdelay $0x2  }
0x3a7: {  	v9 =	vimm.s32 $0x0  }
.LBB2_113:
0x3a8: {  	_ =	sfence.sel $0x180000  }
0x3a9: {  	[bflag:$0x0] =	sbarrier.arrive $0xFFFF  }
0x3aa: {  	p0 =	sne.s32 s1, $0x0;
	_ =	strace $0x90000047  }
0x3ab: {  	s0 =	sadd.s32 @!p0 $0x100000, s0;
	[bflag:$0x2] =	sbarrier.arrive $0xFFFF  }
0x3ac: {  	[sflag:s0] =	ssyncadd.tile.s32 @!p0 $0x1;
	_ =	shalt  }
.Lfunc_end2:
_tile_overlayer_lowered:
.L_overlay_start_2:
0x3ad: {  	(tag) =	ssettag $0x2  }
0x3ae: {  	s0 =	rddreg [dreg:$0x0];
	s2 =	stileid.u32  }
0x3af: {  	s1 =	rddreg [dreg:$0x1];
	p0 =	sne.s32 s2, $0x0  }
0x3b0: {  	s3 =	rddreg [dreg:$0x2];
	[bflag:$0x3] =	sbarrier.arrive $0xFFFF;
	s2 =	simm.s32 @!p0 $0x1C04  }
0x3b1: {  	[timem:s3], [sflag:s2] =	dma.local @!p0 [hbm:s0], s1  }
0x3b2: {  	s0 =	simm.s32 @!p0 $0x4  }
0x3b3: {  	_ =	swait.ge @!p0 [sflag:s0], s1  }
0x3b4: {  	s1 =	ssub.s32 @!p0 $0x0, s1;
	[sflag:s0] =	ssyncset.done @!p0 $0x0  }
0x3b5: {  	[sflag:s0] =	ssyncadd.s32 @!p0 s1  }
0x3b6: {  	[bflag:$0x3] =	sbarrier.arrive $0xFFFF  }
0x3b7: {  	_ =	shalt  }

</sc_bundles>
